<compile_context>
chip_gen: v7x
topology: tpu7x:2x2x1
jax: 0.10.2.dev20260603
libtpu: 0.0.44.dev20260713+nightly
codegen_flags: <defaults>
</compile_context>

<pallas_src>
import functools

import jax
import jax.numpy as jnp
from jax import lax
from jax.experimental import pallas as pl
from jax.experimental.pallas import tpu as pltpu
from jax.experimental.pallas import tpu_sc as plsc

N = 10000
D = 128
E = 320000

NC = 2
NS = 16
NW = NC * NS
LANES = 16

EPW = E // NW
RPT = 624

_mesh = plsc.VectorSubcoreMesh(core_axis_name="c", subcore_axis_name="s")



@functools.partial(
    pl.kernel,
    mesh=_mesh,
    out_type=jax.ShapeDtypeStruct((NW * N,), jnp.float32),
    compiler_params=pltpu.CompilerParams(needs_layout_passes=False),
    scratch_types=[
        pltpu.VMEM((EPW,), jnp.int32),
        pltpu.VMEM((N,), jnp.float32),
    ],
)
def _sc_degree(dst_hbm, out_hbm, didx, cnt):
    c = lax.axis_index("c")
    s = lax.axis_index("s")
    wid = s * NC + c

    pltpu.sync_copy(dst_hbm.at[pl.ds(wid * EPW, EPW)], didx)

    zero16 = jnp.zeros((LANES,), jnp.float32)
    one16 = jnp.ones((LANES,), jnp.float32)

    def zfill(i, _):
        cnt[pl.ds(i * LANES, LANES)] = zero16
        return 0
    lax.fori_loop(0, N // LANES, zfill, 0)

    def count(j, _):
        idx = didx[pl.ds(j * LANES, LANES)]
        plsc.addupdate_scatter(cnt, [idx], one16)
        return 0
    lax.fori_loop(0, EPW // LANES, count, 0)

    pltpu.sync_copy(cnt, out_hbm.at[pl.ds(wid * N, N)])


KA = 40
NBA = 6
NCHA = EPW // KA
NITA = NCHA // NBA
TAIL = NCHA - NITA * NBA


@functools.partial(
    pl.kernel,
    mesh=_mesh,
    out_type=jax.ShapeDtypeStruct((NC * N, D), jnp.float32),
    scratch_types=[
        [pltpu.VMEM((KA,), jnp.int32)] * NBA,
        [pltpu.VMEM((KA,), jnp.int32)] * NBA,
        [pltpu.VMEM((KA, D), jnp.float32)] * NBA,
        pltpu.VMEM_SHARED((N, D), jnp.float32),
        [pltpu.SemaphoreType.DMA] * NBA,
        [pltpu.SemaphoreType.DMA] * NBA,
        [pltpu.SemaphoreType.DMA] * NBA,
    ],
)
def _sc_aggregate(xs_hbm, src_hbm, dst_hbm, zeros_hbm, out_hbm,
                  sidx, didx, rows, acc, isem, gsem, ssem):
    c = lax.axis_index("c")
    s = lax.axis_index("s")
    wid = s * NC + c

    rbase = s * RPT
    pltpu.sync_copy(zeros_hbm.at[pl.ds(0, RPT)],
                    acc.at[pl.ds(rbase, RPT)])

    @pl.when(s == NS - 1)
    def _ztail():
        pltpu.sync_copy(zeros_hbm.at[pl.ds(0, 16)], acc.at[pl.ds(N - 16, 16)])

    plsc.subcore_barrier()

    ebase = wid * EPW

    def icopy(i, b):
        eb = ebase + i * KA
        pltpu.async_copy(src_hbm.at[pl.ds(eb, KA)], sidx[b], isem[b])
        pltpu.async_copy(dst_hbm.at[pl.ds(eb, KA)], didx[b], isem[b])

    def iwait(b):
        pltpu.make_async_copy(src_hbm.at[pl.ds(0, KA)], sidx[b],
                              isem[b]).wait()
        pltpu.make_async_copy(dst_hbm.at[pl.ds(0, KA)], didx[b],
                              isem[b]).wait()

    def gather(b):
        pltpu.async_copy(xs_hbm.at[sidx[b]], rows[b], gsem[b])

    def gwait(b):
        pltpu.make_async_copy(xs_hbm.at[sidx[b]], rows[b], gsem[b]).wait()

    def scatter(b):
        pltpu.async_copy(rows[b], acc.at[didx[b]], ssem[b], add=True)

    def swait(b):
        pltpu.make_async_copy(rows[b], acc.at[didx[b]], ssem[b]).wait()

    for b in range(NBA):
        icopy(b, b)

    def step(g, _):
        for b in range(NBA):
            iwait(b)
            gather(b)
        for b in range(NBA):
            gwait(b)
            scatter(b)

        @pl.when(g < NITA - 1)
        def _prefetch():
            for b in range(NBA):
                swait(b)
                icopy(g * NBA + NBA + b, b)
        return 0
    lax.fori_loop(0, NITA, step, 0)

    for b in range(TAIL):
        swait(b)
        icopy(NITA * NBA + b, b)
    for b in range(TAIL):
        iwait(b)
        gather(b)
    for b in range(TAIL):
        gwait(b)
        scatter(b)
    for b in range(NBA):
        swait(b)

    plsc.subcore_barrier()
    pltpu.sync_copy(acc.at[pl.ds(rbase, RPT)],
                    out_hbm.at[pl.ds(c * N + rbase, RPT)])

    @pl.when(s == NS - 1)
    def _otail():
        pltpu.sync_copy(acc.at[pl.ds(N - 16, 16)],
                        out_hbm.at[pl.ds(c * N + N - 16, 16)])



_RB = 1000
_HIGH = lax.Precision.HIGHEST


def _prep_body(x_ref, w_ref, deg_ref, xs_ref, self_ref, dis_ref, inv_ref):
    deg = deg_ref[...]
    dis = lax.rsqrt(deg)
    inv = 1.0 / deg
    xw = jnp.dot(x_ref[...], w_ref[...], precision=_HIGH)
    xs_ref[...] = xw * dis
    self_ref[...] = xw * inv
    dis_ref[...] = dis
    inv_ref[...] = inv


def _tc_prep(x, w1, deg):
    grid = (N // _RB,)
    return pl.pallas_call(
        _prep_body,
        grid=grid,
        in_specs=[
            pl.BlockSpec((_RB, D), lambda i: (i, 0)),
            pl.BlockSpec((D, D), lambda i: (0, 0)),
            pl.BlockSpec((_RB, 1), lambda i: (i, 0)),
        ],
        out_specs=[
            pl.BlockSpec((_RB, D), lambda i: (i, 0)),
            pl.BlockSpec((_RB, D), lambda i: (i, 0)),
            pl.BlockSpec((_RB, 1), lambda i: (i, 0)),
            pl.BlockSpec((_RB, 1), lambda i: (i, 0)),
        ],
        out_shape=[
            jax.ShapeDtypeStruct((N, D), jnp.float32),
            jax.ShapeDtypeStruct((N, D), jnp.float32),
            jax.ShapeDtypeStruct((N, 1), jnp.float32),
            jax.ShapeDtypeStruct((N, 1), jnp.float32),
        ],
    )(x, w1, deg)


def _mid_body(q0_ref, q1_ref, self_ref, b_ref, w_ref, dis_ref, inv_ref,
              xs_ref, self2_ref):
    dis = dis_ref[...]
    inv = inv_ref[...]
    h = dis * (q0_ref[...] + q1_ref[...]) + self_ref[...] + b_ref[...]
    h = jnp.maximum(h, 0.0)
    xw = jnp.dot(h, w_ref[...], precision=_HIGH)
    xs_ref[...] = xw * dis
    self2_ref[...] = xw * inv


def _tc_mid(q0, q1, self1, b1, w2, dis, inv):
    grid = (N // _RB,)
    return pl.pallas_call(
        _mid_body,
        grid=grid,
        in_specs=[
            pl.BlockSpec((_RB, D), lambda i: (i, 0)),
            pl.BlockSpec((_RB, D), lambda i: (i, 0)),
            pl.BlockSpec((_RB, D), lambda i: (i, 0)),
            pl.BlockSpec((1, D), lambda i: (0, 0)),
            pl.BlockSpec((D, D), lambda i: (0, 0)),
            pl.BlockSpec((_RB, 1), lambda i: (i, 0)),
            pl.BlockSpec((_RB, 1), lambda i: (i, 0)),
        ],
        out_specs=[
            pl.BlockSpec((_RB, D), lambda i: (i, 0)),
            pl.BlockSpec((_RB, D), lambda i: (i, 0)),
        ],
        out_shape=[
            jax.ShapeDtypeStruct((N, D), jnp.float32),
            jax.ShapeDtypeStruct((N, D), jnp.float32),
        ],
    )(q0, q1, self1, b1, w2, dis, inv)


def _final_body(q0_ref, q1_ref, self_ref, b_ref, dis_ref, out_ref):
    out_ref[...] = (dis_ref[...] * (q0_ref[...] + q1_ref[...])
                    + self_ref[...] + b_ref[...])


def _tc_final(q0, q1, self2, b2, dis):
    grid = (N // _RB,)
    return pl.pallas_call(
        _final_body,
        grid=grid,
        in_specs=[
            pl.BlockSpec((_RB, D), lambda i: (i, 0)),
            pl.BlockSpec((_RB, D), lambda i: (i, 0)),
            pl.BlockSpec((_RB, D), lambda i: (i, 0)),
            pl.BlockSpec((1, D), lambda i: (0, 0)),
            pl.BlockSpec((_RB, 1), lambda i: (i, 0)),
        ],
        out_specs=pl.BlockSpec((_RB, D), lambda i: (i, 0)),
        out_shape=jax.ShapeDtypeStruct((N, D), jnp.float32),
    )(q0, q1, self2, b2, dis)



def kernel(x, edge_index, W1, b1, W2, b2):
    src = edge_index[0].astype(jnp.int32)
    dst = edge_index[1].astype(jnp.int32)
    b1r = b1.reshape(1, D)
    b2r = b2.reshape(1, D)
    zrows = jnp.zeros((RPT, D), jnp.float32)

    degp = _sc_degree(dst)
    deg = degp.reshape(NW, N).sum(0).reshape(N, 1) + 1.0

    xs1, self1, dis, inv = _tc_prep(x, W1, deg)

    a = _sc_aggregate(xs1, src, dst, zrows)
    xs2, self2 = _tc_mid(a[:N], a[N:], self1, b1r, W2, dis, inv)

    q = _sc_aggregate(xs2, src, dst, zrows)
    return _tc_final(q[:N], q[N:], self2, b2r, dis)

# --- scband reference (transcript-rebuilt; emitter-appended) ---
"""Pipeline reference for scband-simple-gcn-2284922601961 (READ-ONLY COPY).

The authoritative reference and input builder live on the scoring server;
editing this copy changes nothing except your own understanding.
"""

import jax, jax.numpy as jnp
import numpy as np

N_NODES = 10000
D_IN = 128
D_HID = 128
D_OUT = 128
N_EDGES = 320000


def gcn_conv(x, edge_index, W, b):
    # Faithful PyG GCNConv: add self-loops, symmetric normalization,
    # linear transform, scatter-add aggregation, bias.
    N = x.shape[0]
    src = edge_index[0]
    dst = edge_index[1]
    loop = jnp.arange(N, dtype=src.dtype)
    src = jnp.concatenate([src, loop])
    dst = jnp.concatenate([dst, loop])
    # linear transform first (PyG applies lin before propagate)
    xw = x @ W
    # degree over destination nodes (edge weights = 1)
    deg = jnp.zeros((N,), dtype=x.dtype).at[dst].add(1.0)
    deg_inv_sqrt = jnp.where(deg > 0, deg ** -0.5, 0.0)
    norm = deg_inv_sqrt[src] * deg_inv_sqrt[dst]
    msg = xw[src] * norm[:, None]
    out = jnp.zeros((N, xw.shape[1]), dtype=x.dtype).at[dst].add(msg)
    return out + b


def setup_inputs(seed: int = 0) -> dict:
    key = jax.random.key(seed)
    k1, k2, k3, k4, k5, k6 = jax.random.split(key, 6)
    x = jax.random.normal(k1, (N_NODES, D_IN), dtype=jnp.float32)
    edge_index = jax.random.randint(k2, (2, N_EDGES), 0, N_NODES, dtype=jnp.int64)
    # Glorot-style init like PyG GCNConv linear weights
    s1 = (6.0 / (D_IN + D_HID)) ** 0.5
    s2 = (6.0 / (D_HID + D_OUT)) ** 0.5
    W1 = jax.random.uniform(k3, (D_IN, D_HID), dtype=jnp.float32, minval=-s1, maxval=s1)
    b1 = jnp.zeros((D_HID,), dtype=jnp.float32)
    W2 = jax.random.uniform(k4, (D_HID, D_OUT), dtype=jnp.float32, minval=-s2, maxval=s2)
    b2 = jnp.zeros((D_OUT,), dtype=jnp.float32)
    return {"x": x, "edge_index": edge_index, "W1": W1, "b1": b1, "W2": W2, "b2": b2}


def reference(x, edge_index, W1, b1, W2, b2):
    h = jax.nn.relu(gcn_conv(x, edge_index, W1, b1))
    out = gcn_conv(h, edge_index, W2, b2)
    return out

if __name__ == "__main__":
    import jax
    _d = setup_inputs()
    print(jax.jit(kernel)(*tuple(_d.values())))

</pallas_src>

<mosaic_0001>
#map = affine_map<(d0, d1) -> (0, 0)>
#map1 = affine_map<(d0, d1) -> (0)>
module attributes {stable_mosaic.version = 14 : i64} {
  func.func @_sc_aggregate(%arg0: i32, %arg1: i32, %arg2: memref<10000x128xf32, #tpu.memory_space<hbm>>, %arg3: memref<320000xi32, #tpu.memory_space<hbm>>, %arg4: memref<320000xi32, #tpu.memory_space<hbm>>, %arg5: memref<624x128xf32, #tpu.memory_space<hbm>>, %arg6: memref<20000x128xf32, #tpu.memory_space<hbm>>, %arg7: memref<40xi32, #tpu.memory_space<vmem>>, %arg8: memref<40xi32, #tpu.memory_space<vmem>>, %arg9: memref<40xi32, #tpu.memory_space<vmem>>, %arg10: memref<40xi32, #tpu.memory_space<vmem>>, %arg11: memref<40xi32, #tpu.memory_space<vmem>>, %arg12: memref<40xi32, #tpu.memory_space<vmem>>, %arg13: memref<40xi32, #tpu.memory_space<vmem>>, %arg14: memref<40xi32, #tpu.memory_space<vmem>>, %arg15: memref<40xi32, #tpu.memory_space<vmem>>, %arg16: memref<40xi32, #tpu.memory_space<vmem>>, %arg17: memref<40xi32, #tpu.memory_space<vmem>>, %arg18: memref<40xi32, #tpu.memory_space<vmem>>, %arg19: memref<40x128xf32, #tpu.memory_space<vmem>>, %arg20: memref<40x128xf32, #tpu.memory_space<vmem>>, %arg21: memref<40x128xf32, #tpu.memory_space<vmem>>, %arg22: memref<40x128xf32, #tpu.memory_space<vmem>>, %arg23: memref<40x128xf32, #tpu.memory_space<vmem>>, %arg24: memref<40x128xf32, #tpu.memory_space<vmem>>, %arg25: memref<10000x128xf32, #tpu.memory_space<vmem_shared>>, %arg26: memref<!tpu.dma_semaphore, #tpu.memory_space<semaphore_mem>>, %arg27: memref<!tpu.dma_semaphore, #tpu.memory_space<semaphore_mem>>, %arg28: memref<!tpu.dma_semaphore, #tpu.memory_space<semaphore_mem>>, %arg29: memref<!tpu.dma_semaphore, #tpu.memory_space<semaphore_mem>>, %arg30: memref<!tpu.dma_semaphore, #tpu.memory_space<semaphore_mem>>, %arg31: memref<!tpu.dma_semaphore, #tpu.memory_space<semaphore_mem>>, %arg32: memref<!tpu.dma_semaphore, #tpu.memory_space<semaphore_mem>>, %arg33: memref<!tpu.dma_semaphore, #tpu.memory_space<semaphore_mem>>, %arg34: memref<!tpu.dma_semaphore, #tpu.memory_space<semaphore_mem>>, %arg35: memref<!tpu.dma_semaphore, #tpu.memory_space<semaphore_mem>>, %arg36: memref<!tpu.dma_semaphore, #tpu.memory_space<semaphore_mem>>, %arg37: memref<!tpu.dma_semaphore, #tpu.memory_space<semaphore_mem>>, %arg38: memref<!tpu.dma_semaphore, #tpu.memory_space<semaphore_mem>>, %arg39: memref<!tpu.dma_semaphore, #tpu.memory_space<semaphore_mem>>, %arg40: memref<!tpu.dma_semaphore, #tpu.memory_space<semaphore_mem>>, %arg41: memref<!tpu.dma_semaphore, #tpu.memory_space<semaphore_mem>>, %arg42: memref<!tpu.dma_semaphore, #tpu.memory_space<semaphore_mem>>, %arg43: memref<!tpu.dma_semaphore, #tpu.memory_space<semaphore_mem>>) attributes {dimension_semantics = [#tpu.dimension_semantics<core_parallel>, #tpu.dimension_semantics<subcore_parallel>], iteration_bounds = array<i64: 2, 16>, scalar_prefetch = 0 : i64, scratch_operands = 37 : i64, tpu.core_type = #tpu.core_type<sc_vector_subcore>, window_params = [{transform_indices = #map}, {transform_indices = #map1}, {transform_indices = #map1}, {transform_indices = #map}, {transform_indices = #map}]} {
    %mul3A = arith.constant 2 : i32
    %mul3A_0 = arith.muli %arg1, %mul3A : i32
    %add3A = arith.addi %mul3A_0, %arg0 : i32
    %mul3A_1 = arith.constant 624 : i32
    %mul3A_2 = arith.muli %arg1, %mul3A_1 : i32
    "tpu.region"() ({
      %run_scoped3A = tpu.sem_alloc : memref<!tpu.dma_semaphore, #tpu.memory_space<semaphore_mem>>
      %dma_start3A_178 = arith.constant 0 : i32
      %dma_start3A_179 = tpu.memref_slice %arg25[%mul3A_2, %dma_start3A_178] : memref<10000x128xf32, #tpu.memory_space<vmem_shared>> -> memref<624x128xf32, #tpu.memory_space<vmem_shared>>
      %dma_start3A_180 = arith.constant 0 : i32
      %dma_start3A_181 = arith.constant 0 : i32
      %dma_start3A_182 = tpu.memref_slice %arg5[%dma_start3A_180, %dma_start3A_181] : memref<624x128xf32, #tpu.memory_space<hbm>> -> memref<624x128xf32, #tpu.memory_space<hbm>>
      tpu.enqueue_dma source(%dma_start3A_182 : memref<624x128xf32, #tpu.memory_space<hbm>>) target(%dma_start3A_179 : memref<624x128xf32, #tpu.memory_space<vmem_shared>>) target_semaphore(%run_scoped3A : memref<!tpu.dma_semaphore, #tpu.memory_space<semaphore_mem>>)
      %dma_wait3A_183 = arith.constant 0 : i32
      %dma_wait3A_184 = tpu.memref_slice %arg25[%mul3A_2, %dma_wait3A_183] : memref<10000x128xf32, #tpu.memory_space<vmem_shared>> -> memref<624x128xf32, #tpu.memory_space<vmem_shared>>
      %dma_wait3A_185 = arith.constant 0 : i32
      %dma_wait3A_186 = arith.constant 0 : i32
      %dma_wait3A_187 = tpu.memref_slice %arg5[%dma_wait3A_185, %dma_wait3A_186] : memref<624x128xf32, #tpu.memory_space<hbm>> -> memref<624x128xf32, #tpu.memory_space<hbm>>
      tpu.wait_dma2 semaphore(%run_scoped3A : memref<!tpu.dma_semaphore, #tpu.memory_space<semaphore_mem>>) src(%dma_wait3A_187 : memref<624x128xf32, #tpu.memory_space<hbm>>) dst(%dma_wait3A_184 : memref<624x128xf32, #tpu.memory_space<vmem_shared>>)
      tpu.yield
    }) : () -> ()
    %eq3A = arith.constant 15 : i32
    %eq3A_3 = arith.cmpi eq, %arg1, %eq3A : i32
    %convert_element_type3A = arith.extui %eq3A_3 : i1 to i32
    %cond3A = arith.constant 0 : i32
    %cond3A_4 = arith.cmpi ne, %convert_element_type3A, %cond3A : i32
    scf.if %cond3A_4 {
      "tpu.region"() ({
        %run_scoped3A = tpu.sem_alloc : memref<!tpu.dma_semaphore, #tpu.memory_space<semaphore_mem>>
        %dma_start3A_178 = arith.constant 9984 : i32
        %dma_start3A_179 = arith.constant 0 : i32
        %dma_start3A_180 = tpu.memref_slice %arg25[%dma_start3A_178, %dma_start3A_179] : memref<10000x128xf32, #tpu.memory_space<vmem_shared>> -> memref<16x128xf32, #tpu.memory_space<vmem_shared>>
        %dma_start3A_181 = arith.constant 0 : i32
        %dma_start3A_182 = arith.constant 0 : i32
        %dma_start3A_183 = tpu.memref_slice %arg5[%dma_start3A_181, %dma_start3A_182] : memref<624x128xf32, #tpu.memory_space<hbm>> -> memref<16x128xf32, #tpu.memory_space<hbm>>
        tpu.enqueue_dma source(%dma_start3A_183 : memref<16x128xf32, #tpu.memory_space<hbm>>) target(%dma_start3A_180 : memref<16x128xf32, #tpu.memory_space<vmem_shared>>) target_semaphore(%run_scoped3A : memref<!tpu.dma_semaphore, #tpu.memory_space<semaphore_mem>>)
        %dma_wait3A_184 = arith.constant 9984 : i32
        %dma_wait3A_185 = arith.constant 0 : i32
        %dma_wait3A_186 = tpu.memref_slice %arg25[%dma_wait3A_184, %dma_wait3A_185] : memref<10000x128xf32, #tpu.memory_space<vmem_shared>> -> memref<16x128xf32, #tpu.memory_space<vmem_shared>>
        %dma_wait3A_187 = arith.constant 0 : i32
        %dma_wait3A_188 = arith.constant 0 : i32
        %dma_wait3A_189 = tpu.memref_slice %arg5[%dma_wait3A_187, %dma_wait3A_188] : memref<624x128xf32, #tpu.memory_space<hbm>> -> memref<16x128xf32, #tpu.memory_space<hbm>>
        tpu.wait_dma2 semaphore(%run_scoped3A : memref<!tpu.dma_semaphore, #tpu.memory_space<semaphore_mem>>) src(%dma_wait3A_189 : memref<16x128xf32, #tpu.memory_space<hbm>>) dst(%dma_wait3A_186 : memref<16x128xf32, #tpu.memory_space<vmem_shared>>)
        tpu.yield
      }) : () -> ()
    } else {
    }
    %barrier3A = arith.constant 0 : index
    tpu.barrier barrier_id(%barrier3A)
    %mul3A_5 = arith.constant 10000 : i32
    %mul3A_6 = arith.muli %add3A, %mul3A_5 : i32
    %add3A_7 = arith.constant 0 : i32
    %add3A_8 = arith.addi %mul3A_6, %add3A_7 : i32
    %dma_start3A = tpu.memref_slice %arg3[%add3A_8] : memref<320000xi32, #tpu.memory_space<hbm>> -> memref<40xi32, #tpu.memory_space<hbm>>
    %dma_start3A_9 = tpu.memref_slice %arg3[%add3A_8] : memref<320000xi32, #tpu.memory_space<hbm>> -> memref<40xi32, #tpu.memory_space<hbm>>
    tpu.enqueue_dma source(%dma_start3A_9 : memref<40xi32, #tpu.memory_space<hbm>>) target(%arg7 : memref<40xi32, #tpu.memory_space<vmem>>) target_semaphore(%arg26 : memref<!tpu.dma_semaphore, #tpu.memory_space<semaphore_mem>>)
    %dma_start3A_10 = tpu.memref_slice %arg4[%add3A_8] : memref<320000xi32, #tpu.memory_space<hbm>> -> memref<40xi32, #tpu.memory_space<hbm>>
    %dma_start3A_11 = tpu.memref_slice %arg4[%add3A_8] : memref<320000xi32, #tpu.memory_space<hbm>> -> memref<40xi32, #tpu.memory_space<hbm>>
    tpu.enqueue_dma source(%dma_start3A_11 : memref<40xi32, #tpu.memory_space<hbm>>) target(%arg13 : memref<40xi32, #tpu.memory_space<vmem>>) target_semaphore(%arg26 : memref<!tpu.dma_semaphore, #tpu.memory_space<semaphore_mem>>)
    %add3A_12 = arith.constant 40 : i32
    %add3A_13 = arith.addi %mul3A_6, %add3A_12 : i32
    %dma_start3A_14 = tpu.memref_slice %arg3[%add3A_13] : memref<320000xi32, #tpu.memory_space<hbm>> -> memref<40xi32, #tpu.memory_space<hbm>>
    %dma_start3A_15 = tpu.memref_slice %arg3[%add3A_13] : memref<320000xi32, #tpu.memory_space<hbm>> -> memref<40xi32, #tpu.memory_space<hbm>>
    tpu.enqueue_dma source(%dma_start3A_15 : memref<40xi32, #tpu.memory_space<hbm>>) target(%arg8 : memref<40xi32, #tpu.memory_space<vmem>>) target_semaphore(%arg27 : memref<!tpu.dma_semaphore, #tpu.memory_space<semaphore_mem>>)
    %dma_start3A_16 = tpu.memref_slice %arg4[%add3A_13] : memref<320000xi32, #tpu.memory_space<hbm>> -> memref<40xi32, #tpu.memory_space<hbm>>
    %dma_start3A_17 = tpu.memref_slice %arg4[%add3A_13] : memref<320000xi32, #tpu.memory_space<hbm>> -> memref<40xi32, #tpu.memory_space<hbm>>
    tpu.enqueue_dma source(%dma_start3A_17 : memref<40xi32, #tpu.memory_space<hbm>>) target(%arg14 : memref<40xi32, #tpu.memory_space<vmem>>) target_semaphore(%arg27 : memref<!tpu.dma_semaphore, #tpu.memory_space<semaphore_mem>>)
    %add3A_18 = arith.constant 80 : i32
    %add3A_19 = arith.addi %mul3A_6, %add3A_18 : i32
    %dma_start3A_20 = tpu.memref_slice %arg3[%add3A_19] : memref<320000xi32, #tpu.memory_space<hbm>> -> memref<40xi32, #tpu.memory_space<hbm>>
    %dma_start3A_21 = tpu.memref_slice %arg3[%add3A_19] : memref<320000xi32, #tpu.memory_space<hbm>> -> memref<40xi32, #tpu.memory_space<hbm>>
    tpu.enqueue_dma source(%dma_start3A_21 : memref<40xi32, #tpu.memory_space<hbm>>) target(%arg9 : memref<40xi32, #tpu.memory_space<vmem>>) target_semaphore(%arg28 : memref<!tpu.dma_semaphore, #tpu.memory_space<semaphore_mem>>)
    %dma_start3A_22 = tpu.memref_slice %arg4[%add3A_19] : memref<320000xi32, #tpu.memory_space<hbm>> -> memref<40xi32, #tpu.memory_space<hbm>>
    %dma_start3A_23 = tpu.memref_slice %arg4[%add3A_19] : memref<320000xi32, #tpu.memory_space<hbm>> -> memref<40xi32, #tpu.memory_space<hbm>>
    tpu.enqueue_dma source(%dma_start3A_23 : memref<40xi32, #tpu.memory_space<hbm>>) target(%arg15 : memref<40xi32, #tpu.memory_space<vmem>>) target_semaphore(%arg28 : memref<!tpu.dma_semaphore, #tpu.memory_space<semaphore_mem>>)
    %add3A_24 = arith.constant 120 : i32
    %add3A_25 = arith.addi %mul3A_6, %add3A_24 : i32
    %dma_start3A_26 = tpu.memref_slice %arg3[%add3A_25] : memref<320000xi32, #tpu.memory_space<hbm>> -> memref<40xi32, #tpu.memory_space<hbm>>
    %dma_start3A_27 = tpu.memref_slice %arg3[%add3A_25] : memref<320000xi32, #tpu.memory_space<hbm>> -> memref<40xi32, #tpu.memory_space<hbm>>
    tpu.enqueue_dma source(%dma_start3A_27 : memref<40xi32, #tpu.memory_space<hbm>>) target(%arg10 : memref<40xi32, #tpu.memory_space<vmem>>) target_semaphore(%arg29 : memref<!tpu.dma_semaphore, #tpu.memory_space<semaphore_mem>>)
    %dma_start3A_28 = tpu.memref_slice %arg4[%add3A_25] : memref<320000xi32, #tpu.memory_space<hbm>> -> memref<40xi32, #tpu.memory_space<hbm>>
    %dma_start3A_29 = tpu.memref_slice %arg4[%add3A_25] : memref<320000xi32, #tpu.memory_space<hbm>> -> memref<40xi32, #tpu.memory_space<hbm>>
    tpu.enqueue_dma source(%dma_start3A_29 : memref<40xi32, #tpu.memory_space<hbm>>) target(%arg16 : memref<40xi32, #tpu.memory_space<vmem>>) target_semaphore(%arg29 : memref<!tpu.dma_semaphore, #tpu.memory_space<semaphore_mem>>)
    %add3A_30 = arith.constant 160 : i32
    %add3A_31 = arith.addi %mul3A_6, %add3A_30 : i32
    %dma_start3A_32 = tpu.memref_slice %arg3[%add3A_31] : memref<320000xi32, #tpu.memory_space<hbm>> -> memref<40xi32, #tpu.memory_space<hbm>>
    %dma_start3A_33 = tpu.memref_slice %arg3[%add3A_31] : memref<320000xi32, #tpu.memory_space<hbm>> -> memref<40xi32, #tpu.memory_space<hbm>>
    tpu.enqueue_dma source(%dma_start3A_33 : memref<40xi32, #tpu.memory_space<hbm>>) target(%arg11 : memref<40xi32, #tpu.memory_space<vmem>>) target_semaphore(%arg30 : memref<!tpu.dma_semaphore, #tpu.memory_space<semaphore_mem>>)
    %dma_start3A_34 = tpu.memref_slice %arg4[%add3A_31] : memref<320000xi32, #tpu.memory_space<hbm>> -> memref<40xi32, #tpu.memory_space<hbm>>
    %dma_start3A_35 = tpu.memref_slice %arg4[%add3A_31] : memref<320000xi32, #tpu.memory_space<hbm>> -> memref<40xi32, #tpu.memory_space<hbm>>
    tpu.enqueue_dma source(%dma_start3A_35 : memref<40xi32, #tpu.memory_space<hbm>>) target(%arg17 : memref<40xi32, #tpu.memory_space<vmem>>) target_semaphore(%arg30 : memref<!tpu.dma_semaphore, #tpu.memory_space<semaphore_mem>>)
    %add3A_36 = arith.constant 200 : i32
    %add3A_37 = arith.addi %mul3A_6, %add3A_36 : i32
    %dma_start3A_38 = tpu.memref_slice %arg3[%add3A_37] : memref<320000xi32, #tpu.memory_space<hbm>> -> memref<40xi32, #tpu.memory_space<hbm>>
    %dma_start3A_39 = tpu.memref_slice %arg3[%add3A_37] : memref<320000xi32, #tpu.memory_space<hbm>> -> memref<40xi32, #tpu.memory_space<hbm>>
    tpu.enqueue_dma source(%dma_start3A_39 : memref<40xi32, #tpu.memory_space<hbm>>) target(%arg12 : memref<40xi32, #tpu.memory_space<vmem>>) target_semaphore(%arg31 : memref<!tpu.dma_semaphore, #tpu.memory_space<semaphore_mem>>)
    %dma_start3A_40 = tpu.memref_slice %arg4[%add3A_37] : memref<320000xi32, #tpu.memory_space<hbm>> -> memref<40xi32, #tpu.memory_space<hbm>>
    %dma_start3A_41 = tpu.memref_slice %arg4[%add3A_37] : memref<320000xi32, #tpu.memory_space<hbm>> -> memref<40xi32, #tpu.memory_space<hbm>>
    tpu.enqueue_dma source(%dma_start3A_41 : memref<40xi32, #tpu.memory_space<hbm>>) target(%arg18 : memref<40xi32, #tpu.memory_space<vmem>>) target_semaphore(%arg31 : memref<!tpu.dma_semaphore, #tpu.memory_space<semaphore_mem>>)
    %scan3A = arith.constant 0 : i32
    %scan3A_42 = arith.constant 0 : i32
    %scan3A_43 = arith.constant 41 : i32
    %scan3A_44 = arith.addi %scan3A_42, %scan3A_43 : i32
    %scan3A_45 = arith.constant 1 : i32
    %scan3A_46 = scf.for %scan3A_178 = %scan3A_42 to %scan3A_44 step %scan3A_45 iter_args(%scan3A_179 = %scan3A) -> (i32)  : i32 {
      %dma_wait3A_180 = arith.constant 0 : i32
      %dma_wait3A_181 = tpu.memref_slice %arg3[%dma_wait3A_180] : memref<320000xi32, #tpu.memory_space<hbm>> -> memref<40xi32, #tpu.memory_space<hbm>>
      %dma_wait3A_182 = arith.constant 0 : i32
      %dma_wait3A_183 = tpu.memref_slice %arg3[%dma_wait3A_182] : memref<320000xi32, #tpu.memory_space<hbm>> -> memref<40xi32, #tpu.memory_space<hbm>>
      tpu.wait_dma2 semaphore(%arg26 : memref<!tpu.dma_semaphore, #tpu.memory_space<semaphore_mem>>) src(%dma_wait3A_183 : memref<40xi32, #tpu.memory_space<hbm>>) dst(%arg7 : memref<40xi32, #tpu.memory_space<vmem>>)
      %dma_wait3A_184 = arith.constant 0 : i32
      %dma_wait3A_185 = tpu.memref_slice %arg4[%dma_wait3A_184] : memref<320000xi32, #tpu.memory_space<hbm>> -> memref<40xi32, #tpu.memory_space<hbm>>
      %dma_wait3A_186 = arith.constant 0 : i32
      %dma_wait3A_187 = tpu.memref_slice %arg4[%dma_wait3A_186] : memref<320000xi32, #tpu.memory_space<hbm>> -> memref<40xi32, #tpu.memory_space<hbm>>
      tpu.wait_dma2 semaphore(%arg26 : memref<!tpu.dma_semaphore, #tpu.memory_space<semaphore_mem>>) src(%dma_wait3A_187 : memref<40xi32, #tpu.memory_space<hbm>>) dst(%arg13 : memref<40xi32, #tpu.memory_space<vmem>>)
      %dma_start3A_188 = arith.constant 0 : i32
      %dma_start3A_189 = arith.constant 0 : i32
      %dma_start3A_190 = tpu.memref_slice %arg2[%dma_start3A_188, %dma_start3A_189] : memref<10000x128xf32, #tpu.memory_space<hbm>> -> memref<10000x128xf32, #tpu.memory_space<hbm>>
      tpu.enqueue_indirect_dma source(%dma_start3A_190 : memref<10000x128xf32, #tpu.memory_space<hbm>>) target(%arg19 : memref<40x128xf32, #tpu.memory_space<vmem>>) offsets(%arg7 : memref<40xi32, #tpu.memory_space<vmem>>) semaphore(%arg32 : memref<!tpu.dma_semaphore, #tpu.memory_space<semaphore_mem>>)
      %dma_wait3A_191 = arith.constant 0 : i32
      %dma_wait3A_192 = tpu.memref_slice %arg3[%dma_wait3A_191] : memref<320000xi32, #tpu.memory_space<hbm>> -> memref<40xi32, #tpu.memory_space<hbm>>
      %dma_wait3A_193 = arith.constant 0 : i32
      %dma_wait3A_194 = tpu.memref_slice %arg3[%dma_wait3A_193] : memref<320000xi32, #tpu.memory_space<hbm>> -> memref<40xi32, #tpu.memory_space<hbm>>
      tpu.wait_dma2 semaphore(%arg27 : memref<!tpu.dma_semaphore, #tpu.memory_space<semaphore_mem>>) src(%dma_wait3A_194 : memref<40xi32, #tpu.memory_space<hbm>>) dst(%arg8 : memref<40xi32, #tpu.memory_space<vmem>>)
      %dma_wait3A_195 = arith.constant 0 : i32
      %dma_wait3A_196 = tpu.memref_slice %arg4[%dma_wait3A_195] : memref<320000xi32, #tpu.memory_space<hbm>> -> memref<40xi32, #tpu.memory_space<hbm>>
      %dma_wait3A_197 = arith.constant 0 : i32
      %dma_wait3A_198 = tpu.memref_slice %arg4[%dma_wait3A_197] : memref<320000xi32, #tpu.memory_space<hbm>> -> memref<40xi32, #tpu.memory_space<hbm>>
      tpu.wait_dma2 semaphore(%arg27 : memref<!tpu.dma_semaphore, #tpu.memory_space<semaphore_mem>>) src(%dma_wait3A_198 : memref<40xi32, #tpu.memory_space<hbm>>) dst(%arg14 : memref<40xi32, #tpu.memory_space<vmem>>)
      %dma_start3A_199 = arith.constant 0 : i32
      %dma_start3A_200 = arith.constant 0 : i32
      %dma_start3A_201 = tpu.memref_slice %arg2[%dma_start3A_199, %dma_start3A_200] : memref<10000x128xf32, #tpu.memory_space<hbm>> -> memref<10000x128xf32, #tpu.memory_space<hbm>>
      tpu.enqueue_indirect_dma source(%dma_start3A_201 : memref<10000x128xf32, #tpu.memory_space<hbm>>) target(%arg20 : memref<40x128xf32, #tpu.memory_space<vmem>>) offsets(%arg8 : memref<40xi32, #tpu.memory_space<vmem>>) semaphore(%arg33 : memref<!tpu.dma_semaphore, #tpu.memory_space<semaphore_mem>>)
      %dma_wait3A_202 = arith.constant 0 : i32
      %dma_wait3A_203 = tpu.memref_slice %arg3[%dma_wait3A_202] : memref<320000xi32, #tpu.memory_space<hbm>> -> memref<40xi32, #tpu.memory_space<hbm>>
      %dma_wait3A_204 = arith.constant 0 : i32
      %dma_wait3A_205 = tpu.memref_slice %arg3[%dma_wait3A_204] : memref<320000xi32, #tpu.memory_space<hbm>> -> memref<40xi32, #tpu.memory_space<hbm>>
      tpu.wait_dma2 semaphore(%arg28 : memref<!tpu.dma_semaphore, #tpu.memory_space<semaphore_mem>>) src(%dma_wait3A_205 : memref<40xi32, #tpu.memory_space<hbm>>) dst(%arg9 : memref<40xi32, #tpu.memory_space<vmem>>)
      %dma_wait3A_206 = arith.constant 0 : i32
      %dma_wait3A_207 = tpu.memref_slice %arg4[%dma_wait3A_206] : memref<320000xi32, #tpu.memory_space<hbm>> -> memref<40xi32, #tpu.memory_space<hbm>>
      %dma_wait3A_208 = arith.constant 0 : i32
      %dma_wait3A_209 = tpu.memref_slice %arg4[%dma_wait3A_208] : memref<320000xi32, #tpu.memory_space<hbm>> -> memref<40xi32, #tpu.memory_space<hbm>>
      tpu.wait_dma2 semaphore(%arg28 : memref<!tpu.dma_semaphore, #tpu.memory_space<semaphore_mem>>) src(%dma_wait3A_209 : memref<40xi32, #tpu.memory_space<hbm>>) dst(%arg15 : memref<40xi32, #tpu.memory_space<vmem>>)
      %dma_start3A_210 = arith.constant 0 : i32
      %dma_start3A_211 = arith.constant 0 : i32
      %dma_start3A_212 = tpu.memref_slice %arg2[%dma_start3A_210, %dma_start3A_211] : memref<10000x128xf32, #tpu.memory_space<hbm>> -> memref<10000x128xf32, #tpu.memory_space<hbm>>
      tpu.enqueue_indirect_dma source(%dma_start3A_212 : memref<10000x128xf32, #tpu.memory_space<hbm>>) target(%arg21 : memref<40x128xf32, #tpu.memory_space<vmem>>) offsets(%arg9 : memref<40xi32, #tpu.memory_space<vmem>>) semaphore(%arg34 : memref<!tpu.dma_semaphore, #tpu.memory_space<semaphore_mem>>)
      %dma_wait3A_213 = arith.constant 0 : i32
      %dma_wait3A_214 = tpu.memref_slice %arg3[%dma_wait3A_213] : memref<320000xi32, #tpu.memory_space<hbm>> -> memref<40xi32, #tpu.memory_space<hbm>>
      %dma_wait3A_215 = arith.constant 0 : i32
      %dma_wait3A_216 = tpu.memref_slice %arg3[%dma_wait3A_215] : memref<320000xi32, #tpu.memory_space<hbm>> -> memref<40xi32, #tpu.memory_space<hbm>>
      tpu.wait_dma2 semaphore(%arg29 : memref<!tpu.dma_semaphore, #tpu.memory_space<semaphore_mem>>) src(%dma_wait3A_216 : memref<40xi32, #tpu.memory_space<hbm>>) dst(%arg10 : memref<40xi32, #tpu.memory_space<vmem>>)
      %dma_wait3A_217 = arith.constant 0 : i32
      %dma_wait3A_218 = tpu.memref_slice %arg4[%dma_wait3A_217] : memref<320000xi32, #tpu.memory_space<hbm>> -> memref<40xi32, #tpu.memory_space<hbm>>
      %dma_wait3A_219 = arith.constant 0 : i32
      %dma_wait3A_220 = tpu.memref_slice %arg4[%dma_wait3A_219] : memref<320000xi32, #tpu.memory_space<hbm>> -> memref<40xi32, #tpu.memory_space<hbm>>
      tpu.wait_dma2 semaphore(%arg29 : memref<!tpu.dma_semaphore, #tpu.memory_space<semaphore_mem>>) src(%dma_wait3A_220 : memref<40xi32, #tpu.memory_space<hbm>>) dst(%arg16 : memref<40xi32, #tpu.memory_space<vmem>>)
      %dma_start3A_221 = arith.constant 0 : i32
      %dma_start3A_222 = arith.constant 0 : i32
      %dma_start3A_223 = tpu.memref_slice %arg2[%dma_start3A_221, %dma_start3A_222] : memref<10000x128xf32, #tpu.memory_space<hbm>> -> memref<10000x128xf32, #tpu.memory_space<hbm>>
      tpu.enqueue_indirect_dma source(%dma_start3A_223 : memref<10000x128xf32, #tpu.memory_space<hbm>>) target(%arg22 : memref<40x128xf32, #tpu.memory_space<vmem>>) offsets(%arg10 : memref<40xi32, #tpu.memory_space<vmem>>) semaphore(%arg35 : memref<!tpu.dma_semaphore, #tpu.memory_space<semaphore_mem>>)
      %dma_wait3A_224 = arith.constant 0 : i32
      %dma_wait3A_225 = tpu.memref_slice %arg3[%dma_wait3A_224] : memref<320000xi32, #tpu.memory_space<hbm>> -> memref<40xi32, #tpu.memory_space<hbm>>
      %dma_wait3A_226 = arith.constant 0 : i32
      %dma_wait3A_227 = tpu.memref_slice %arg3[%dma_wait3A_226] : memref<320000xi32, #tpu.memory_space<hbm>> -> memref<40xi32, #tpu.memory_space<hbm>>
      tpu.wait_dma2 semaphore(%arg30 : memref<!tpu.dma_semaphore, #tpu.memory_space<semaphore_mem>>) src(%dma_wait3A_227 : memref<40xi32, #tpu.memory_space<hbm>>) dst(%arg11 : memref<40xi32, #tpu.memory_space<vmem>>)
      %dma_wait3A_228 = arith.constant 0 : i32
      %dma_wait3A_229 = tpu.memref_slice %arg4[%dma_wait3A_228] : memref<320000xi32, #tpu.memory_space<hbm>> -> memref<40xi32, #tpu.memory_space<hbm>>
      %dma_wait3A_230 = arith.constant 0 : i32
      %dma_wait3A_231 = tpu.memref_slice %arg4[%dma_wait3A_230] : memref<320000xi32, #tpu.memory_space<hbm>> -> memref<40xi32, #tpu.memory_space<hbm>>
      tpu.wait_dma2 semaphore(%arg30 : memref<!tpu.dma_semaphore, #tpu.memory_space<semaphore_mem>>) src(%dma_wait3A_231 : memref<40xi32, #tpu.memory_space<hbm>>) dst(%arg17 : memref<40xi32, #tpu.memory_space<vmem>>)
      %dma_start3A_232 = arith.constant 0 : i32
      %dma_start3A_233 = arith.constant 0 : i32
      %dma_start3A_234 = tpu.memref_slice %arg2[%dma_start3A_232, %dma_start3A_233] : memref<10000x128xf32, #tpu.memory_space<hbm>> -> memref<10000x128xf32, #tpu.memory_space<hbm>>
      tpu.enqueue_indirect_dma source(%dma_start3A_234 : memref<10000x128xf32, #tpu.memory_space<hbm>>) target(%arg23 : memref<40x128xf32, #tpu.memory_space<vmem>>) offsets(%arg11 : memref<40xi32, #tpu.memory_space<vmem>>) semaphore(%arg36 : memref<!tpu.dma_semaphore, #tpu.memory_space<semaphore_mem>>)
      %dma_wait3A_235 = arith.constant 0 : i32
      %dma_wait3A_236 = tpu.memref_slice %arg3[%dma_wait3A_235] : memref<320000xi32, #tpu.memory_space<hbm>> -> memref<40xi32, #tpu.memory_space<hbm>>
      %dma_wait3A_237 = arith.constant 0 : i32
      %dma_wait3A_238 = tpu.memref_slice %arg3[%dma_wait3A_237] : memref<320000xi32, #tpu.memory_space<hbm>> -> memref<40xi32, #tpu.memory_space<hbm>>
      tpu.wait_dma2 semaphore(%arg31 : memref<!tpu.dma_semaphore, #tpu.memory_space<semaphore_mem>>) src(%dma_wait3A_238 : memref<40xi32, #tpu.memory_space<hbm>>) dst(%arg12 : memref<40xi32, #tpu.memory_space<vmem>>)
      %dma_wait3A_239 = arith.constant 0 : i32
      %dma_wait3A_240 = tpu.memref_slice %arg4[%dma_wait3A_239] : memref<320000xi32, #tpu.memory_space<hbm>> -> memref<40xi32, #tpu.memory_space<hbm>>
      %dma_wait3A_241 = arith.constant 0 : i32
      %dma_wait3A_242 = tpu.memref_slice %arg4[%dma_wait3A_241] : memref<320000xi32, #tpu.memory_space<hbm>> -> memref<40xi32, #tpu.memory_space<hbm>>
      tpu.wait_dma2 semaphore(%arg31 : memref<!tpu.dma_semaphore, #tpu.memory_space<semaphore_mem>>) src(%dma_wait3A_242 : memref<40xi32, #tpu.memory_space<hbm>>) dst(%arg18 : memref<40xi32, #tpu.memory_space<vmem>>)
      %dma_start3A_243 = arith.constant 0 : i32
      %dma_start3A_244 = arith.constant 0 : i32
      %dma_start3A_245 = tpu.memref_slice %arg2[%dma_start3A_243, %dma_start3A_244] : memref<10000x128xf32, #tpu.memory_space<hbm>> -> memref<10000x128xf32, #tpu.memory_space<hbm>>
      tpu.enqueue_indirect_dma source(%dma_start3A_245 : memref<10000x128xf32, #tpu.memory_space<hbm>>) target(%arg24 : memref<40x128xf32, #tpu.memory_space<vmem>>) offsets(%arg12 : memref<40xi32, #tpu.memory_space<vmem>>) semaphore(%arg37 : memref<!tpu.dma_semaphore, #tpu.memory_space<semaphore_mem>>)
      %dma_wait3A_246 = arith.constant 0 : i32
      %dma_wait3A_247 = arith.constant 0 : i32
      %dma_wait3A_248 = tpu.memref_slice %arg2[%dma_wait3A_246, %dma_wait3A_247] : memref<10000x128xf32, #tpu.memory_space<hbm>> -> memref<10000x128xf32, #tpu.memory_space<hbm>>
      tpu.wait_indirect_dma semaphore(%arg32 : memref<!tpu.dma_semaphore, #tpu.memory_space<semaphore_mem>>) src(%dma_wait3A_248 : memref<10000x128xf32, #tpu.memory_space<hbm>>) dst(%arg19 : memref<40x128xf32, #tpu.memory_space<vmem>>)
      %dma_start3A_249 = arith.constant 0 : i32
      %dma_start3A_250 = arith.constant 0 : i32
      %dma_start3A_251 = tpu.memref_slice %arg25[%dma_start3A_249, %dma_start3A_250] : memref<10000x128xf32, #tpu.memory_space<vmem_shared>> -> memref<10000x128xf32, #tpu.memory_space<vmem_shared>>
      tpu.enqueue_indirect_dma source(%arg19 : memref<40x128xf32, #tpu.memory_space<vmem>>) target(%dma_start3A_251 : memref<10000x128xf32, #tpu.memory_space<vmem_shared>>) offsets(%arg13 : memref<40xi32, #tpu.memory_space<vmem>>) semaphore(%arg38 : memref<!tpu.dma_semaphore, #tpu.memory_space<semaphore_mem>>) {add = true}
      %dma_wait3A_252 = arith.constant 0 : i32
      %dma_wait3A_253 = arith.constant 0 : i32
      %dma_wait3A_254 = tpu.memref_slice %arg2[%dma_wait3A_252, %dma_wait3A_253] : memref<10000x128xf32, #tpu.memory_space<hbm>> -> memref<10000x128xf32, #tpu.memory_space<hbm>>
      tpu.wait_indirect_dma semaphore(%arg33 : memref<!tpu.dma_semaphore, #tpu.memory_space<semaphore_mem>>) src(%dma_wait3A_254 : memref<10000x128xf32, #tpu.memory_space<hbm>>) dst(%arg20 : memref<40x128xf32, #tpu.memory_space<vmem>>)
      %dma_start3A_255 = arith.constant 0 : i32
      %dma_start3A_256 = arith.constant 0 : i32
      %dma_start3A_257 = tpu.memref_slice %arg25[%dma_start3A_255, %dma_start3A_256] : memref<10000x128xf32, #tpu.memory_space<vmem_shared>> -> memref<10000x128xf32, #tpu.memory_space<vmem_shared>>
      tpu.enqueue_indirect_dma source(%arg20 : memref<40x128xf32, #tpu.memory_space<vmem>>) target(%dma_start3A_257 : memref<10000x128xf32, #tpu.memory_space<vmem_shared>>) offsets(%arg14 : memref<40xi32, #tpu.memory_space<vmem>>) semaphore(%arg39 : memref<!tpu.dma_semaphore, #tpu.memory_space<semaphore_mem>>) {add = true}
      %dma_wait3A_258 = arith.constant 0 : i32
      %dma_wait3A_259 = arith.constant 0 : i32
      %dma_wait3A_260 = tpu.memref_slice %arg2[%dma_wait3A_258, %dma_wait3A_259] : memref<10000x128xf32, #tpu.memory_space<hbm>> -> memref<10000x128xf32, #tpu.memory_space<hbm>>
      tpu.wait_indirect_dma semaphore(%arg34 : memref<!tpu.dma_semaphore, #tpu.memory_space<semaphore_mem>>) src(%dma_wait3A_260 : memref<10000x128xf32, #tpu.memory_space<hbm>>) dst(%arg21 : memref<40x128xf32, #tpu.memory_space<vmem>>)
      %dma_start3A_261 = arith.constant 0 : i32
      %dma_start3A_262 = arith.constant 0 : i32
      %dma_start3A_263 = tpu.memref_slice %arg25[%dma_start3A_261, %dma_start3A_262] : memref<10000x128xf32, #tpu.memory_space<vmem_shared>> -> memref<10000x128xf32, #tpu.memory_space<vmem_shared>>
      tpu.enqueue_indirect_dma source(%arg21 : memref<40x128xf32, #tpu.memory_space<vmem>>) target(%dma_start3A_263 : memref<10000x128xf32, #tpu.memory_space<vmem_shared>>) offsets(%arg15 : memref<40xi32, #tpu.memory_space<vmem>>) semaphore(%arg40 : memref<!tpu.dma_semaphore, #tpu.memory_space<semaphore_mem>>) {add = true}
      %dma_wait3A_264 = arith.constant 0 : i32
      %dma_wait3A_265 = arith.constant 0 : i32
      %dma_wait3A_266 = tpu.memref_slice %arg2[%dma_wait3A_264, %dma_wait3A_265] : memref<10000x128xf32, #tpu.memory_space<hbm>> -> memref<10000x128xf32, #tpu.memory_space<hbm>>
      tpu.wait_indirect_dma semaphore(%arg35 : memref<!tpu.dma_semaphore, #tpu.memory_space<semaphore_mem>>) src(%dma_wait3A_266 : memref<10000x128xf32, #tpu.memory_space<hbm>>) dst(%arg22 : memref<40x128xf32, #tpu.memory_space<vmem>>)
      %dma_start3A_267 = arith.constant 0 : i32
      %dma_start3A_268 = arith.constant 0 : i32
      %dma_start3A_269 = tpu.memref_slice %arg25[%dma_start3A_267, %dma_start3A_268] : memref<10000x128xf32, #tpu.memory_space<vmem_shared>> -> memref<10000x128xf32, #tpu.memory_space<vmem_shared>>
      tpu.enqueue_indirect_dma source(%arg22 : memref<40x128xf32, #tpu.memory_space<vmem>>) target(%dma_start3A_269 : memref<10000x128xf32, #tpu.memory_space<vmem_shared>>) offsets(%arg16 : memref<40xi32, #tpu.memory_space<vmem>>) semaphore(%arg41 : memref<!tpu.dma_semaphore, #tpu.memory_space<semaphore_mem>>) {add = true}
      %dma_wait3A_270 = arith.constant 0 : i32
      %dma_wait3A_271 = arith.constant 0 : i32
      %dma_wait3A_272 = tpu.memref_slice %arg2[%dma_wait3A_270, %dma_wait3A_271] : memref<10000x128xf32, #tpu.memory_space<hbm>> -> memref<10000x128xf32, #tpu.memory_space<hbm>>
      tpu.wait_indirect_dma semaphore(%arg36 : memref<!tpu.dma_semaphore, #tpu.memory_space<semaphore_mem>>) src(%dma_wait3A_272 : memref<10000x128xf32, #tpu.memory_space<hbm>>) dst(%arg23 : memref<40x128xf32, #tpu.memory_space<vmem>>)
      %dma_start3A_273 = arith.constant 0 : i32
      %dma_start3A_274 = arith.constant 0 : i32
      %dma_start3A_275 = tpu.memref_slice %arg25[%dma_start3A_273, %dma_start3A_274] : memref<10000x128xf32, #tpu.memory_space<vmem_shared>> -> memref<10000x128xf32, #tpu.memory_space<vmem_shared>>
      tpu.enqueue_indirect_dma source(%arg23 : memref<40x128xf32, #tpu.memory_space<vmem>>) target(%dma_start3A_275 : memref<10000x128xf32, #tpu.memory_space<vmem_shared>>) offsets(%arg17 : memref<40xi32, #tpu.memory_space<vmem>>) semaphore(%arg42 : memref<!tpu.dma_semaphore, #tpu.memory_space<semaphore_mem>>) {add = true}
      %dma_wait3A_276 = arith.constant 0 : i32
      %dma_wait3A_277 = arith.constant 0 : i32
      %dma_wait3A_278 = tpu.memref_slice %arg2[%dma_wait3A_276, %dma_wait3A_277] : memref<10000x128xf32, #tpu.memory_space<hbm>> -> memref<10000x128xf32, #tpu.memory_space<hbm>>
      tpu.wait_indirect_dma semaphore(%arg37 : memref<!tpu.dma_semaphore, #tpu.memory_space<semaphore_mem>>) src(%dma_wait3A_278 : memref<10000x128xf32, #tpu.memory_space<hbm>>) dst(%arg24 : memref<40x128xf32, #tpu.memory_space<vmem>>)
      %dma_start3A_279 = arith.constant 0 : i32
      %dma_start3A_280 = arith.constant 0 : i32
      %dma_start3A_281 = tpu.memref_slice %arg25[%dma_start3A_279, %dma_start3A_280] : memref<10000x128xf32, #tpu.memory_space<vmem_shared>> -> memref<10000x128xf32, #tpu.memory_space<vmem_shared>>
      tpu.enqueue_indirect_dma source(%arg24 : memref<40x128xf32, #tpu.memory_space<vmem>>) target(%dma_start3A_281 : memref<10000x128xf32, #tpu.memory_space<vmem_shared>>) offsets(%arg18 : memref<40xi32, #tpu.memory_space<vmem>>) semaphore(%arg43 : memref<!tpu.dma_semaphore, #tpu.memory_space<semaphore_mem>>) {add = true}
      %lt3A = arith.constant 40 : i32
      %lt3A_282 = arith.cmpi slt, %scan3A_178, %lt3A : i32
      %convert_element_type3A_283 = arith.extui %lt3A_282 : i1 to i32
      %cond3A_284 = arith.constant 0 : i32
      %cond3A_285 = arith.cmpi ne, %convert_element_type3A_283, %cond3A_284 : i32
      scf.if %cond3A_285 {
        %dma_wait3A_287 = arith.constant 0 : i32
        %dma_wait3A_288 = arith.constant 0 : i32
        %dma_wait3A_289 = tpu.memref_slice %arg25[%dma_wait3A_287, %dma_wait3A_288] : memref<10000x128xf32, #tpu.memory_space<vmem_shared>> -> memref<10000x128xf32, #tpu.memory_space<vmem_shared>>
        tpu.wait_indirect_dma semaphore(%arg38 : memref<!tpu.dma_semaphore, #tpu.memory_space<semaphore_mem>>) src(%arg19 : memref<40x128xf32, #tpu.memory_space<vmem>>) dst(%dma_wait3A_289 : memref<10000x128xf32, #tpu.memory_space<vmem_shared>>)
        %mul3A_290 = arith.constant 6 : i32
        %mul3A_291 = arith.muli %scan3A_178, %mul3A_290 : i32
        %add3A_292 = arith.constant 6 : i32
        %add3A_293 = arith.addi %mul3A_291, %add3A_292 : i32
        %add3A_294 = arith.constant 0 : i32
        %add3A_295 = arith.addi %add3A_293, %add3A_294 : i32
        %mul3A_296 = arith.constant 40 : i32
        %mul3A_297 = arith.muli %add3A_295, %mul3A_296 : i32
        %add3A_298 = arith.addi %mul3A_6, %mul3A_297 : i32
        %dma_start3A_299 = tpu.memref_slice %arg3[%add3A_298] : memref<320000xi32, #tpu.memory_space<hbm>> -> memref<40xi32, #tpu.memory_space<hbm>>
        %dma_start3A_300 = tpu.memref_slice %arg3[%add3A_298] : memref<320000xi32, #tpu.memory_space<hbm>> -> memref<40xi32, #tpu.memory_space<hbm>>
        tpu.enqueue_dma source(%dma_start3A_300 : memref<40xi32, #tpu.memory_space<hbm>>) target(%arg7 : memref<40xi32, #tpu.memory_space<vmem>>) target_semaphore(%arg26 : memref<!tpu.dma_semaphore, #tpu.memory_space<semaphore_mem>>)
        %dma_start3A_301 = tpu.memref_slice %arg4[%add3A_298] : memref<320000xi32, #tpu.memory_space<hbm>> -> memref<40xi32, #tpu.memory_space<hbm>>
        %dma_start3A_302 = tpu.memref_slice %arg4[%add3A_298] : memref<320000xi32, #tpu.memory_space<hbm>> -> memref<40xi32, #tpu.memory_space<hbm>>
        tpu.enqueue_dma source(%dma_start3A_302 : memref<40xi32, #tpu.memory_space<hbm>>) target(%arg13 : memref<40xi32, #tpu.memory_space<vmem>>) target_semaphore(%arg26 : memref<!tpu.dma_semaphore, #tpu.memory_space<semaphore_mem>>)
        %dma_wait3A_303 = arith.constant 0 : i32
        %dma_wait3A_304 = arith.constant 0 : i32
        %dma_wait3A_305 = tpu.memref_slice %arg25[%dma_wait3A_303, %dma_wait3A_304] : memref<10000x128xf32, #tpu.memory_space<vmem_shared>> -> memref<10000x128xf32, #tpu.memory_space<vmem_shared>>
        tpu.wait_indirect_dma semaphore(%arg39 : memref<!tpu.dma_semaphore, #tpu.memory_space<semaphore_mem>>) src(%arg20 : memref<40x128xf32, #tpu.memory_space<vmem>>) dst(%dma_wait3A_305 : memref<10000x128xf32, #tpu.memory_space<vmem_shared>>)
        %mul3A_306 = arith.constant 6 : i32
        %mul3A_307 = arith.muli %scan3A_178, %mul3A_306 : i32
        %add3A_308 = arith.constant 6 : i32
        %add3A_309 = arith.addi %mul3A_307, %add3A_308 : i32
        %add3A_310 = arith.constant 1 : i32
        %add3A_311 = arith.addi %add3A_309, %add3A_310 : i32
        %mul3A_312 = arith.constant 40 : i32
        %mul3A_313 = arith.muli %add3A_311, %mul3A_312 : i32
        %add3A_314 = arith.addi %mul3A_6, %mul3A_313 : i32
        %dma_start3A_315 = tpu.memref_slice %arg3[%add3A_314] : memref<320000xi32, #tpu.memory_space<hbm>> -> memref<40xi32, #tpu.memory_space<hbm>>
        %dma_start3A_316 = tpu.memref_slice %arg3[%add3A_314] : memref<320000xi32, #tpu.memory_space<hbm>> -> memref<40xi32, #tpu.memory_space<hbm>>
        tpu.enqueue_dma source(%dma_start3A_316 : memref<40xi32, #tpu.memory_space<hbm>>) target(%arg8 : memref<40xi32, #tpu.memory_space<vmem>>) target_semaphore(%arg27 : memref<!tpu.dma_semaphore, #tpu.memory_space<semaphore_mem>>)
        %dma_start3A_317 = tpu.memref_slice %arg4[%add3A_314] : memref<320000xi32, #tpu.memory_space<hbm>> -> memref<40xi32, #tpu.memory_space<hbm>>
        %dma_start3A_318 = tpu.memref_slice %arg4[%add3A_314] : memref<320000xi32, #tpu.memory_space<hbm>> -> memref<40xi32, #tpu.memory_space<hbm>>
        tpu.enqueue_dma source(%dma_start3A_318 : memref<40xi32, #tpu.memory_space<hbm>>) target(%arg14 : memref<40xi32, #tpu.memory_space<vmem>>) target_semaphore(%arg27 : memref<!tpu.dma_semaphore, #tpu.memory_space<semaphore_mem>>)
        %dma_wait3A_319 = arith.constant 0 : i32
        %dma_wait3A_320 = arith.constant 0 : i32
        %dma_wait3A_321 = tpu.memref_slice %arg25[%dma_wait3A_319, %dma_wait3A_320] : memref<10000x128xf32, #tpu.memory_space<vmem_shared>> -> memref<10000x128xf32, #tpu.memory_space<vmem_shared>>
        tpu.wait_indirect_dma semaphore(%arg40 : memref<!tpu.dma_semaphore, #tpu.memory_space<semaphore_mem>>) src(%arg21 : memref<40x128xf32, #tpu.memory_space<vmem>>) dst(%dma_wait3A_321 : memref<10000x128xf32, #tpu.memory_space<vmem_shared>>)
        %mul3A_322 = arith.constant 6 : i32
        %mul3A_323 = arith.muli %scan3A_178, %mul3A_322 : i32
        %add3A_324 = arith.constant 6 : i32
        %add3A_325 = arith.addi %mul3A_323, %add3A_324 : i32
        %add3A_326 = arith.constant 2 : i32
        %add3A_327 = arith.addi %add3A_325, %add3A_326 : i32
        %mul3A_328 = arith.constant 40 : i32
        %mul3A_329 = arith.muli %add3A_327, %mul3A_328 : i32
        %add3A_330 = arith.addi %mul3A_6, %mul3A_329 : i32
        %dma_start3A_331 = tpu.memref_slice %arg3[%add3A_330] : memref<320000xi32, #tpu.memory_space<hbm>> -> memref<40xi32, #tpu.memory_space<hbm>>
        %dma_start3A_332 = tpu.memref_slice %arg3[%add3A_330] : memref<320000xi32, #tpu.memory_space<hbm>> -> memref<40xi32, #tpu.memory_space<hbm>>
        tpu.enqueue_dma source(%dma_start3A_332 : memref<40xi32, #tpu.memory_space<hbm>>) target(%arg9 : memref<40xi32, #tpu.memory_space<vmem>>) target_semaphore(%arg28 : memref<!tpu.dma_semaphore, #tpu.memory_space<semaphore_mem>>)
        %dma_start3A_333 = tpu.memref_slice %arg4[%add3A_330] : memref<320000xi32, #tpu.memory_space<hbm>> -> memref<40xi32, #tpu.memory_space<hbm>>
        %dma_start3A_334 = tpu.memref_slice %arg4[%add3A_330] : memref<320000xi32, #tpu.memory_space<hbm>> -> memref<40xi32, #tpu.memory_space<hbm>>
        tpu.enqueue_dma source(%dma_start3A_334 : memref<40xi32, #tpu.memory_space<hbm>>) target(%arg15 : memref<40xi32, #tpu.memory_space<vmem>>) target_semaphore(%arg28 : memref<!tpu.dma_semaphore, #tpu.memory_space<semaphore_mem>>)
        %dma_wait3A_335 = arith.constant 0 : i32
        %dma_wait3A_336 = arith.constant 0 : i32
        %dma_wait3A_337 = tpu.memref_slice %arg25[%dma_wait3A_335, %dma_wait3A_336] : memref<10000x128xf32, #tpu.memory_space<vmem_shared>> -> memref<10000x128xf32, #tpu.memory_space<vmem_shared>>
        tpu.wait_indirect_dma semaphore(%arg41 : memref<!tpu.dma_semaphore, #tpu.memory_space<semaphore_mem>>) src(%arg22 : memref<40x128xf32, #tpu.memory_space<vmem>>) dst(%dma_wait3A_337 : memref<10000x128xf32, #tpu.memory_space<vmem_shared>>)
        %mul3A_338 = arith.constant 6 : i32
        %mul3A_339 = arith.muli %scan3A_178, %mul3A_338 : i32
        %add3A_340 = arith.constant 6 : i32
        %add3A_341 = arith.addi %mul3A_339, %add3A_340 : i32
        %add3A_342 = arith.constant 3 : i32
        %add3A_343 = arith.addi %add3A_341, %add3A_342 : i32
        %mul3A_344 = arith.constant 40 : i32
        %mul3A_345 = arith.muli %add3A_343, %mul3A_344 : i32
        %add3A_346 = arith.addi %mul3A_6, %mul3A_345 : i32
        %dma_start3A_347 = tpu.memref_slice %arg3[%add3A_346] : memref<320000xi32, #tpu.memory_space<hbm>> -> memref<40xi32, #tpu.memory_space<hbm>>
        %dma_start3A_348 = tpu.memref_slice %arg3[%add3A_346] : memref<320000xi32, #tpu.memory_space<hbm>> -> memref<40xi32, #tpu.memory_space<hbm>>
        tpu.enqueue_dma source(%dma_start3A_348 : memref<40xi32, #tpu.memory_space<hbm>>) target(%arg10 : memref<40xi32, #tpu.memory_space<vmem>>) target_semaphore(%arg29 : memref<!tpu.dma_semaphore, #tpu.memory_space<semaphore_mem>>)
        %dma_start3A_349 = tpu.memref_slice %arg4[%add3A_346] : memref<320000xi32, #tpu.memory_space<hbm>> -> memref<40xi32, #tpu.memory_space<hbm>>
        %dma_start3A_350 = tpu.memref_slice %arg4[%add3A_346] : memref<320000xi32, #tpu.memory_space<hbm>> -> memref<40xi32, #tpu.memory_space<hbm>>
        tpu.enqueue_dma source(%dma_start3A_350 : memref<40xi32, #tpu.memory_space<hbm>>) target(%arg16 : memref<40xi32, #tpu.memory_space<vmem>>) target_semaphore(%arg29 : memref<!tpu.dma_semaphore, #tpu.memory_space<semaphore_mem>>)
        %dma_wait3A_351 = arith.constant 0 : i32
        %dma_wait3A_352 = arith.constant 0 : i32
        %dma_wait3A_353 = tpu.memref_slice %arg25[%dma_wait3A_351, %dma_wait3A_352] : memref<10000x128xf32, #tpu.memory_space<vmem_shared>> -> memref<10000x128xf32, #tpu.memory_space<vmem_shared>>
        tpu.wait_indirect_dma semaphore(%arg42 : memref<!tpu.dma_semaphore, #tpu.memory_space<semaphore_mem>>) src(%arg23 : memref<40x128xf32, #tpu.memory_space<vmem>>) dst(%dma_wait3A_353 : memref<10000x128xf32, #tpu.memory_space<vmem_shared>>)
        %mul3A_354 = arith.constant 6 : i32
        %mul3A_355 = arith.muli %scan3A_178, %mul3A_354 : i32
        %add3A_356 = arith.constant 6 : i32
        %add3A_357 = arith.addi %mul3A_355, %add3A_356 : i32
        %add3A_358 = arith.constant 4 : i32
        %add3A_359 = arith.addi %add3A_357, %add3A_358 : i32
        %mul3A_360 = arith.constant 40 : i32
        %mul3A_361 = arith.muli %add3A_359, %mul3A_360 : i32
        %add3A_362 = arith.addi %mul3A_6, %mul3A_361 : i32
        %dma_start3A_363 = tpu.memref_slice %arg3[%add3A_362] : memref<320000xi32, #tpu.memory_space<hbm>> -> memref<40xi32, #tpu.memory_space<hbm>>
        %dma_start3A_364 = tpu.memref_slice %arg3[%add3A_362] : memref<320000xi32, #tpu.memory_space<hbm>> -> memref<40xi32, #tpu.memory_space<hbm>>
        tpu.enqueue_dma source(%dma_start3A_364 : memref<40xi32, #tpu.memory_space<hbm>>) target(%arg11 : memref<40xi32, #tpu.memory_space<vmem>>) target_semaphore(%arg30 : memref<!tpu.dma_semaphore, #tpu.memory_space<semaphore_mem>>)
        %dma_start3A_365 = tpu.memref_slice %arg4[%add3A_362] : memref<320000xi32, #tpu.memory_space<hbm>> -> memref<40xi32, #tpu.memory_space<hbm>>
        %dma_start3A_366 = tpu.memref_slice %arg4[%add3A_362] : memref<320000xi32, #tpu.memory_space<hbm>> -> memref<40xi32, #tpu.memory_space<hbm>>
        tpu.enqueue_dma source(%dma_start3A_366 : memref<40xi32, #tpu.memory_space<hbm>>) target(%arg17 : memref<40xi32, #tpu.memory_space<vmem>>) target_semaphore(%arg30 : memref<!tpu.dma_semaphore, #tpu.memory_space<semaphore_mem>>)
        %dma_wait3A_367 = arith.constant 0 : i32
        %dma_wait3A_368 = arith.constant 0 : i32
        %dma_wait3A_369 = tpu.memref_slice %arg25[%dma_wait3A_367, %dma_wait3A_368] : memref<10000x128xf32, #tpu.memory_space<vmem_shared>> -> memref<10000x128xf32, #tpu.memory_space<vmem_shared>>
        tpu.wait_indirect_dma semaphore(%arg43 : memref<!tpu.dma_semaphore, #tpu.memory_space<semaphore_mem>>) src(%arg24 : memref<40x128xf32, #tpu.memory_space<vmem>>) dst(%dma_wait3A_369 : memref<10000x128xf32, #tpu.memory_space<vmem_shared>>)
        %mul3A_370 = arith.constant 6 : i32
        %mul3A_371 = arith.muli %scan3A_178, %mul3A_370 : i32
        %add3A_372 = arith.constant 6 : i32
        %add3A_373 = arith.addi %mul3A_371, %add3A_372 : i32
        %add3A_374 = arith.constant 5 : i32
        %add3A_375 = arith.addi %add3A_373, %add3A_374 : i32
        %mul3A_376 = arith.constant 40 : i32
        %mul3A_377 = arith.muli %add3A_375, %mul3A_376 : i32
        %add3A_378 = arith.addi %mul3A_6, %mul3A_377 : i32
        %dma_start3A_379 = tpu.memref_slice %arg3[%add3A_378] : memref<320000xi32, #tpu.memory_space<hbm>> -> memref<40xi32, #tpu.memory_space<hbm>>
        %dma_start3A_380 = tpu.memref_slice %arg3[%add3A_378] : memref<320000xi32, #tpu.memory_space<hbm>> -> memref<40xi32, #tpu.memory_space<hbm>>
        tpu.enqueue_dma source(%dma_start3A_380 : memref<40xi32, #tpu.memory_space<hbm>>) target(%arg12 : memref<40xi32, #tpu.memory_space<vmem>>) target_semaphore(%arg31 : memref<!tpu.dma_semaphore, #tpu.memory_space<semaphore_mem>>)
        %dma_start3A_381 = tpu.memref_slice %arg4[%add3A_378] : memref<320000xi32, #tpu.memory_space<hbm>> -> memref<40xi32, #tpu.memory_space<hbm>>
        %dma_start3A_382 = tpu.memref_slice %arg4[%add3A_378] : memref<320000xi32, #tpu.memory_space<hbm>> -> memref<40xi32, #tpu.memory_space<hbm>>
        tpu.enqueue_dma source(%dma_start3A_382 : memref<40xi32, #tpu.memory_space<hbm>>) target(%arg18 : memref<40xi32, #tpu.memory_space<vmem>>) target_semaphore(%arg31 : memref<!tpu.dma_semaphore, #tpu.memory_space<semaphore_mem>>)
      } else {
      }
      %scan3A_286 = arith.constant 0 : i32
      scf.yield %scan3A_286 : i32
    }
    %scan3A_47 = arith.constant 41 : i32
    %dma_wait3A = arith.constant 0 : i32
    %dma_wait3A_48 = arith.constant 0 : i32
    %dma_wait3A_49 = tpu.memref_slice %arg25[%dma_wait3A, %dma_wait3A_48] : memref<10000x128xf32, #tpu.memory_space<vmem_shared>> -> memref<10000x128xf32, #tpu.memory_space<vmem_shared>>
    tpu.wait_indirect_dma semaphore(%arg38 : memref<!tpu.dma_semaphore, #tpu.memory_space<semaphore_mem>>) src(%arg19 : memref<40x128xf32, #tpu.memory_space<vmem>>) dst(%dma_wait3A_49 : memref<10000x128xf32, #tpu.memory_space<vmem_shared>>)
    %add3A_50 = arith.constant 9840 : i32
    %add3A_51 = arith.addi %mul3A_6, %add3A_50 : i32
    %dma_start3A_52 = tpu.memref_slice %arg3[%add3A_51] : memref<320000xi32, #tpu.memory_space<hbm>> -> memref<40xi32, #tpu.memory_space<hbm>>
    %dma_start3A_53 = tpu.memref_slice %arg3[%add3A_51] : memref<320000xi32, #tpu.memory_space<hbm>> -> memref<40xi32, #tpu.memory_space<hbm>>
    tpu.enqueue_dma source(%dma_start3A_53 : memref<40xi32, #tpu.memory_space<hbm>>) target(%arg7 : memref<40xi32, #tpu.memory_space<vmem>>) target_semaphore(%arg26 : memref<!tpu.dma_semaphore, #tpu.memory_space<semaphore_mem>>)
    %dma_start3A_54 = tpu.memref_slice %arg4[%add3A_51] : memref<320000xi32, #tpu.memory_space<hbm>> -> memref<40xi32, #tpu.memory_space<hbm>>
    %dma_start3A_55 = tpu.memref_slice %arg4[%add3A_51] : memref<320000xi32, #tpu.memory_space<hbm>> -> memref<40xi32, #tpu.memory_space<hbm>>
    tpu.enqueue_dma source(%dma_start3A_55 : memref<40xi32, #tpu.memory_space<hbm>>) target(%arg13 : memref<40xi32, #tpu.memory_space<vmem>>) target_semaphore(%arg26 : memref<!tpu.dma_semaphore, #tpu.memory_space<semaphore_mem>>)
    %dma_wait3A_56 = arith.constant 0 : i32
    %dma_wait3A_57 = arith.constant 0 : i32
    %dma_wait3A_58 = tpu.memref_slice %arg25[%dma_wait3A_56, %dma_wait3A_57] : memref<10000x128xf32, #tpu.memory_space<vmem_shared>> -> memref<10000x128xf32, #tpu.memory_space<vmem_shared>>
    tpu.wait_indirect_dma semaphore(%arg39 : memref<!tpu.dma_semaphore, #tpu.memory_space<semaphore_mem>>) src(%arg20 : memref<40x128xf32, #tpu.memory_space<vmem>>) dst(%dma_wait3A_58 : memref<10000x128xf32, #tpu.memory_space<vmem_shared>>)
    %add3A_59 = arith.constant 9880 : i32
    %add3A_60 = arith.addi %mul3A_6, %add3A_59 : i32
    %dma_start3A_61 = tpu.memref_slice %arg3[%add3A_60] : memref<320000xi32, #tpu.memory_space<hbm>> -> memref<40xi32, #tpu.memory_space<hbm>>
    %dma_start3A_62 = tpu.memref_slice %arg3[%add3A_60] : memref<320000xi32, #tpu.memory_space<hbm>> -> memref<40xi32, #tpu.memory_space<hbm>>
    tpu.enqueue_dma source(%dma_start3A_62 : memref<40xi32, #tpu.memory_space<hbm>>) target(%arg8 : memref<40xi32, #tpu.memory_space<vmem>>) target_semaphore(%arg27 : memref<!tpu.dma_semaphore, #tpu.memory_space<semaphore_mem>>)
    %dma_start3A_63 = tpu.memref_slice %arg4[%add3A_60] : memref<320000xi32, #tpu.memory_space<hbm>> -> memref<40xi32, #tpu.memory_space<hbm>>
    %dma_start3A_64 = tpu.memref_slice %arg4[%add3A_60] : memref<320000xi32, #tpu.memory_space<hbm>> -> memref<40xi32, #tpu.memory_space<hbm>>
    tpu.enqueue_dma source(%dma_start3A_64 : memref<40xi32, #tpu.memory_space<hbm>>) target(%arg14 : memref<40xi32, #tpu.memory_space<vmem>>) target_semaphore(%arg27 : memref<!tpu.dma_semaphore, #tpu.memory_space<semaphore_mem>>)
    %dma_wait3A_65 = arith.constant 0 : i32
    %dma_wait3A_66 = arith.constant 0 : i32
    %dma_wait3A_67 = tpu.memref_slice %arg25[%dma_wait3A_65, %dma_wait3A_66] : memref<10000x128xf32, #tpu.memory_space<vmem_shared>> -> memref<10000x128xf32, #tpu.memory_space<vmem_shared>>
    tpu.wait_indirect_dma semaphore(%arg40 : memref<!tpu.dma_semaphore, #tpu.memory_space<semaphore_mem>>) src(%arg21 : memref<40x128xf32, #tpu.memory_space<vmem>>) dst(%dma_wait3A_67 : memref<10000x128xf32, #tpu.memory_space<vmem_shared>>)
    %add3A_68 = arith.constant 9920 : i32
    %add3A_69 = arith.addi %mul3A_6, %add3A_68 : i32
    %dma_start3A_70 = tpu.memref_slice %arg3[%add3A_69] : memref<320000xi32, #tpu.memory_space<hbm>> -> memref<40xi32, #tpu.memory_space<hbm>>
    %dma_start3A_71 = tpu.memref_slice %arg3[%add3A_69] : memref<320000xi32, #tpu.memory_space<hbm>> -> memref<40xi32, #tpu.memory_space<hbm>>
    tpu.enqueue_dma source(%dma_start3A_71 : memref<40xi32, #tpu.memory_space<hbm>>) target(%arg9 : memref<40xi32, #tpu.memory_space<vmem>>) target_semaphore(%arg28 : memref<!tpu.dma_semaphore, #tpu.memory_space<semaphore_mem>>)
    %dma_start3A_72 = tpu.memref_slice %arg4[%add3A_69] : memref<320000xi32, #tpu.memory_space<hbm>> -> memref<40xi32, #tpu.memory_space<hbm>>
    %dma_start3A_73 = tpu.memref_slice %arg4[%add3A_69] : memref<320000xi32, #tpu.memory_space<hbm>> -> memref<40xi32, #tpu.memory_space<hbm>>
    tpu.enqueue_dma source(%dma_start3A_73 : memref<40xi32, #tpu.memory_space<hbm>>) target(%arg15 : memref<40xi32, #tpu.memory_space<vmem>>) target_semaphore(%arg28 : memref<!tpu.dma_semaphore, #tpu.memory_space<semaphore_mem>>)
    %dma_wait3A_74 = arith.constant 0 : i32
    %dma_wait3A_75 = arith.constant 0 : i32
    %dma_wait3A_76 = tpu.memref_slice %arg25[%dma_wait3A_74, %dma_wait3A_75] : memref<10000x128xf32, #tpu.memory_space<vmem_shared>> -> memref<10000x128xf32, #tpu.memory_space<vmem_shared>>
    tpu.wait_indirect_dma semaphore(%arg41 : memref<!tpu.dma_semaphore, #tpu.memory_space<semaphore_mem>>) src(%arg22 : memref<40x128xf32, #tpu.memory_space<vmem>>) dst(%dma_wait3A_76 : memref<10000x128xf32, #tpu.memory_space<vmem_shared>>)
    %add3A_77 = arith.constant 9960 : i32
    %add3A_78 = arith.addi %mul3A_6, %add3A_77 : i32
    %dma_start3A_79 = tpu.memref_slice %arg3[%add3A_78] : memref<320000xi32, #tpu.memory_space<hbm>> -> memref<40xi32, #tpu.memory_space<hbm>>
    %dma_start3A_80 = tpu.memref_slice %arg3[%add3A_78] : memref<320000xi32, #tpu.memory_space<hbm>> -> memref<40xi32, #tpu.memory_space<hbm>>
    tpu.enqueue_dma source(%dma_start3A_80 : memref<40xi32, #tpu.memory_space<hbm>>) target(%arg10 : memref<40xi32, #tpu.memory_space<vmem>>) target_semaphore(%arg29 : memref<!tpu.dma_semaphore, #tpu.memory_space<semaphore_mem>>)
    %dma_start3A_81 = tpu.memref_slice %arg4[%add3A_78] : memref<320000xi32, #tpu.memory_space<hbm>> -> memref<40xi32, #tpu.memory_space<hbm>>
    %dma_start3A_82 = tpu.memref_slice %arg4[%add3A_78] : memref<320000xi32, #tpu.memory_space<hbm>> -> memref<40xi32, #tpu.memory_space<hbm>>
    tpu.enqueue_dma source(%dma_start3A_82 : memref<40xi32, #tpu.memory_space<hbm>>) target(%arg16 : memref<40xi32, #tpu.memory_space<vmem>>) target_semaphore(%arg29 : memref<!tpu.dma_semaphore, #tpu.memory_space<semaphore_mem>>)
    %dma_wait3A_83 = arith.constant 0 : i32
    %dma_wait3A_84 = tpu.memref_slice %arg3[%dma_wait3A_83] : memref<320000xi32, #tpu.memory_space<hbm>> -> memref<40xi32, #tpu.memory_space<hbm>>
    %dma_wait3A_85 = arith.constant 0 : i32
    %dma_wait3A_86 = tpu.memref_slice %arg3[%dma_wait3A_85] : memref<320000xi32, #tpu.memory_space<hbm>> -> memref<40xi32, #tpu.memory_space<hbm>>
    tpu.wait_dma2 semaphore(%arg26 : memref<!tpu.dma_semaphore, #tpu.memory_space<semaphore_mem>>) src(%dma_wait3A_86 : memref<40xi32, #tpu.memory_space<hbm>>) dst(%arg7 : memref<40xi32, #tpu.memory_space<vmem>>)
    %dma_wait3A_87 = arith.constant 0 : i32
    %dma_wait3A_88 = tpu.memref_slice %arg4[%dma_wait3A_87] : memref<320000xi32, #tpu.memory_space<hbm>> -> memref<40xi32, #tpu.memory_space<hbm>>
    %dma_wait3A_89 = arith.constant 0 : i32
    %dma_wait3A_90 = tpu.memref_slice %arg4[%dma_wait3A_89] : memref<320000xi32, #tpu.memory_space<hbm>> -> memref<40xi32, #tpu.memory_space<hbm>>
    tpu.wait_dma2 semaphore(%arg26 : memref<!tpu.dma_semaphore, #tpu.memory_space<semaphore_mem>>) src(%dma_wait3A_90 : memref<40xi32, #tpu.memory_space<hbm>>) dst(%arg13 : memref<40xi32, #tpu.memory_space<vmem>>)
    %dma_start3A_91 = arith.constant 0 : i32
    %dma_start3A_92 = arith.constant 0 : i32
    %dma_start3A_93 = tpu.memref_slice %arg2[%dma_start3A_91, %dma_start3A_92] : memref<10000x128xf32, #tpu.memory_space<hbm>> -> memref<10000x128xf32, #tpu.memory_space<hbm>>
    tpu.enqueue_indirect_dma source(%dma_start3A_93 : memref<10000x128xf32, #tpu.memory_space<hbm>>) target(%arg19 : memref<40x128xf32, #tpu.memory_space<vmem>>) offsets(%arg7 : memref<40xi32, #tpu.memory_space<vmem>>) semaphore(%arg32 : memref<!tpu.dma_semaphore, #tpu.memory_space<semaphore_mem>>)
    %dma_wait3A_94 = arith.constant 0 : i32
    %dma_wait3A_95 = tpu.memref_slice %arg3[%dma_wait3A_94] : memref<320000xi32, #tpu.memory_space<hbm>> -> memref<40xi32, #tpu.memory_space<hbm>>
    %dma_wait3A_96 = arith.constant 0 : i32
    %dma_wait3A_97 = tpu.memref_slice %arg3[%dma_wait3A_96] : memref<320000xi32, #tpu.memory_space<hbm>> -> memref<40xi32, #tpu.memory_space<hbm>>
    tpu.wait_dma2 semaphore(%arg27 : memref<!tpu.dma_semaphore, #tpu.memory_space<semaphore_mem>>) src(%dma_wait3A_97 : memref<40xi32, #tpu.memory_space<hbm>>) dst(%arg8 : memref<40xi32, #tpu.memory_space<vmem>>)
    %dma_wait3A_98 = arith.constant 0 : i32
    %dma_wait3A_99 = tpu.memref_slice %arg4[%dma_wait3A_98] : memref<320000xi32, #tpu.memory_space<hbm>> -> memref<40xi32, #tpu.memory_space<hbm>>
    %dma_wait3A_100 = arith.constant 0 : i32
    %dma_wait3A_101 = tpu.memref_slice %arg4[%dma_wait3A_100] : memref<320000xi32, #tpu.memory_space<hbm>> -> memref<40xi32, #tpu.memory_space<hbm>>
    tpu.wait_dma2 semaphore(%arg27 : memref<!tpu.dma_semaphore, #tpu.memory_space<semaphore_mem>>) src(%dma_wait3A_101 : memref<40xi32, #tpu.memory_space<hbm>>) dst(%arg14 : memref<40xi32, #tpu.memory_space<vmem>>)
    %dma_start3A_102 = arith.constant 0 : i32
    %dma_start3A_103 = arith.constant 0 : i32
    %dma_start3A_104 = tpu.memref_slice %arg2[%dma_start3A_102, %dma_start3A_103] : memref<10000x128xf32, #tpu.memory_space<hbm>> -> memref<10000x128xf32, #tpu.memory_space<hbm>>
    tpu.enqueue_indirect_dma source(%dma_start3A_104 : memref<10000x128xf32, #tpu.memory_space<hbm>>) target(%arg20 : memref<40x128xf32, #tpu.memory_space<vmem>>) offsets(%arg8 : memref<40xi32, #tpu.memory_space<vmem>>) semaphore(%arg33 : memref<!tpu.dma_semaphore, #tpu.memory_space<semaphore_mem>>)
    %dma_wait3A_105 = arith.constant 0 : i32
    %dma_wait3A_106 = tpu.memref_slice %arg3[%dma_wait3A_105] : memref<320000xi32, #tpu.memory_space<hbm>> -> memref<40xi32, #tpu.memory_space<hbm>>
    %dma_wait3A_107 = arith.constant 0 : i32
    %dma_wait3A_108 = tpu.memref_slice %arg3[%dma_wait3A_107] : memref<320000xi32, #tpu.memory_space<hbm>> -> memref<40xi32, #tpu.memory_space<hbm>>
    tpu.wait_dma2 semaphore(%arg28 : memref<!tpu.dma_semaphore, #tpu.memory_space<semaphore_mem>>) src(%dma_wait3A_108 : memref<40xi32, #tpu.memory_space<hbm>>) dst(%arg9 : memref<40xi32, #tpu.memory_space<vmem>>)
    %dma_wait3A_109 = arith.constant 0 : i32
    %dma_wait3A_110 = tpu.memref_slice %arg4[%dma_wait3A_109] : memref<320000xi32, #tpu.memory_space<hbm>> -> memref<40xi32, #tpu.memory_space<hbm>>
    %dma_wait3A_111 = arith.constant 0 : i32
    %dma_wait3A_112 = tpu.memref_slice %arg4[%dma_wait3A_111] : memref<320000xi32, #tpu.memory_space<hbm>> -> memref<40xi32, #tpu.memory_space<hbm>>
    tpu.wait_dma2 semaphore(%arg28 : memref<!tpu.dma_semaphore, #tpu.memory_space<semaphore_mem>>) src(%dma_wait3A_112 : memref<40xi32, #tpu.memory_space<hbm>>) dst(%arg15 : memref<40xi32, #tpu.memory_space<vmem>>)
    %dma_start3A_113 = arith.constant 0 : i32
    %dma_start3A_114 = arith.constant 0 : i32
    %dma_start3A_115 = tpu.memref_slice %arg2[%dma_start3A_113, %dma_start3A_114] : memref<10000x128xf32, #tpu.memory_space<hbm>> -> memref<10000x128xf32, #tpu.memory_space<hbm>>
    tpu.enqueue_indirect_dma source(%dma_start3A_115 : memref<10000x128xf32, #tpu.memory_space<hbm>>) target(%arg21 : memref<40x128xf32, #tpu.memory_space<vmem>>) offsets(%arg9 : memref<40xi32, #tpu.memory_space<vmem>>) semaphore(%arg34 : memref<!tpu.dma_semaphore, #tpu.memory_space<semaphore_mem>>)
    %dma_wait3A_116 = arith.constant 0 : i32
    %dma_wait3A_117 = tpu.memref_slice %arg3[%dma_wait3A_116] : memref<320000xi32, #tpu.memory_space<hbm>> -> memref<40xi32, #tpu.memory_space<hbm>>
    %dma_wait3A_118 = arith.constant 0 : i32
    %dma_wait3A_119 = tpu.memref_slice %arg3[%dma_wait3A_118] : memref<320000xi32, #tpu.memory_space<hbm>> -> memref<40xi32, #tpu.memory_space<hbm>>
    tpu.wait_dma2 semaphore(%arg29 : memref<!tpu.dma_semaphore, #tpu.memory_space<semaphore_mem>>) src(%dma_wait3A_119 : memref<40xi32, #tpu.memory_space<hbm>>) dst(%arg10 : memref<40xi32, #tpu.memory_space<vmem>>)
    %dma_wait3A_120 = arith.constant 0 : i32
    %dma_wait3A_121 = tpu.memref_slice %arg4[%dma_wait3A_120] : memref<320000xi32, #tpu.memory_space<hbm>> -> memref<40xi32, #tpu.memory_space<hbm>>
    %dma_wait3A_122 = arith.constant 0 : i32
    %dma_wait3A_123 = tpu.memref_slice %arg4[%dma_wait3A_122] : memref<320000xi32, #tpu.memory_space<hbm>> -> memref<40xi32, #tpu.memory_space<hbm>>
    tpu.wait_dma2 semaphore(%arg29 : memref<!tpu.dma_semaphore, #tpu.memory_space<semaphore_mem>>) src(%dma_wait3A_123 : memref<40xi32, #tpu.memory_space<hbm>>) dst(%arg16 : memref<40xi32, #tpu.memory_space<vmem>>)
    %dma_start3A_124 = arith.constant 0 : i32
    %dma_start3A_125 = arith.constant 0 : i32
    %dma_start3A_126 = tpu.memref_slice %arg2[%dma_start3A_124, %dma_start3A_125] : memref<10000x128xf32, #tpu.memory_space<hbm>> -> memref<10000x128xf32, #tpu.memory_space<hbm>>
    tpu.enqueue_indirect_dma source(%dma_start3A_126 : memref<10000x128xf32, #tpu.memory_space<hbm>>) target(%arg22 : memref<40x128xf32, #tpu.memory_space<vmem>>) offsets(%arg10 : memref<40xi32, #tpu.memory_space<vmem>>) semaphore(%arg35 : memref<!tpu.dma_semaphore, #tpu.memory_space<semaphore_mem>>)
    %dma_wait3A_127 = arith.constant 0 : i32
    %dma_wait3A_128 = arith.constant 0 : i32
    %dma_wait3A_129 = tpu.memref_slice %arg2[%dma_wait3A_127, %dma_wait3A_128] : memref<10000x128xf32, #tpu.memory_space<hbm>> -> memref<10000x128xf32, #tpu.memory_space<hbm>>
    tpu.wait_indirect_dma semaphore(%arg32 : memref<!tpu.dma_semaphore, #tpu.memory_space<semaphore_mem>>) src(%dma_wait3A_129 : memref<10000x128xf32, #tpu.memory_space<hbm>>) dst(%arg19 : memref<40x128xf32, #tpu.memory_space<vmem>>)
    %dma_start3A_130 = arith.constant 0 : i32
    %dma_start3A_131 = arith.constant 0 : i32
    %dma_start3A_132 = tpu.memref_slice %arg25[%dma_start3A_130, %dma_start3A_131] : memref<10000x128xf32, #tpu.memory_space<vmem_shared>> -> memref<10000x128xf32, #tpu.memory_space<vmem_shared>>
    tpu.enqueue_indirect_dma source(%arg19 : memref<40x128xf32, #tpu.memory_space<vmem>>) target(%dma_start3A_132 : memref<10000x128xf32, #tpu.memory_space<vmem_shared>>) offsets(%arg13 : memref<40xi32, #tpu.memory_space<vmem>>) semaphore(%arg38 : memref<!tpu.dma_semaphore, #tpu.memory_space<semaphore_mem>>) {add = true}
    %dma_wait3A_133 = arith.constant 0 : i32
    %dma_wait3A_134 = arith.constant 0 : i32
    %dma_wait3A_135 = tpu.memref_slice %arg2[%dma_wait3A_133, %dma_wait3A_134] : memref<10000x128xf32, #tpu.memory_space<hbm>> -> memref<10000x128xf32, #tpu.memory_space<hbm>>
    tpu.wait_indirect_dma semaphore(%arg33 : memref<!tpu.dma_semaphore, #tpu.memory_space<semaphore_mem>>) src(%dma_wait3A_135 : memref<10000x128xf32, #tpu.memory_space<hbm>>) dst(%arg20 : memref<40x128xf32, #tpu.memory_space<vmem>>)
    %dma_start3A_136 = arith.constant 0 : i32
    %dma_start3A_137 = arith.constant 0 : i32
    %dma_start3A_138 = tpu.memref_slice %arg25[%dma_start3A_136, %dma_start3A_137] : memref<10000x128xf32, #tpu.memory_space<vmem_shared>> -> memref<10000x128xf32, #tpu.memory_space<vmem_shared>>
    tpu.enqueue_indirect_dma source(%arg20 : memref<40x128xf32, #tpu.memory_space<vmem>>) target(%dma_start3A_138 : memref<10000x128xf32, #tpu.memory_space<vmem_shared>>) offsets(%arg14 : memref<40xi32, #tpu.memory_space<vmem>>) semaphore(%arg39 : memref<!tpu.dma_semaphore, #tpu.memory_space<semaphore_mem>>) {add = true}
    %dma_wait3A_139 = arith.constant 0 : i32
    %dma_wait3A_140 = arith.constant 0 : i32
    %dma_wait3A_141 = tpu.memref_slice %arg2[%dma_wait3A_139, %dma_wait3A_140] : memref<10000x128xf32, #tpu.memory_space<hbm>> -> memref<10000x128xf32, #tpu.memory_space<hbm>>
    tpu.wait_indirect_dma semaphore(%arg34 : memref<!tpu.dma_semaphore, #tpu.memory_space<semaphore_mem>>) src(%dma_wait3A_141 : memref<10000x128xf32, #tpu.memory_space<hbm>>) dst(%arg21 : memref<40x128xf32, #tpu.memory_space<vmem>>)
    %dma_start3A_142 = arith.constant 0 : i32
    %dma_start3A_143 = arith.constant 0 : i32
    %dma_start3A_144 = tpu.memref_slice %arg25[%dma_start3A_142, %dma_start3A_143] : memref<10000x128xf32, #tpu.memory_space<vmem_shared>> -> memref<10000x128xf32, #tpu.memory_space<vmem_shared>>
    tpu.enqueue_indirect_dma source(%arg21 : memref<40x128xf32, #tpu.memory_space<vmem>>) target(%dma_start3A_144 : memref<10000x128xf32, #tpu.memory_space<vmem_shared>>) offsets(%arg15 : memref<40xi32, #tpu.memory_space<vmem>>) semaphore(%arg40 : memref<!tpu.dma_semaphore, #tpu.memory_space<semaphore_mem>>) {add = true}
    %dma_wait3A_145 = arith.constant 0 : i32
    %dma_wait3A_146 = arith.constant 0 : i32
    %dma_wait3A_147 = tpu.memref_slice %arg2[%dma_wait3A_145, %dma_wait3A_146] : memref<10000x128xf32, #tpu.memory_space<hbm>> -> memref<10000x128xf32, #tpu.memory_space<hbm>>
    tpu.wait_indirect_dma semaphore(%arg35 : memref<!tpu.dma_semaphore, #tpu.memory_space<semaphore_mem>>) src(%dma_wait3A_147 : memref<10000x128xf32, #tpu.memory_space<hbm>>) dst(%arg22 : memref<40x128xf32, #tpu.memory_space<vmem>>)
    %dma_start3A_148 = arith.constant 0 : i32
    %dma_start3A_149 = arith.constant 0 : i32
    %dma_start3A_150 = tpu.memref_slice %arg25[%dma_start3A_148, %dma_start3A_149] : memref<10000x128xf32, #tpu.memory_space<vmem_shared>> -> memref<10000x128xf32, #tpu.memory_space<vmem_shared>>
    tpu.enqueue_indirect_dma source(%arg22 : memref<40x128xf32, #tpu.memory_space<vmem>>) target(%dma_start3A_150 : memref<10000x128xf32, #tpu.memory_space<vmem_shared>>) offsets(%arg16 : memref<40xi32, #tpu.memory_space<vmem>>) semaphore(%arg41 : memref<!tpu.dma_semaphore, #tpu.memory_space<semaphore_mem>>) {add = true}
    %dma_wait3A_151 = arith.constant 0 : i32
    %dma_wait3A_152 = arith.constant 0 : i32
    %dma_wait3A_153 = tpu.memref_slice %arg25[%dma_wait3A_151, %dma_wait3A_152] : memref<10000x128xf32, #tpu.memory_space<vmem_shared>> -> memref<10000x128xf32, #tpu.memory_space<vmem_shared>>
    tpu.wait_indirect_dma semaphore(%arg38 : memref<!tpu.dma_semaphore, #tpu.memory_space<semaphore_mem>>) src(%arg19 : memref<40x128xf32, #tpu.memory_space<vmem>>) dst(%dma_wait3A_153 : memref<10000x128xf32, #tpu.memory_space<vmem_shared>>)
    %dma_wait3A_154 = arith.constant 0 : i32
    %dma_wait3A_155 = arith.constant 0 : i32
    %dma_wait3A_156 = tpu.memref_slice %arg25[%dma_wait3A_154, %dma_wait3A_155] : memref<10000x128xf32, #tpu.memory_space<vmem_shared>> -> memref<10000x128xf32, #tpu.memory_space<vmem_shared>>
    tpu.wait_indirect_dma semaphore(%arg39 : memref<!tpu.dma_semaphore, #tpu.memory_space<semaphore_mem>>) src(%arg20 : memref<40x128xf32, #tpu.memory_space<vmem>>) dst(%dma_wait3A_156 : memref<10000x128xf32, #tpu.memory_space<vmem_shared>>)
    %dma_wait3A_157 = arith.constant 0 : i32
    %dma_wait3A_158 = arith.constant 0 : i32
    %dma_wait3A_159 = tpu.memref_slice %arg25[%dma_wait3A_157, %dma_wait3A_158] : memref<10000x128xf32, #tpu.memory_space<vmem_shared>> -> memref<10000x128xf32, #tpu.memory_space<vmem_shared>>
    tpu.wait_indirect_dma semaphore(%arg40 : memref<!tpu.dma_semaphore, #tpu.memory_space<semaphore_mem>>) src(%arg21 : memref<40x128xf32, #tpu.memory_space<vmem>>) dst(%dma_wait3A_159 : memref<10000x128xf32, #tpu.memory_space<vmem_shared>>)
    %dma_wait3A_160 = arith.constant 0 : i32
    %dma_wait3A_161 = arith.constant 0 : i32
    %dma_wait3A_162 = tpu.memref_slice %arg25[%dma_wait3A_160, %dma_wait3A_161] : memref<10000x128xf32, #tpu.memory_space<vmem_shared>> -> memref<10000x128xf32, #tpu.memory_space<vmem_shared>>
    tpu.wait_indirect_dma semaphore(%arg41 : memref<!tpu.dma_semaphore, #tpu.memory_space<semaphore_mem>>) src(%arg22 : memref<40x128xf32, #tpu.memory_space<vmem>>) dst(%dma_wait3A_162 : memref<10000x128xf32, #tpu.memory_space<vmem_shared>>)
    %dma_wait3A_163 = arith.constant 0 : i32
    %dma_wait3A_164 = arith.constant 0 : i32
    %dma_wait3A_165 = tpu.memref_slice %arg25[%dma_wait3A_163, %dma_wait3A_164] : memref<10000x128xf32, #tpu.memory_space<vmem_shared>> -> memref<10000x128xf32, #tpu.memory_space<vmem_shared>>
    tpu.wait_indirect_dma semaphore(%arg42 : memref<!tpu.dma_semaphore, #tpu.memory_space<semaphore_mem>>) src(%arg23 : memref<40x128xf32, #tpu.memory_space<vmem>>) dst(%dma_wait3A_165 : memref<10000x128xf32, #tpu.memory_space<vmem_shared>>)
    %dma_wait3A_166 = arith.constant 0 : i32
    %dma_wait3A_167 = arith.constant 0 : i32
    %dma_wait3A_168 = tpu.memref_slice %arg25[%dma_wait3A_166, %dma_wait3A_167] : memref<10000x128xf32, #tpu.memory_space<vmem_shared>> -> memref<10000x128xf32, #tpu.memory_space<vmem_shared>>
    tpu.wait_indirect_dma semaphore(%arg43 : memref<!tpu.dma_semaphore, #tpu.memory_space<semaphore_mem>>) src(%arg24 : memref<40x128xf32, #tpu.memory_space<vmem>>) dst(%dma_wait3A_168 : memref<10000x128xf32, #tpu.memory_space<vmem_shared>>)
    %barrier3A_169 = arith.constant 0 : index
    tpu.barrier barrier_id(%barrier3A_169)
    %mul3A_170 = arith.constant 10000 : i32
    %mul3A_171 = arith.muli %arg0, %mul3A_170 : i32
    %add3A_172 = arith.addi %mul3A_171, %mul3A_2 : i32
    "tpu.region"() ({
      %run_scoped3A = tpu.sem_alloc : memref<!tpu.dma_semaphore, #tpu.memory_space<semaphore_mem>>
      %dma_start3A_178 = arith.constant 0 : i32
      %dma_start3A_179 = tpu.memref_slice %arg6[%add3A_172, %dma_start3A_178] : memref<20000x128xf32, #tpu.memory_space<hbm>> -> memref<624x128xf32, #tpu.memory_space<hbm>>
      %dma_start3A_180 = arith.constant 0 : i32
      %dma_start3A_181 = tpu.memref_slice %arg25[%mul3A_2, %dma_start3A_180] : memref<10000x128xf32, #tpu.memory_space<vmem_shared>> -> memref<624x128xf32, #tpu.memory_space<vmem_shared>>
      tpu.enqueue_dma source(%dma_start3A_181 : memref<624x128xf32, #tpu.memory_space<vmem_shared>>) target(%dma_start3A_179 : memref<624x128xf32, #tpu.memory_space<hbm>>) target_semaphore(%run_scoped3A : memref<!tpu.dma_semaphore, #tpu.memory_space<semaphore_mem>>)
      %dma_wait3A_182 = arith.constant 0 : i32
      %dma_wait3A_183 = tpu.memref_slice %arg6[%add3A_172, %dma_wait3A_182] : memref<20000x128xf32, #tpu.memory_space<hbm>> -> memref<624x128xf32, #tpu.memory_space<hbm>>
      %dma_wait3A_184 = arith.constant 0 : i32
      %dma_wait3A_185 = tpu.memref_slice %arg25[%mul3A_2, %dma_wait3A_184] : memref<10000x128xf32, #tpu.memory_space<vmem_shared>> -> memref<624x128xf32, #tpu.memory_space<vmem_shared>>
      tpu.wait_dma2 semaphore(%run_scoped3A : memref<!tpu.dma_semaphore, #tpu.memory_space<semaphore_mem>>) src(%dma_wait3A_185 : memref<624x128xf32, #tpu.memory_space<vmem_shared>>) dst(%dma_wait3A_183 : memref<624x128xf32, #tpu.memory_space<hbm>>)
      tpu.yield
    }) : () -> ()
    %eq3A_173 = arith.constant 15 : i32
    %eq3A_174 = arith.cmpi eq, %arg1, %eq3A_173 : i32
    %convert_element_type3A_175 = arith.extui %eq3A_174 : i1 to i32
    %cond3A_176 = arith.constant 0 : i32
    %cond3A_177 = arith.cmpi ne, %convert_element_type3A_175, %cond3A_176 : i32
    scf.if %cond3A_177 {
      %mul3A_178 = arith.constant 10000 : i32
      %mul3A_179 = arith.muli %arg0, %mul3A_178 : i32
      %add3A_180 = arith.constant 10000 : i32
      %add3A_181 = arith.addi %mul3A_179, %add3A_180 : i32
      %sub3A = arith.constant 16 : i32
      %sub3A_182 = arith.subi %add3A_181, %sub3A : i32
      "tpu.region"() ({
        %run_scoped3A = tpu.sem_alloc : memref<!tpu.dma_semaphore, #tpu.memory_space<semaphore_mem>>
        %dma_start3A_183 = arith.constant 0 : i32
        %dma_start3A_184 = tpu.memref_slice %arg6[%sub3A_182, %dma_start3A_183] : memref<20000x128xf32, #tpu.memory_space<hbm>> -> memref<16x128xf32, #tpu.memory_space<hbm>>
        %dma_start3A_185 = arith.constant 9984 : i32
        %dma_start3A_186 = arith.constant 0 : i32
        %dma_start3A_187 = tpu.memref_slice %arg25[%dma_start3A_185, %dma_start3A_186] : memref<10000x128xf32, #tpu.memory_space<vmem_shared>> -> memref<16x128xf32, #tpu.memory_space<vmem_shared>>
        tpu.enqueue_dma source(%dma_start3A_187 : memref<16x128xf32, #tpu.memory_space<vmem_shared>>) target(%dma_start3A_184 : memref<16x128xf32, #tpu.memory_space<hbm>>) target_semaphore(%run_scoped3A : memref<!tpu.dma_semaphore, #tpu.memory_space<semaphore_mem>>)
        %dma_wait3A_188 = arith.constant 0 : i32
        %dma_wait3A_189 = tpu.memref_slice %arg6[%sub3A_182, %dma_wait3A_188] : memref<20000x128xf32, #tpu.memory_space<hbm>> -> memref<16x128xf32, #tpu.memory_space<hbm>>
        %dma_wait3A_190 = arith.constant 9984 : i32
        %dma_wait3A_191 = arith.constant 0 : i32
        %dma_wait3A_192 = tpu.memref_slice %arg25[%dma_wait3A_190, %dma_wait3A_191] : memref<10000x128xf32, #tpu.memory_space<vmem_shared>> -> memref<16x128xf32, #tpu.memory_space<vmem_shared>>
        tpu.wait_dma2 semaphore(%run_scoped3A : memref<!tpu.dma_semaphore, #tpu.memory_space<semaphore_mem>>) src(%dma_wait3A_192 : memref<16x128xf32, #tpu.memory_space<vmem_shared>>) dst(%dma_wait3A_189 : memref<16x128xf32, #tpu.memory_space<hbm>>)
        tpu.yield
      }) : () -> ()
    } else {
    }
    return
  }
}

#map = affine_map<(d0, d1) -> (0)>
module attributes {stable_mosaic.version = 14 : i64} {
  func.func @_sc_degree(%arg0: i32, %arg1: i32, %arg2: memref<320000xi32, #tpu.memory_space<hbm>>, %arg3: memref<320000xf32, #tpu.memory_space<hbm>>, %arg4: memref<10000xi32, #tpu.memory_space<vmem>>, %arg5: memref<10000xf32, #tpu.memory_space<vmem>>) attributes {dimension_semantics = [#tpu.dimension_semantics<core_parallel>, #tpu.dimension_semantics<subcore_parallel>], iteration_bounds = array<i64: 2, 16>, scalar_prefetch = 0 : i64, scratch_operands = 2 : i64, tpu.core_type = #tpu.core_type<sc_vector_subcore>, window_params = [{transform_indices = #map}, {transform_indices = #map}]} {
    %mul3A = arith.constant 2 : i32
    %mul3A_0 = arith.muli %arg1, %mul3A : i32
    %add3A = arith.addi %mul3A_0, %arg0 : i32
    %mul3A_1 = arith.constant 10000 : i32
    %mul3A_2 = arith.muli %add3A, %mul3A_1 : i32
    "tpu.region"() ({
      %run_scoped3A = tpu.sem_alloc : memref<!tpu.dma_semaphore, #tpu.memory_space<semaphore_mem>>
      %dma_start3A = tpu.memref_slice %arg2[%mul3A_2] : memref<320000xi32, #tpu.memory_space<hbm>> -> memref<10000xi32, #tpu.memory_space<hbm>>
      %dma_start3A_21 = tpu.memref_slice %arg2[%mul3A_2] : memref<320000xi32, #tpu.memory_space<hbm>> -> memref<10000xi32, #tpu.memory_space<hbm>>
      tpu.enqueue_dma source(%dma_start3A_21 : memref<10000xi32, #tpu.memory_space<hbm>>) target(%arg4 : memref<10000xi32, #tpu.memory_space<vmem>>) target_semaphore(%run_scoped3A : memref<!tpu.dma_semaphore, #tpu.memory_space<semaphore_mem>>)
      %dma_wait3A = tpu.memref_slice %arg2[%mul3A_2] : memref<320000xi32, #tpu.memory_space<hbm>> -> memref<10000xi32, #tpu.memory_space<hbm>>
      %dma_wait3A_22 = tpu.memref_slice %arg2[%mul3A_2] : memref<320000xi32, #tpu.memory_space<hbm>> -> memref<10000xi32, #tpu.memory_space<hbm>>
      tpu.wait_dma2 semaphore(%run_scoped3A : memref<!tpu.dma_semaphore, #tpu.memory_space<semaphore_mem>>) src(%dma_wait3A_22 : memref<10000xi32, #tpu.memory_space<hbm>>) dst(%arg4 : memref<10000xi32, #tpu.memory_space<vmem>>)
      tpu.yield
    }) : () -> ()
    %broadcast_in_dim3A = arith.constant 0.000000e+00 : f32
    %broadcast_in_dim3A_3 = vector.broadcast %broadcast_in_dim3A : f32 to vector<16xf32>
    %broadcast_in_dim3A_4 = arith.constant 1.000000e+00 : f32
    %broadcast_in_dim3A_5 = vector.broadcast %broadcast_in_dim3A_4 : f32 to vector<16xf32>
    %scan3A = arith.constant 0 : i32
    %scan3A_6 = arith.constant 0 : i32
    %scan3A_7 = arith.constant 625 : i32
    %scan3A_8 = arith.addi %scan3A_6, %scan3A_7 : i32
    %scan3A_9 = arith.constant 1 : i32
    %scan3A_10 = scf.for %scan3A_21 = %scan3A_6 to %scan3A_8 step %scan3A_9 iter_args(%scan3A_22 = %scan3A) -> (i32)  : i32 {
      %mul3A_23 = arith.constant 16 : i32
      %mul3A_24 = arith.muli %scan3A_21, %mul3A_23 : i32
      %swap3A = arith.index_cast %mul3A_24 : i32 to index
      %swap3A_25 = tpu.vector_load %arg5[%swap3A] {strides = array<i32>} : memref<10000xf32, #tpu.memory_space<vmem>>, vector<16xf32>,
      tpu.vector_store %arg5[%swap3A], %broadcast_in_dim3A_3 {strides = array<i32>} : memref<10000xf32, #tpu.memory_space<vmem>>, vector<16xf32>,
      %scan3A_26 = arith.constant 0 : i32
      scf.yield %scan3A_26 : i32
    }
    %scan3A_11 = arith.constant 625 : i32
    %scan3A_12 = arith.constant 0 : i32
    %scan3A_13 = arith.constant 0 : i32
    %scan3A_14 = arith.constant 625 : i32
    %scan3A_15 = arith.addi %scan3A_13, %scan3A_14 : i32
    %scan3A_16 = arith.constant 1 : i32
    %scan3A_17 = scf.for %scan3A_21 = %scan3A_13 to %scan3A_15 step %scan3A_16 iter_args(%scan3A_22 = %scan3A_12) -> (i32)  : i32 {
      %mul3A_23 = arith.constant 16 : i32
      %mul3A_24 = arith.muli %scan3A_21, %mul3A_23 : i32
      %get3A = arith.index_cast %mul3A_24 : i32 to index
      %get3A_25 = tpu.vector_load %arg4[%get3A] {strides = array<i32>} : memref<10000xi32, #tpu.memory_space<vmem>>, vector<16xi32>,
      tpu.vector_store_idx %arg5[%get3A_25], %broadcast_in_dim3A_5 {add = true} : memref<10000xf32, #tpu.memory_space<vmem>>[vector<16xi32>], vector<16xf32>,
      %scan3A_26 = arith.constant 0 : i32
      scf.yield %scan3A_26 : i32
    }
    %scan3A_18 = arith.constant 625 : i32
    %mul3A_19 = arith.constant 10000 : i32
    %mul3A_20 = arith.muli %add3A, %mul3A_19 : i32
    "tpu.region"() ({
      %run_scoped3A = tpu.sem_alloc : memref<!tpu.dma_semaphore, #tpu.memory_space<semaphore_mem>>
      %dma_start3A = tpu.memref_slice %arg3[%mul3A_20] : memref<320000xf32, #tpu.memory_space<hbm>> -> memref<10000xf32, #tpu.memory_space<hbm>>
      %dma_start3A_21 = tpu.memref_slice %arg3[%mul3A_20] : memref<320000xf32, #tpu.memory_space<hbm>> -> memref<10000xf32, #tpu.memory_space<hbm>>
      tpu.enqueue_dma source(%arg5 : memref<10000xf32, #tpu.memory_space<vmem>>) target(%dma_start3A_21 : memref<10000xf32, #tpu.memory_space<hbm>>) target_semaphore(%run_scoped3A : memref<!tpu.dma_semaphore, #tpu.memory_space<semaphore_mem>>)
      %dma_wait3A = tpu.memref_slice %arg3[%mul3A_20] : memref<320000xf32, #tpu.memory_space<hbm>> -> memref<10000xf32, #tpu.memory_space<hbm>>
      %dma_wait3A_22 = tpu.memref_slice %arg3[%mul3A_20] : memref<320000xf32, #tpu.memory_space<hbm>> -> memref<10000xf32, #tpu.memory_space<hbm>>
      tpu.wait_dma2 semaphore(%run_scoped3A : memref<!tpu.dma_semaphore, #tpu.memory_space<semaphore_mem>>) src(%arg5 : memref<10000xf32, #tpu.memory_space<vmem>>) dst(%dma_wait3A_22 : memref<10000xf32, #tpu.memory_space<hbm>>)
      tpu.yield
    }) : () -> ()
    return
  }
}

#map = affine_map<(d0, d1) -> (0, 0)>
#map1 = affine_map<(d0, d1) -> (0)>
module attributes {stable_mosaic.version = 14 : i64} {
  func.func @_sc_aggregate(%arg0: i32, %arg1: i32, %arg2: memref<10000x128xf32, #tpu.memory_space<hbm>>, %arg3: memref<320000xi32, #tpu.memory_space<hbm>>, %arg4: memref<320000xi32, #tpu.memory_space<hbm>>, %arg5: memref<624x128xf32, #tpu.memory_space<hbm>>, %arg6: memref<20000x128xf32, #tpu.memory_space<hbm>>, %arg7: memref<40xi32, #tpu.memory_space<vmem>>, %arg8: memref<40xi32, #tpu.memory_space<vmem>>, %arg9: memref<40xi32, #tpu.memory_space<vmem>>, %arg10: memref<40xi32, #tpu.memory_space<vmem>>, %arg11: memref<40xi32, #tpu.memory_space<vmem>>, %arg12: memref<40xi32, #tpu.memory_space<vmem>>, %arg13: memref<40xi32, #tpu.memory_space<vmem>>, %arg14: memref<40xi32, #tpu.memory_space<vmem>>, %arg15: memref<40xi32, #tpu.memory_space<vmem>>, %arg16: memref<40xi32, #tpu.memory_space<vmem>>, %arg17: memref<40xi32, #tpu.memory_space<vmem>>, %arg18: memref<40xi32, #tpu.memory_space<vmem>>, %arg19: memref<40x128xf32, #tpu.memory_space<vmem>>, %arg20: memref<40x128xf32, #tpu.memory_space<vmem>>, %arg21: memref<40x128xf32, #tpu.memory_space<vmem>>, %arg22: memref<40x128xf32, #tpu.memory_space<vmem>>, %arg23: memref<40x128xf32, #tpu.memory_space<vmem>>, %arg24: memref<40x128xf32, #tpu.memory_space<vmem>>, %arg25: memref<10000x128xf32, #tpu.memory_space<vmem_shared>>, %arg26: memref<!tpu.dma_semaphore, #tpu.memory_space<semaphore_mem>>, %arg27: memref<!tpu.dma_semaphore, #tpu.memory_space<semaphore_mem>>, %arg28: memref<!tpu.dma_semaphore, #tpu.memory_space<semaphore_mem>>, %arg29: memref<!tpu.dma_semaphore, #tpu.memory_space<semaphore_mem>>, %arg30: memref<!tpu.dma_semaphore, #tpu.memory_space<semaphore_mem>>, %arg31: memref<!tpu.dma_semaphore, #tpu.memory_space<semaphore_mem>>, %arg32: memref<!tpu.dma_semaphore, #tpu.memory_space<semaphore_mem>>, %arg33: memref<!tpu.dma_semaphore, #tpu.memory_space<semaphore_mem>>, %arg34: memref<!tpu.dma_semaphore, #tpu.memory_space<semaphore_mem>>, %arg35: memref<!tpu.dma_semaphore, #tpu.memory_space<semaphore_mem>>, %arg36: memref<!tpu.dma_semaphore, #tpu.memory_space<semaphore_mem>>, %arg37: memref<!tpu.dma_semaphore, #tpu.memory_space<semaphore_mem>>, %arg38: memref<!tpu.dma_semaphore, #tpu.memory_space<semaphore_mem>>, %arg39: memref<!tpu.dma_semaphore, #tpu.memory_space<semaphore_mem>>, %arg40: memref<!tpu.dma_semaphore, #tpu.memory_space<semaphore_mem>>, %arg41: memref<!tpu.dma_semaphore, #tpu.memory_space<semaphore_mem>>, %arg42: memref<!tpu.dma_semaphore, #tpu.memory_space<semaphore_mem>>, %arg43: memref<!tpu.dma_semaphore, #tpu.memory_space<semaphore_mem>>) attributes {dimension_semantics = [#tpu.dimension_semantics<core_parallel>, #tpu.dimension_semantics<subcore_parallel>], iteration_bounds = array<i64: 2, 16>, scalar_prefetch = 0 : i64, scratch_operands = 37 : i64, tpu.core_type = #tpu.core_type<sc_vector_subcore>, window_params = [{transform_indices = #map}, {transform_indices = #map1}, {transform_indices = #map1}, {transform_indices = #map}, {transform_indices = #map}]} {
    %mul3A = arith.constant 2 : i32
    %mul3A_0 = arith.muli %arg1, %mul3A : i32
    %add3A = arith.addi %mul3A_0, %arg0 : i32
    %mul3A_1 = arith.constant 624 : i32
    %mul3A_2 = arith.muli %arg1, %mul3A_1 : i32
    "tpu.region"() ({
      %run_scoped3A = tpu.sem_alloc : memref<!tpu.dma_semaphore, #tpu.memory_space<semaphore_mem>>
      %dma_start3A_178 = arith.constant 0 : i32
      %dma_start3A_179 = tpu.memref_slice %arg25[%mul3A_2, %dma_start3A_178] : memref<10000x128xf32, #tpu.memory_space<vmem_shared>> -> memref<624x128xf32, #tpu.memory_space<vmem_shared>>
      %dma_start3A_180 = arith.constant 0 : i32
      %dma_start3A_181 = arith.constant 0 : i32
      %dma_start3A_182 = tpu.memref_slice %arg5[%dma_start3A_180, %dma_start3A_181] : memref<624x128xf32, #tpu.memory_space<hbm>> -> memref<624x128xf32, #tpu.memory_space<hbm>>
      tpu.enqueue_dma source(%dma_start3A_182 : memref<624x128xf32, #tpu.memory_space<hbm>>) target(%dma_start3A_179 : memref<624x128xf32, #tpu.memory_space<vmem_shared>>) target_semaphore(%run_scoped3A : memref<!tpu.dma_semaphore, #tpu.memory_space<semaphore_mem>>)
      %dma_wait3A_183 = arith.constant 0 : i32
      %dma_wait3A_184 = tpu.memref_slice %arg25[%mul3A_2, %dma_wait3A_183] : memref<10000x128xf32, #tpu.memory_space<vmem_shared>> -> memref<624x128xf32, #tpu.memory_space<vmem_shared>>
      %dma_wait3A_185 = arith.constant 0 : i32
      %dma_wait3A_186 = arith.constant 0 : i32
      %dma_wait3A_187 = tpu.memref_slice %arg5[%dma_wait3A_185, %dma_wait3A_186] : memref<624x128xf32, #tpu.memory_space<hbm>> -> memref<624x128xf32, #tpu.memory_space<hbm>>
      tpu.wait_dma2 semaphore(%run_scoped3A : memref<!tpu.dma_semaphore, #tpu.memory_space<semaphore_mem>>) src(%dma_wait3A_187 : memref<624x128xf32, #tpu.memory_space<hbm>>) dst(%dma_wait3A_184 : memref<624x128xf32, #tpu.memory_space<vmem_shared>>)
      tpu.yield
    }) : () -> ()
    %eq3A = arith.constant 15 : i32
    %eq3A_3 = arith.cmpi eq, %arg1, %eq3A : i32
    %convert_element_type3A = arith.extui %eq3A_3 : i1 to i32
    %cond3A = arith.constant 0 : i32
    %cond3A_4 = arith.cmpi ne, %convert_element_type3A, %cond3A : i32
    scf.if %cond3A_4 {
      "tpu.region"() ({
        %run_scoped3A = tpu.sem_alloc : memref<!tpu.dma_semaphore, #tpu.memory_space<semaphore_mem>>
        %dma_start3A_178 = arith.constant 9984 : i32
        %dma_start3A_179 = arith.constant 0 : i32
        %dma_start3A_180 = tpu.memref_slice %arg25[%dma_start3A_178, %dma_start3A_179] : memref<10000x128xf32, #tpu.memory_space<vmem_shared>> -> memref<16x128xf32, #tpu.memory_space<vmem_shared>>
        %dma_start3A_181 = arith.constant 0 : i32
        %dma_start3A_182 = arith.constant 0 : i32
        %dma_start3A_183 = tpu.memref_slice %arg5[%dma_start3A_181, %dma_start3A_182] : memref<624x128xf32, #tpu.memory_space<hbm>> -> memref<16x128xf32, #tpu.memory_space<hbm>>
        tpu.enqueue_dma source(%dma_start3A_183 : memref<16x128xf32, #tpu.memory_space<hbm>>) target(%dma_start3A_180 : memref<16x128xf32, #tpu.memory_space<vmem_shared>>) target_semaphore(%run_scoped3A : memref<!tpu.dma_semaphore, #tpu.memory_space<semaphore_mem>>)
        %dma_wait3A_184 = arith.constant 9984 : i32
        %dma_wait3A_185 = arith.constant 0 : i32
        %dma_wait3A_186 = tpu.memref_slice %arg25[%dma_wait3A_184, %dma_wait3A_185] : memref<10000x128xf32, #tpu.memory_space<vmem_shared>> -> memref<16x128xf32, #tpu.memory_space<vmem_shared>>
        %dma_wait3A_187 = arith.constant 0 : i32
        %dma_wait3A_188 = arith.constant 0 : i32
        %dma_wait3A_189 = tpu.memref_slice %arg5[%dma_wait3A_187, %dma_wait3A_188] : memref<624x128xf32, #tpu.memory_space<hbm>> -> memref<16x128xf32, #tpu.memory_space<hbm>>
        tpu.wait_dma2 semaphore(%run_scoped3A : memref<!tpu.dma_semaphore, #tpu.memory_space<semaphore_mem>>) src(%dma_wait3A_189 : memref<16x128xf32, #tpu.memory_space<hbm>>) dst(%dma_wait3A_186 : memref<16x128xf32, #tpu.memory_space<vmem_shared>>)
        tpu.yield
      }) : () -> ()
    } else {
    }
    %barrier3A = arith.constant 0 : index
    tpu.barrier barrier_id(%barrier3A)
    %mul3A_5 = arith.constant 10000 : i32
    %mul3A_6 = arith.muli %add3A, %mul3A_5 : i32
    %add3A_7 = arith.constant 0 : i32
    %add3A_8 = arith.addi %mul3A_6, %add3A_7 : i32
    %dma_start3A = tpu.memref_slice %arg3[%add3A_8] : memref<320000xi32, #tpu.memory_space<hbm>> -> memref<40xi32, #tpu.memory_space<hbm>>
    %dma_start3A_9 = tpu.memref_slice %arg3[%add3A_8] : memref<320000xi32, #tpu.memory_space<hbm>> -> memref<40xi32, #tpu.memory_space<hbm>>
    tpu.enqueue_dma source(%dma_start3A_9 : memref<40xi32, #tpu.memory_space<hbm>>) target(%arg7 : memref<40xi32, #tpu.memory_space<vmem>>) target_semaphore(%arg26 : memref<!tpu.dma_semaphore, #tpu.memory_space<semaphore_mem>>)
    %dma_start3A_10 = tpu.memref_slice %arg4[%add3A_8] : memref<320000xi32, #tpu.memory_space<hbm>> -> memref<40xi32, #tpu.memory_space<hbm>>
    %dma_start3A_11 = tpu.memref_slice %arg4[%add3A_8] : memref<320000xi32, #tpu.memory_space<hbm>> -> memref<40xi32, #tpu.memory_space<hbm>>
    tpu.enqueue_dma source(%dma_start3A_11 : memref<40xi32, #tpu.memory_space<hbm>>) target(%arg13 : memref<40xi32, #tpu.memory_space<vmem>>) target_semaphore(%arg26 : memref<!tpu.dma_semaphore, #tpu.memory_space<semaphore_mem>>)
    %add3A_12 = arith.constant 40 : i32
    %add3A_13 = arith.addi %mul3A_6, %add3A_12 : i32
    %dma_start3A_14 = tpu.memref_slice %arg3[%add3A_13] : memref<320000xi32, #tpu.memory_space<hbm>> -> memref<40xi32, #tpu.memory_space<hbm>>
    %dma_start3A_15 = tpu.memref_slice %arg3[%add3A_13] : memref<320000xi32, #tpu.memory_space<hbm>> -> memref<40xi32, #tpu.memory_space<hbm>>
    tpu.enqueue_dma source(%dma_start3A_15 : memref<40xi32, #tpu.memory_space<hbm>>) target(%arg8 : memref<40xi32, #tpu.memory_space<vmem>>) target_semaphore(%arg27 : memref<!tpu.dma_semaphore, #tpu.memory_space<semaphore_mem>>)
    %dma_start3A_16 = tpu.memref_slice %arg4[%add3A_13] : memref<320000xi32, #tpu.memory_space<hbm>> -> memref<40xi32, #tpu.memory_space<hbm>>
    %dma_start3A_17 = tpu.memref_slice %arg4[%add3A_13] : memref<320000xi32, #tpu.memory_space<hbm>> -> memref<40xi32, #tpu.memory_space<hbm>>
    tpu.enqueue_dma source(%dma_start3A_17 : memref<40xi32, #tpu.memory_space<hbm>>) target(%arg14 : memref<40xi32, #tpu.memory_space<vmem>>) target_semaphore(%arg27 : memref<!tpu.dma_semaphore, #tpu.memory_space<semaphore_mem>>)
    %add3A_18 = arith.constant 80 : i32
    %add3A_19 = arith.addi %mul3A_6, %add3A_18 : i32
    %dma_start3A_20 = tpu.memref_slice %arg3[%add3A_19] : memref<320000xi32, #tpu.memory_space<hbm>> -> memref<40xi32, #tpu.memory_space<hbm>>
    %dma_start3A_21 = tpu.memref_slice %arg3[%add3A_19] : memref<320000xi32, #tpu.memory_space<hbm>> -> memref<40xi32, #tpu.memory_space<hbm>>
    tpu.enqueue_dma source(%dma_start3A_21 : memref<40xi32, #tpu.memory_space<hbm>>) target(%arg9 : memref<40xi32, #tpu.memory_space<vmem>>) target_semaphore(%arg28 : memref<!tpu.dma_semaphore, #tpu.memory_space<semaphore_mem>>)
    %dma_start3A_22 = tpu.memref_slice %arg4[%add3A_19] : memref<320000xi32, #tpu.memory_space<hbm>> -> memref<40xi32, #tpu.memory_space<hbm>>
    %dma_start3A_23 = tpu.memref_slice %arg4[%add3A_19] : memref<320000xi32, #tpu.memory_space<hbm>> -> memref<40xi32, #tpu.memory_space<hbm>>
    tpu.enqueue_dma source(%dma_start3A_23 : memref<40xi32, #tpu.memory_space<hbm>>) target(%arg15 : memref<40xi32, #tpu.memory_space<vmem>>) target_semaphore(%arg28 : memref<!tpu.dma_semaphore, #tpu.memory_space<semaphore_mem>>)
    %add3A_24 = arith.constant 120 : i32
    %add3A_25 = arith.addi %mul3A_6, %add3A_24 : i32
    %dma_start3A_26 = tpu.memref_slice %arg3[%add3A_25] : memref<320000xi32, #tpu.memory_space<hbm>> -> memref<40xi32, #tpu.memory_space<hbm>>
    %dma_start3A_27 = tpu.memref_slice %arg3[%add3A_25] : memref<320000xi32, #tpu.memory_space<hbm>> -> memref<40xi32, #tpu.memory_space<hbm>>
    tpu.enqueue_dma source(%dma_start3A_27 : memref<40xi32, #tpu.memory_space<hbm>>) target(%arg10 : memref<40xi32, #tpu.memory_space<vmem>>) target_semaphore(%arg29 : memref<!tpu.dma_semaphore, #tpu.memory_space<semaphore_mem>>)
    %dma_start3A_28 = tpu.memref_slice %arg4[%add3A_25] : memref<320000xi32, #tpu.memory_space<hbm>> -> memref<40xi32, #tpu.memory_space<hbm>>
    %dma_start3A_29 = tpu.memref_slice %arg4[%add3A_25] : memref<320000xi32, #tpu.memory_space<hbm>> -> memref<40xi32, #tpu.memory_space<hbm>>
    tpu.enqueue_dma source(%dma_start3A_29 : memref<40xi32, #tpu.memory_space<hbm>>) target(%arg16 : memref<40xi32, #tpu.memory_space<vmem>>) target_semaphore(%arg29 : memref<!tpu.dma_semaphore, #tpu.memory_space<semaphore_mem>>)
    %add3A_30 = arith.constant 160 : i32
    %add3A_31 = arith.addi %mul3A_6, %add3A_30 : i32
    %dma_start3A_32 = tpu.memref_slice %arg3[%add3A_31] : memref<320000xi32, #tpu.memory_space<hbm>> -> memref<40xi32, #tpu.memory_space<hbm>>
    %dma_start3A_33 = tpu.memref_slice %arg3[%add3A_31] : memref<320000xi32, #tpu.memory_space<hbm>> -> memref<40xi32, #tpu.memory_space<hbm>>
    tpu.enqueue_dma source(%dma_start3A_33 : memref<40xi32, #tpu.memory_space<hbm>>) target(%arg11 : memref<40xi32, #tpu.memory_space<vmem>>) target_semaphore(%arg30 : memref<!tpu.dma_semaphore, #tpu.memory_space<semaphore_mem>>)
    %dma_start3A_34 = tpu.memref_slice %arg4[%add3A_31] : memref<320000xi32, #tpu.memory_space<hbm>> -> memref<40xi32, #tpu.memory_space<hbm>>
    %dma_start3A_35 = tpu.memref_slice %arg4[%add3A_31] : memref<320000xi32, #tpu.memory_space<hbm>> -> memref<40xi32, #tpu.memory_space<hbm>>
    tpu.enqueue_dma source(%dma_start3A_35 : memref<40xi32, #tpu.memory_space<hbm>>) target(%arg17 : memref<40xi32, #tpu.memory_space<vmem>>) target_semaphore(%arg30 : memref<!tpu.dma_semaphore, #tpu.memory_space<semaphore_mem>>)
    %add3A_36 = arith.constant 200 : i32
    %add3A_37 = arith.addi %mul3A_6, %add3A_36 : i32
    %dma_start3A_38 = tpu.memref_slice %arg3[%add3A_37] : memref<320000xi32, #tpu.memory_space<hbm>> -> memref<40xi32, #tpu.memory_space<hbm>>
    %dma_start3A_39 = tpu.memref_slice %arg3[%add3A_37] : memref<320000xi32, #tpu.memory_space<hbm>> -> memref<40xi32, #tpu.memory_space<hbm>>
    tpu.enqueue_dma source(%dma_start3A_39 : memref<40xi32, #tpu.memory_space<hbm>>) target(%arg12 : memref<40xi32, #tpu.memory_space<vmem>>) target_semaphore(%arg31 : memref<!tpu.dma_semaphore, #tpu.memory_space<semaphore_mem>>)
    %dma_start3A_40 = tpu.memref_slice %arg4[%add3A_37] : memref<320000xi32, #tpu.memory_space<hbm>> -> memref<40xi32, #tpu.memory_space<hbm>>
    %dma_start3A_41 = tpu.memref_slice %arg4[%add3A_37] : memref<320000xi32, #tpu.memory_space<hbm>> -> memref<40xi32, #tpu.memory_space<hbm>>
    tpu.enqueue_dma source(%dma_start3A_41 : memref<40xi32, #tpu.memory_space<hbm>>) target(%arg18 : memref<40xi32, #tpu.memory_space<vmem>>) target_semaphore(%arg31 : memref<!tpu.dma_semaphore, #tpu.memory_space<semaphore_mem>>)
    %scan3A = arith.constant 0 : i32
    %scan3A_42 = arith.constant 0 : i32
    %scan3A_43 = arith.constant 41 : i32
    %scan3A_44 = arith.addi %scan3A_42, %scan3A_43 : i32
    %scan3A_45 = arith.constant 1 : i32
    %scan3A_46 = scf.for %scan3A_178 = %scan3A_42 to %scan3A_44 step %scan3A_45 iter_args(%scan3A_179 = %scan3A) -> (i32)  : i32 {
      %dma_wait3A_180 = arith.constant 0 : i32
      %dma_wait3A_181 = tpu.memref_slice %arg3[%dma_wait3A_180] : memref<320000xi32, #tpu.memory_space<hbm>> -> memref<40xi32, #tpu.memory_space<hbm>>
      %dma_wait3A_182 = arith.constant 0 : i32
      %dma_wait3A_183 = tpu.memref_slice %arg3[%dma_wait3A_182] : memref<320000xi32, #tpu.memory_space<hbm>> -> memref<40xi32, #tpu.memory_space<hbm>>
      tpu.wait_dma2 semaphore(%arg26 : memref<!tpu.dma_semaphore, #tpu.memory_space<semaphore_mem>>) src(%dma_wait3A_183 : memref<40xi32, #tpu.memory_space<hbm>>) dst(%arg7 : memref<40xi32, #tpu.memory_space<vmem>>)
      %dma_wait3A_184 = arith.constant 0 : i32
      %dma_wait3A_185 = tpu.memref_slice %arg4[%dma_wait3A_184] : memref<320000xi32, #tpu.memory_space<hbm>> -> memref<40xi32, #tpu.memory_space<hbm>>
      %dma_wait3A_186 = arith.constant 0 : i32
      %dma_wait3A_187 = tpu.memref_slice %arg4[%dma_wait3A_186] : memref<320000xi32, #tpu.memory_space<hbm>> -> memref<40xi32, #tpu.memory_space<hbm>>
      tpu.wait_dma2 semaphore(%arg26 : memref<!tpu.dma_semaphore, #tpu.memory_space<semaphore_mem>>) src(%dma_wait3A_187 : memref<40xi32, #tpu.memory_space<hbm>>) dst(%arg13 : memref<40xi32, #tpu.memory_space<vmem>>)
      %dma_start3A_188 = arith.constant 0 : i32
      %dma_start3A_189 = arith.constant 0 : i32
      %dma_start3A_190 = tpu.memref_slice %arg2[%dma_start3A_188, %dma_start3A_189] : memref<10000x128xf32, #tpu.memory_space<hbm>> -> memref<10000x128xf32, #tpu.memory_space<hbm>>
      tpu.enqueue_indirect_dma source(%dma_start3A_190 : memref<10000x128xf32, #tpu.memory_space<hbm>>) target(%arg19 : memref<40x128xf32, #tpu.memory_space<vmem>>) offsets(%arg7 : memref<40xi32, #tpu.memory_space<vmem>>) semaphore(%arg32 : memref<!tpu.dma_semaphore, #tpu.memory_space<semaphore_mem>>)
      %dma_wait3A_191 = arith.constant 0 : i32
      %dma_wait3A_192 = tpu.memref_slice %arg3[%dma_wait3A_191] : memref<320000xi32, #tpu.memory_space<hbm>> -> memref<40xi32, #tpu.memory_space<hbm>>
      %dma_wait3A_193 = arith.constant 0 : i32
      %dma_wait3A_194 = tpu.memref_slice %arg3[%dma_wait3A_193] : memref<320000xi32, #tpu.memory_space<hbm>> -> memref<40xi32, #tpu.memory_space<hbm>>
      tpu.wait_dma2 semaphore(%arg27 : memref<!tpu.dma_semaphore, #tpu.memory_space<semaphore_mem>>) src(%dma_wait3A_194 : memref<40xi32, #tpu.memory_space<hbm>>) dst(%arg8 : memref<40xi32, #tpu.memory_space<vmem>>)
      %dma_wait3A_195 = arith.constant 0 : i32
      %dma_wait3A_196 = tpu.memref_slice %arg4[%dma_wait3A_195] : memref<320000xi32, #tpu.memory_space<hbm>> -> memref<40xi32, #tpu.memory_space<hbm>>
      %dma_wait3A_197 = arith.constant 0 : i32
      %dma_wait3A_198 = tpu.memref_slice %arg4[%dma_wait3A_197] : memref<320000xi32, #tpu.memory_space<hbm>> -> memref<40xi32, #tpu.memory_space<hbm>>
      tpu.wait_dma2 semaphore(%arg27 : memref<!tpu.dma_semaphore, #tpu.memory_space<semaphore_mem>>) src(%dma_wait3A_198 : memref<40xi32, #tpu.memory_space<hbm>>) dst(%arg14 : memref<40xi32, #tpu.memory_space<vmem>>)
      %dma_start3A_199 = arith.constant 0 : i32
      %dma_start3A_200 = arith.constant 0 : i32
      %dma_start3A_201 = tpu.memref_slice %arg2[%dma_start3A_199, %dma_start3A_200] : memref<10000x128xf32, #tpu.memory_space<hbm>> -> memref<10000x128xf32, #tpu.memory_space<hbm>>
      tpu.enqueue_indirect_dma source(%dma_start3A_201 : memref<10000x128xf32, #tpu.memory_space<hbm>>) target(%arg20 : memref<40x128xf32, #tpu.memory_space<vmem>>) offsets(%arg8 : memref<40xi32, #tpu.memory_space<vmem>>) semaphore(%arg33 : memref<!tpu.dma_semaphore, #tpu.memory_space<semaphore_mem>>)
      %dma_wait3A_202 = arith.constant 0 : i32
      %dma_wait3A_203 = tpu.memref_slice %arg3[%dma_wait3A_202] : memref<320000xi32, #tpu.memory_space<hbm>> -> memref<40xi32, #tpu.memory_space<hbm>>
      %dma_wait3A_204 = arith.constant 0 : i32
      %dma_wait3A_205 = tpu.memref_slice %arg3[%dma_wait3A_204] : memref<320000xi32, #tpu.memory_space<hbm>> -> memref<40xi32, #tpu.memory_space<hbm>>
      tpu.wait_dma2 semaphore(%arg28 : memref<!tpu.dma_semaphore, #tpu.memory_space<semaphore_mem>>) src(%dma_wait3A_205 : memref<40xi32, #tpu.memory_space<hbm>>) dst(%arg9 : memref<40xi32, #tpu.memory_space<vmem>>)
      %dma_wait3A_206 = arith.constant 0 : i32
      %dma_wait3A_207 = tpu.memref_slice %arg4[%dma_wait3A_206] : memref<320000xi32, #tpu.memory_space<hbm>> -> memref<40xi32, #tpu.memory_space<hbm>>
      %dma_wait3A_208 = arith.constant 0 : i32
      %dma_wait3A_209 = tpu.memref_slice %arg4[%dma_wait3A_208] : memref<320000xi32, #tpu.memory_space<hbm>> -> memref<40xi32, #tpu.memory_space<hbm>>
      tpu.wait_dma2 semaphore(%arg28 : memref<!tpu.dma_semaphore, #tpu.memory_space<semaphore_mem>>) src(%dma_wait3A_209 : memref<40xi32, #tpu.memory_space<hbm>>) dst(%arg15 : memref<40xi32, #tpu.memory_space<vmem>>)
      %dma_start3A_210 = arith.constant 0 : i32
      %dma_start3A_211 = arith.constant 0 : i32
      %dma_start3A_212 = tpu.memref_slice %arg2[%dma_start3A_210, %dma_start3A_211] : memref<10000x128xf32, #tpu.memory_space<hbm>> -> memref<10000x128xf32, #tpu.memory_space<hbm>>
      tpu.enqueue_indirect_dma source(%dma_start3A_212 : memref<10000x128xf32, #tpu.memory_space<hbm>>) target(%arg21 : memref<40x128xf32, #tpu.memory_space<vmem>>) offsets(%arg9 : memref<40xi32, #tpu.memory_space<vmem>>) semaphore(%arg34 : memref<!tpu.dma_semaphore, #tpu.memory_space<semaphore_mem>>)
      %dma_wait3A_213 = arith.constant 0 : i32
      %dma_wait3A_214 = tpu.memref_slice %arg3[%dma_wait3A_213] : memref<320000xi32, #tpu.memory_space<hbm>> -> memref<40xi32, #tpu.memory_space<hbm>>
      %dma_wait3A_215 = arith.constant 0 : i32
      %dma_wait3A_216 = tpu.memref_slice %arg3[%dma_wait3A_215] : memref<320000xi32, #tpu.memory_space<hbm>> -> memref<40xi32, #tpu.memory_space<hbm>>
      tpu.wait_dma2 semaphore(%arg29 : memref<!tpu.dma_semaphore, #tpu.memory_space<semaphore_mem>>) src(%dma_wait3A_216 : memref<40xi32, #tpu.memory_space<hbm>>) dst(%arg10 : memref<40xi32, #tpu.memory_space<vmem>>)
      %dma_wait3A_217 = arith.constant 0 : i32
      %dma_wait3A_218 = tpu.memref_slice %arg4[%dma_wait3A_217] : memref<320000xi32, #tpu.memory_space<hbm>> -> memref<40xi32, #tpu.memory_space<hbm>>
      %dma_wait3A_219 = arith.constant 0 : i32
      %dma_wait3A_220 = tpu.memref_slice %arg4[%dma_wait3A_219] : memref<320000xi32, #tpu.memory_space<hbm>> -> memref<40xi32, #tpu.memory_space<hbm>>
      tpu.wait_dma2 semaphore(%arg29 : memref<!tpu.dma_semaphore, #tpu.memory_space<semaphore_mem>>) src(%dma_wait3A_220 : memref<40xi32, #tpu.memory_space<hbm>>) dst(%arg16 : memref<40xi32, #tpu.memory_space<vmem>>)
      %dma_start3A_221 = arith.constant 0 : i32
      %dma_start3A_222 = arith.constant 0 : i32
      %dma_start3A_223 = tpu.memref_slice %arg2[%dma_start3A_221, %dma_start3A_222] : memref<10000x128xf32, #tpu.memory_space<hbm>> -> memref<10000x128xf32, #tpu.memory_space<hbm>>
      tpu.enqueue_indirect_dma source(%dma_start3A_223 : memref<10000x128xf32, #tpu.memory_space<hbm>>) target(%arg22 : memref<40x128xf32, #tpu.memory_space<vmem>>) offsets(%arg10 : memref<40xi32, #tpu.memory_space<vmem>>) semaphore(%arg35 : memref<!tpu.dma_semaphore, #tpu.memory_space<semaphore_mem>>)
      %dma_wait3A_224 = arith.constant 0 : i32
      %dma_wait3A_225 = tpu.memref_slice %arg3[%dma_wait3A_224] : memref<320000xi32, #tpu.memory_space<hbm>> -> memref<40xi32, #tpu.memory_space<hbm>>
      %dma_wait3A_226 = arith.constant 0 : i32
      %dma_wait3A_227 = tpu.memref_slice %arg3[%dma_wait3A_226] : memref<320000xi32, #tpu.memory_space<hbm>> -> memref<40xi32, #tpu.memory_space<hbm>>
      tpu.wait_dma2 semaphore(%arg30 : memref<!tpu.dma_semaphore, #tpu.memory_space<semaphore_mem>>) src(%dma_wait3A_227 : memref<40xi32, #tpu.memory_space<hbm>>) dst(%arg11 : memref<40xi32, #tpu.memory_space<vmem>>)
      %dma_wait3A_228 = arith.constant 0 : i32
      %dma_wait3A_229 = tpu.memref_slice %arg4[%dma_wait3A_228] : memref<320000xi32, #tpu.memory_space<hbm>> -> memref<40xi32, #tpu.memory_space<hbm>>
      %dma_wait3A_230 = arith.constant 0 : i32
      %dma_wait3A_231 = tpu.memref_slice %arg4[%dma_wait3A_230] : memref<320000xi32, #tpu.memory_space<hbm>> -> memref<40xi32, #tpu.memory_space<hbm>>
      tpu.wait_dma2 semaphore(%arg30 : memref<!tpu.dma_semaphore, #tpu.memory_space<semaphore_mem>>) src(%dma_wait3A_231 : memref<40xi32, #tpu.memory_space<hbm>>) dst(%arg17 : memref<40xi32, #tpu.memory_space<vmem>>)
      %dma_start3A_232 = arith.constant 0 : i32
      %dma_start3A_233 = arith.constant 0 : i32
      %dma_start3A_234 = tpu.memref_slice %arg2[%dma_start3A_232, %dma_start3A_233] : memref<10000x128xf32, #tpu.memory_space<hbm>> -> memref<10000x128xf32, #tpu.memory_space<hbm>>
      tpu.enqueue_indirect_dma source(%dma_start3A_234 : memref<10000x128xf32, #tpu.memory_space<hbm>>) target(%arg23 : memref<40x128xf32, #tpu.memory_space<vmem>>) offsets(%arg11 : memref<40xi32, #tpu.memory_space<vmem>>) semaphore(%arg36 : memref<!tpu.dma_semaphore, #tpu.memory_space<semaphore_mem>>)
      %dma_wait3A_235 = arith.constant 0 : i32
      %dma_wait3A_236 = tpu.memref_slice %arg3[%dma_wait3A_235] : memref<320000xi32, #tpu.memory_space<hbm>> -> memref<40xi32, #tpu.memory_space<hbm>>
      %dma_wait3A_237 = arith.constant 0 : i32
      %dma_wait3A_238 = tpu.memref_slice %arg3[%dma_wait3A_237] : memref<320000xi32, #tpu.memory_space<hbm>> -> memref<40xi32, #tpu.memory_space<hbm>>
      tpu.wait_dma2 semaphore(%arg31 : memref<!tpu.dma_semaphore, #tpu.memory_space<semaphore_mem>>) src(%dma_wait3A_238 : memref<40xi32, #tpu.memory_space<hbm>>) dst(%arg12 : memref<40xi32, #tpu.memory_space<vmem>>)
      %dma_wait3A_239 = arith.constant 0 : i32
      %dma_wait3A_240 = tpu.memref_slice %arg4[%dma_wait3A_239] : memref<320000xi32, #tpu.memory_space<hbm>> -> memref<40xi32, #tpu.memory_space<hbm>>
      %dma_wait3A_241 = arith.constant 0 : i32
      %dma_wait3A_242 = tpu.memref_slice %arg4[%dma_wait3A_241] : memref<320000xi32, #tpu.memory_space<hbm>> -> memref<40xi32, #tpu.memory_space<hbm>>
      tpu.wait_dma2 semaphore(%arg31 : memref<!tpu.dma_semaphore, #tpu.memory_space<semaphore_mem>>) src(%dma_wait3A_242 : memref<40xi32, #tpu.memory_space<hbm>>) dst(%arg18 : memref<40xi32, #tpu.memory_space<vmem>>)
      %dma_start3A_243 = arith.constant 0 : i32
      %dma_start3A_244 = arith.constant 0 : i32
      %dma_start3A_245 = tpu.memref_slice %arg2[%dma_start3A_243, %dma_start3A_244] : memref<10000x128xf32, #tpu.memory_space<hbm>> -> memref<10000x128xf32, #tpu.memory_space<hbm>>
      tpu.enqueue_indirect_dma source(%dma_start3A_245 : memref<10000x128xf32, #tpu.memory_space<hbm>>) target(%arg24 : memref<40x128xf32, #tpu.memory_space<vmem>>) offsets(%arg12 : memref<40xi32, #tpu.memory_space<vmem>>) semaphore(%arg37 : memref<!tpu.dma_semaphore, #tpu.memory_space<semaphore_mem>>)
      %dma_wait3A_246 = arith.constant 0 : i32
      %dma_wait3A_247 = arith.constant 0 : i32
      %dma_wait3A_248 = tpu.memref_slice %arg2[%dma_wait3A_246, %dma_wait3A_247] : memref<10000x128xf32, #tpu.memory_space<hbm>> -> memref<10000x128xf32, #tpu.memory_space<hbm>>
      tpu.wait_indirect_dma semaphore(%arg32 : memref<!tpu.dma_semaphore, #tpu.memory_space<semaphore_mem>>) src(%dma_wait3A_248 : memref<10000x128xf32, #tpu.memory_space<hbm>>) dst(%arg19 : memref<40x128xf32, #tpu.memory_space<vmem>>)
      %dma_start3A_249 = arith.constant 0 : i32
      %dma_start3A_250 = arith.constant 0 : i32
      %dma_start3A_251 = tpu.memref_slice %arg25[%dma_start3A_249, %dma_start3A_250] : memref<10000x128xf32, #tpu.memory_space<vmem_shared>> -> memref<10000x128xf32, #tpu.memory_space<vmem_shared>>
      tpu.enqueue_indirect_dma source(%arg19 : memref<40x128xf32, #tpu.memory_space<vmem>>) target(%dma_start3A_251 : memref<10000x128xf32, #tpu.memory_space<vmem_shared>>) offsets(%arg13 : memref<40xi32, #tpu.memory_space<vmem>>) semaphore(%arg38 : memref<!tpu.dma_semaphore, #tpu.memory_space<semaphore_mem>>) {add = true}
      %dma_wait3A_252 = arith.constant 0 : i32
      %dma_wait3A_253 = arith.constant 0 : i32
      %dma_wait3A_254 = tpu.memref_slice %arg2[%dma_wait3A_252, %dma_wait3A_253] : memref<10000x128xf32, #tpu.memory_space<hbm>> -> memref<10000x128xf32, #tpu.memory_space<hbm>>
      tpu.wait_indirect_dma semaphore(%arg33 : memref<!tpu.dma_semaphore, #tpu.memory_space<semaphore_mem>>) src(%dma_wait3A_254 : memref<10000x128xf32, #tpu.memory_space<hbm>>) dst(%arg20 : memref<40x128xf32, #tpu.memory_space<vmem>>)
      %dma_start3A_255 = arith.constant 0 : i32
      %dma_start3A_256 = arith.constant 0 : i32
      %dma_start3A_257 = tpu.memref_slice %arg25[%dma_start3A_255, %dma_start3A_256] : memref<10000x128xf32, #tpu.memory_space<vmem_shared>> -> memref<10000x128xf32, #tpu.memory_space<vmem_shared>>
      tpu.enqueue_indirect_dma source(%arg20 : memref<40x128xf32, #tpu.memory_space<vmem>>) target(%dma_start3A_257 : memref<10000x128xf32, #tpu.memory_space<vmem_shared>>) offsets(%arg14 : memref<40xi32, #tpu.memory_space<vmem>>) semaphore(%arg39 : memref<!tpu.dma_semaphore, #tpu.memory_space<semaphore_mem>>) {add = true}
      %dma_wait3A_258 = arith.constant 0 : i32
      %dma_wait3A_259 = arith.constant 0 : i32
      %dma_wait3A_260 = tpu.memref_slice %arg2[%dma_wait3A_258, %dma_wait3A_259] : memref<10000x128xf32, #tpu.memory_space<hbm>> -> memref<10000x128xf32, #tpu.memory_space<hbm>>
      tpu.wait_indirect_dma semaphore(%arg34 : memref<!tpu.dma_semaphore, #tpu.memory_space<semaphore_mem>>) src(%dma_wait3A_260 : memref<10000x128xf32, #tpu.memory_space<hbm>>) dst(%arg21 : memref<40x128xf32, #tpu.memory_space<vmem>>)
      %dma_start3A_261 = arith.constant 0 : i32
      %dma_start3A_262 = arith.constant 0 : i32
      %dma_start3A_263 = tpu.memref_slice %arg25[%dma_start3A_261, %dma_start3A_262] : memref<10000x128xf32, #tpu.memory_space<vmem_shared>> -> memref<10000x128xf32, #tpu.memory_space<vmem_shared>>
      tpu.enqueue_indirect_dma source(%arg21 : memref<40x128xf32, #tpu.memory_space<vmem>>) target(%dma_start3A_263 : memref<10000x128xf32, #tpu.memory_space<vmem_shared>>) offsets(%arg15 : memref<40xi32, #tpu.memory_space<vmem>>) semaphore(%arg40 : memref<!tpu.dma_semaphore, #tpu.memory_space<semaphore_mem>>) {add = true}
      %dma_wait3A_264 = arith.constant 0 : i32
      %dma_wait3A_265 = arith.constant 0 : i32
      %dma_wait3A_266 = tpu.memref_slice %arg2[%dma_wait3A_264, %dma_wait3A_265] : memref<10000x128xf32, #tpu.memory_space<hbm>> -> memref<10000x128xf32, #tpu.memory_space<hbm>>
      tpu.wait_indirect_dma semaphore(%arg35 : memref<!tpu.dma_semaphore, #tpu.memory_space<semaphore_mem>>) src(%dma_wait3A_266 : memref<10000x128xf32, #tpu.memory_space<hbm>>) dst(%arg22 : memref<40x128xf32, #tpu.memory_space<vmem>>)
      %dma_start3A_267 = arith.constant 0 : i32
      %dma_start3A_268 = arith.constant 0 : i32
      %dma_start3A_269 = tpu.memref_slice %arg25[%dma_start3A_267, %dma_start3A_268] : memref<10000x128xf32, #tpu.memory_space<vmem_shared>> -> memref<10000x128xf32, #tpu.memory_space<vmem_shared>>
      tpu.enqueue_indirect_dma source(%arg22 : memref<40x128xf32, #tpu.memory_space<vmem>>) target(%dma_start3A_269 : memref<10000x128xf32, #tpu.memory_space<vmem_shared>>) offsets(%arg16 : memref<40xi32, #tpu.memory_space<vmem>>) semaphore(%arg41 : memref<!tpu.dma_semaphore, #tpu.memory_space<semaphore_mem>>) {add = true}
      %dma_wait3A_270 = arith.constant 0 : i32
      %dma_wait3A_271 = arith.constant 0 : i32
      %dma_wait3A_272 = tpu.memref_slice %arg2[%dma_wait3A_270, %dma_wait3A_271] : memref<10000x128xf32, #tpu.memory_space<hbm>> -> memref<10000x128xf32, #tpu.memory_space<hbm>>
      tpu.wait_indirect_dma semaphore(%arg36 : memref<!tpu.dma_semaphore, #tpu.memory_space<semaphore_mem>>) src(%dma_wait3A_272 : memref<10000x128xf32, #tpu.memory_space<hbm>>) dst(%arg23 : memref<40x128xf32, #tpu.memory_space<vmem>>)
      %dma_start3A_273 = arith.constant 0 : i32
      %dma_start3A_274 = arith.constant 0 : i32
      %dma_start3A_275 = tpu.memref_slice %arg25[%dma_start3A_273, %dma_start3A_274] : memref<10000x128xf32, #tpu.memory_space<vmem_shared>> -> memref<10000x128xf32, #tpu.memory_space<vmem_shared>>
      tpu.enqueue_indirect_dma source(%arg23 : memref<40x128xf32, #tpu.memory_space<vmem>>) target(%dma_start3A_275 : memref<10000x128xf32, #tpu.memory_space<vmem_shared>>) offsets(%arg17 : memref<40xi32, #tpu.memory_space<vmem>>) semaphore(%arg42 : memref<!tpu.dma_semaphore, #tpu.memory_space<semaphore_mem>>) {add = true}
      %dma_wait3A_276 = arith.constant 0 : i32
      %dma_wait3A_277 = arith.constant 0 : i32
      %dma_wait3A_278 = tpu.memref_slice %arg2[%dma_wait3A_276, %dma_wait3A_277] : memref<10000x128xf32, #tpu.memory_space<hbm>> -> memref<10000x128xf32, #tpu.memory_space<hbm>>
      tpu.wait_indirect_dma semaphore(%arg37 : memref<!tpu.dma_semaphore, #tpu.memory_space<semaphore_mem>>) src(%dma_wait3A_278 : memref<10000x128xf32, #tpu.memory_space<hbm>>) dst(%arg24 : memref<40x128xf32, #tpu.memory_space<vmem>>)
      %dma_start3A_279 = arith.constant 0 : i32
      %dma_start3A_280 = arith.constant 0 : i32
      %dma_start3A_281 = tpu.memref_slice %arg25[%dma_start3A_279, %dma_start3A_280] : memref<10000x128xf32, #tpu.memory_space<vmem_shared>> -> memref<10000x128xf32, #tpu.memory_space<vmem_shared>>
      tpu.enqueue_indirect_dma source(%arg24 : memref<40x128xf32, #tpu.memory_space<vmem>>) target(%dma_start3A_281 : memref<10000x128xf32, #tpu.memory_space<vmem_shared>>) offsets(%arg18 : memref<40xi32, #tpu.memory_space<vmem>>) semaphore(%arg43 : memref<!tpu.dma_semaphore, #tpu.memory_space<semaphore_mem>>) {add = true}
      %lt3A = arith.constant 40 : i32
      %lt3A_282 = arith.cmpi slt, %scan3A_178, %lt3A : i32
      %convert_element_type3A_283 = arith.extui %lt3A_282 : i1 to i32
      %cond3A_284 = arith.constant 0 : i32
      %cond3A_285 = arith.cmpi ne, %convert_element_type3A_283, %cond3A_284 : i32
      scf.if %cond3A_285 {
        %dma_wait3A_287 = arith.constant 0 : i32
        %dma_wait3A_288 = arith.constant 0 : i32
        %dma_wait3A_289 = tpu.memref_slice %arg25[%dma_wait3A_287, %dma_wait3A_288] : memref<10000x128xf32, #tpu.memory_space<vmem_shared>> -> memref<10000x128xf32, #tpu.memory_space<vmem_shared>>
        tpu.wait_indirect_dma semaphore(%arg38 : memref<!tpu.dma_semaphore, #tpu.memory_space<semaphore_mem>>) src(%arg19 : memref<40x128xf32, #tpu.memory_space<vmem>>) dst(%dma_wait3A_289 : memref<10000x128xf32, #tpu.memory_space<vmem_shared>>)
        %mul3A_290 = arith.constant 6 : i32
        %mul3A_291 = arith.muli %scan3A_178, %mul3A_290 : i32
        %add3A_292 = arith.constant 6 : i32
        %add3A_293 = arith.addi %mul3A_291, %add3A_292 : i32
        %add3A_294 = arith.constant 0 : i32
        %add3A_295 = arith.addi %add3A_293, %add3A_294 : i32
        %mul3A_296 = arith.constant 40 : i32
        %mul3A_297 = arith.muli %add3A_295, %mul3A_296 : i32
        %add3A_298 = arith.addi %mul3A_6, %mul3A_297 : i32
        %dma_start3A_299 = tpu.memref_slice %arg3[%add3A_298] : memref<320000xi32, #tpu.memory_space<hbm>> -> memref<40xi32, #tpu.memory_space<hbm>>
        %dma_start3A_300 = tpu.memref_slice %arg3[%add3A_298] : memref<320000xi32, #tpu.memory_space<hbm>> -> memref<40xi32, #tpu.memory_space<hbm>>
        tpu.enqueue_dma source(%dma_start3A_300 : memref<40xi32, #tpu.memory_space<hbm>>) target(%arg7 : memref<40xi32, #tpu.memory_space<vmem>>) target_semaphore(%arg26 : memref<!tpu.dma_semaphore, #tpu.memory_space<semaphore_mem>>)
        %dma_start3A_301 = tpu.memref_slice %arg4[%add3A_298] : memref<320000xi32, #tpu.memory_space<hbm>> -> memref<40xi32, #tpu.memory_space<hbm>>
        %dma_start3A_302 = tpu.memref_slice %arg4[%add3A_298] : memref<320000xi32, #tpu.memory_space<hbm>> -> memref<40xi32, #tpu.memory_space<hbm>>
        tpu.enqueue_dma source(%dma_start3A_302 : memref<40xi32, #tpu.memory_space<hbm>>) target(%arg13 : memref<40xi32, #tpu.memory_space<vmem>>) target_semaphore(%arg26 : memref<!tpu.dma_semaphore, #tpu.memory_space<semaphore_mem>>)
        %dma_wait3A_303 = arith.constant 0 : i32
        %dma_wait3A_304 = arith.constant 0 : i32
        %dma_wait3A_305 = tpu.memref_slice %arg25[%dma_wait3A_303, %dma_wait3A_304] : memref<10000x128xf32, #tpu.memory_space<vmem_shared>> -> memref<10000x128xf32, #tpu.memory_space<vmem_shared>>
        tpu.wait_indirect_dma semaphore(%arg39 : memref<!tpu.dma_semaphore, #tpu.memory_space<semaphore_mem>>) src(%arg20 : memref<40x128xf32, #tpu.memory_space<vmem>>) dst(%dma_wait3A_305 : memref<10000x128xf32, #tpu.memory_space<vmem_shared>>)
        %mul3A_306 = arith.constant 6 : i32
        %mul3A_307 = arith.muli %scan3A_178, %mul3A_306 : i32
        %add3A_308 = arith.constant 6 : i32
        %add3A_309 = arith.addi %mul3A_307, %add3A_308 : i32
        %add3A_310 = arith.constant 1 : i32
        %add3A_311 = arith.addi %add3A_309, %add3A_310 : i32
        %mul3A_312 = arith.constant 40 : i32
        %mul3A_313 = arith.muli %add3A_311, %mul3A_312 : i32
        %add3A_314 = arith.addi %mul3A_6, %mul3A_313 : i32
        %dma_start3A_315 = tpu.memref_slice %arg3[%add3A_314] : memref<320000xi32, #tpu.memory_space<hbm>> -> memref<40xi32, #tpu.memory_space<hbm>>
        %dma_start3A_316 = tpu.memref_slice %arg3[%add3A_314] : memref<320000xi32, #tpu.memory_space<hbm>> -> memref<40xi32, #tpu.memory_space<hbm>>
        tpu.enqueue_dma source(%dma_start3A_316 : memref<40xi32, #tpu.memory_space<hbm>>) target(%arg8 : memref<40xi32, #tpu.memory_space<vmem>>) target_semaphore(%arg27 : memref<!tpu.dma_semaphore, #tpu.memory_space<semaphore_mem>>)
        %dma_start3A_317 = tpu.memref_slice %arg4[%add3A_314] : memref<320000xi32, #tpu.memory_space<hbm>> -> memref<40xi32, #tpu.memory_space<hbm>>
        %dma_start3A_318 = tpu.memref_slice %arg4[%add3A_314] : memref<320000xi32, #tpu.memory_space<hbm>> -> memref<40xi32, #tpu.memory_space<hbm>>
        tpu.enqueue_dma source(%dma_start3A_318 : memref<40xi32, #tpu.memory_space<hbm>>) target(%arg14 : memref<40xi32, #tpu.memory_space<vmem>>) target_semaphore(%arg27 : memref<!tpu.dma_semaphore, #tpu.memory_space<semaphore_mem>>)
        %dma_wait3A_319 = arith.constant 0 : i32
        %dma_wait3A_320 = arith.constant 0 : i32
        %dma_wait3A_321 = tpu.memref_slice %arg25[%dma_wait3A_319, %dma_wait3A_320] : memref<10000x128xf32, #tpu.memory_space<vmem_shared>> -> memref<10000x128xf32, #tpu.memory_space<vmem_shared>>
        tpu.wait_indirect_dma semaphore(%arg40 : memref<!tpu.dma_semaphore, #tpu.memory_space<semaphore_mem>>) src(%arg21 : memref<40x128xf32, #tpu.memory_space<vmem>>) dst(%dma_wait3A_321 : memref<10000x128xf32, #tpu.memory_space<vmem_shared>>)
        %mul3A_322 = arith.constant 6 : i32
        %mul3A_323 = arith.muli %scan3A_178, %mul3A_322 : i32
        %add3A_324 = arith.constant 6 : i32
        %add3A_325 = arith.addi %mul3A_323, %add3A_324 : i32
        %add3A_326 = arith.constant 2 : i32
        %add3A_327 = arith.addi %add3A_325, %add3A_326 : i32
        %mul3A_328 = arith.constant 40 : i32
        %mul3A_329 = arith.muli %add3A_327, %mul3A_328 : i32
        %add3A_330 = arith.addi %mul3A_6, %mul3A_329 : i32
        %dma_start3A_331 = tpu.memref_slice %arg3[%add3A_330] : memref<320000xi32, #tpu.memory_space<hbm>> -> memref<40xi32, #tpu.memory_space<hbm>>
        %dma_start3A_332 = tpu.memref_slice %arg3[%add3A_330] : memref<320000xi32, #tpu.memory_space<hbm>> -> memref<40xi32, #tpu.memory_space<hbm>>
        tpu.enqueue_dma source(%dma_start3A_332 : memref<40xi32, #tpu.memory_space<hbm>>) target(%arg9 : memref<40xi32, #tpu.memory_space<vmem>>) target_semaphore(%arg28 : memref<!tpu.dma_semaphore, #tpu.memory_space<semaphore_mem>>)
        %dma_start3A_333 = tpu.memref_slice %arg4[%add3A_330] : memref<320000xi32, #tpu.memory_space<hbm>> -> memref<40xi32, #tpu.memory_space<hbm>>
        %dma_start3A_334 = tpu.memref_slice %arg4[%add3A_330] : memref<320000xi32, #tpu.memory_space<hbm>> -> memref<40xi32, #tpu.memory_space<hbm>>
        tpu.enqueue_dma source(%dma_start3A_334 : memref<40xi32, #tpu.memory_space<hbm>>) target(%arg15 : memref<40xi32, #tpu.memory_space<vmem>>) target_semaphore(%arg28 : memref<!tpu.dma_semaphore, #tpu.memory_space<semaphore_mem>>)
        %dma_wait3A_335 = arith.constant 0 : i32
        %dma_wait3A_336 = arith.constant 0 : i32
        %dma_wait3A_337 = tpu.memref_slice %arg25[%dma_wait3A_335, %dma_wait3A_336] : memref<10000x128xf32, #tpu.memory_space<vmem_shared>> -> memref<10000x128xf32, #tpu.memory_space<vmem_shared>>
        tpu.wait_indirect_dma semaphore(%arg41 : memref<!tpu.dma_semaphore, #tpu.memory_space<semaphore_mem>>) src(%arg22 : memref<40x128xf32, #tpu.memory_space<vmem>>) dst(%dma_wait3A_337 : memref<10000x128xf32, #tpu.memory_space<vmem_shared>>)
        %mul3A_338 = arith.constant 6 : i32
        %mul3A_339 = arith.muli %scan3A_178, %mul3A_338 : i32
        %add3A_340 = arith.constant 6 : i32
        %add3A_341 = arith.addi %mul3A_339, %add3A_340 : i32
        %add3A_342 = arith.constant 3 : i32
        %add3A_343 = arith.addi %add3A_341, %add3A_342 : i32
        %mul3A_344 = arith.constant 40 : i32
        %mul3A_345 = arith.muli %add3A_343, %mul3A_344 : i32
        %add3A_346 = arith.addi %mul3A_6, %mul3A_345 : i32
        %dma_start3A_347 = tpu.memref_slice %arg3[%add3A_346] : memref<320000xi32, #tpu.memory_space<hbm>> -> memref<40xi32, #tpu.memory_space<hbm>>
        %dma_start3A_348 = tpu.memref_slice %arg3[%add3A_346] : memref<320000xi32, #tpu.memory_space<hbm>> -> memref<40xi32, #tpu.memory_space<hbm>>
        tpu.enqueue_dma source(%dma_start3A_348 : memref<40xi32, #tpu.memory_space<hbm>>) target(%arg10 : memref<40xi32, #tpu.memory_space<vmem>>) target_semaphore(%arg29 : memref<!tpu.dma_semaphore, #tpu.memory_space<semaphore_mem>>)
        %dma_start3A_349 = tpu.memref_slice %arg4[%add3A_346] : memref<320000xi32, #tpu.memory_space<hbm>> -> memref<40xi32, #tpu.memory_space<hbm>>
        %dma_start3A_350 = tpu.memref_slice %arg4[%add3A_346] : memref<320000xi32, #tpu.memory_space<hbm>> -> memref<40xi32, #tpu.memory_space<hbm>>
        tpu.enqueue_dma source(%dma_start3A_350 : memref<40xi32, #tpu.memory_space<hbm>>) target(%arg16 : memref<40xi32, #tpu.memory_space<vmem>>) target_semaphore(%arg29 : memref<!tpu.dma_semaphore, #tpu.memory_space<semaphore_mem>>)
        %dma_wait3A_351 = arith.constant 0 : i32
        %dma_wait3A_352 = arith.constant 0 : i32
        %dma_wait3A_353 = tpu.memref_slice %arg25[%dma_wait3A_351, %dma_wait3A_352] : memref<10000x128xf32, #tpu.memory_space<vmem_shared>> -> memref<10000x128xf32, #tpu.memory_space<vmem_shared>>
        tpu.wait_indirect_dma semaphore(%arg42 : memref<!tpu.dma_semaphore, #tpu.memory_space<semaphore_mem>>) src(%arg23 : memref<40x128xf32, #tpu.memory_space<vmem>>) dst(%dma_wait3A_353 : memref<10000x128xf32, #tpu.memory_space<vmem_shared>>)
        %mul3A_354 = arith.constant 6 : i32
        %mul3A_355 = arith.muli %scan3A_178, %mul3A_354 : i32
        %add3A_356 = arith.constant 6 : i32
        %add3A_357 = arith.addi %mul3A_355, %add3A_356 : i32
        %add3A_358 = arith.constant 4 : i32
        %add3A_359 = arith.addi %add3A_357, %add3A_358 : i32
        %mul3A_360 = arith.constant 40 : i32
        %mul3A_361 = arith.muli %add3A_359, %mul3A_360 : i32
        %add3A_362 = arith.addi %mul3A_6, %mul3A_361 : i32
        %dma_start3A_363 = tpu.memref_slice %arg3[%add3A_362] : memref<320000xi32, #tpu.memory_space<hbm>> -> memref<40xi32, #tpu.memory_space<hbm>>
        %dma_start3A_364 = tpu.memref_slice %arg3[%add3A_362] : memref<320000xi32, #tpu.memory_space<hbm>> -> memref<40xi32, #tpu.memory_space<hbm>>
        tpu.enqueue_dma source(%dma_start3A_364 : memref<40xi32, #tpu.memory_space<hbm>>) target(%arg11 : memref<40xi32, #tpu.memory_space<vmem>>) target_semaphore(%arg30 : memref<!tpu.dma_semaphore, #tpu.memory_space<semaphore_mem>>)
        %dma_start3A_365 = tpu.memref_slice %arg4[%add3A_362] : memref<320000xi32, #tpu.memory_space<hbm>> -> memref<40xi32, #tpu.memory_space<hbm>>
        %dma_start3A_366 = tpu.memref_slice %arg4[%add3A_362] : memref<320000xi32, #tpu.memory_space<hbm>> -> memref<40xi32, #tpu.memory_space<hbm>>
        tpu.enqueue_dma source(%dma_start3A_366 : memref<40xi32, #tpu.memory_space<hbm>>) target(%arg17 : memref<40xi32, #tpu.memory_space<vmem>>) target_semaphore(%arg30 : memref<!tpu.dma_semaphore, #tpu.memory_space<semaphore_mem>>)
        %dma_wait3A_367 = arith.constant 0 : i32
        %dma_wait3A_368 = arith.constant 0 : i32
        %dma_wait3A_369 = tpu.memref_slice %arg25[%dma_wait3A_367, %dma_wait3A_368] : memref<10000x128xf32, #tpu.memory_space<vmem_shared>> -> memref<10000x128xf32, #tpu.memory_space<vmem_shared>>
        tpu.wait_indirect_dma semaphore(%arg43 : memref<!tpu.dma_semaphore, #tpu.memory_space<semaphore_mem>>) src(%arg24 : memref<40x128xf32, #tpu.memory_space<vmem>>) dst(%dma_wait3A_369 : memref<10000x128xf32, #tpu.memory_space<vmem_shared>>)
        %mul3A_370 = arith.constant 6 : i32
        %mul3A_371 = arith.muli %scan3A_178, %mul3A_370 : i32
        %add3A_372 = arith.constant 6 : i32
        %add3A_373 = arith.addi %mul3A_371, %add3A_372 : i32
        %add3A_374 = arith.constant 5 : i32
        %add3A_375 = arith.addi %add3A_373, %add3A_374 : i32
        %mul3A_376 = arith.constant 40 : i32
        %mul3A_377 = arith.muli %add3A_375, %mul3A_376 : i32
        %add3A_378 = arith.addi %mul3A_6, %mul3A_377 : i32
        %dma_start3A_379 = tpu.memref_slice %arg3[%add3A_378] : memref<320000xi32, #tpu.memory_space<hbm>> -> memref<40xi32, #tpu.memory_space<hbm>>
        %dma_start3A_380 = tpu.memref_slice %arg3[%add3A_378] : memref<320000xi32, #tpu.memory_space<hbm>> -> memref<40xi32, #tpu.memory_space<hbm>>
        tpu.enqueue_dma source(%dma_start3A_380 : memref<40xi32, #tpu.memory_space<hbm>>) target(%arg12 : memref<40xi32, #tpu.memory_space<vmem>>) target_semaphore(%arg31 : memref<!tpu.dma_semaphore, #tpu.memory_space<semaphore_mem>>)
        %dma_start3A_381 = tpu.memref_slice %arg4[%add3A_378] : memref<320000xi32, #tpu.memory_space<hbm>> -> memref<40xi32, #tpu.memory_space<hbm>>
        %dma_start3A_382 = tpu.memref_slice %arg4[%add3A_378] : memref<320000xi32, #tpu.memory_space<hbm>> -> memref<40xi32, #tpu.memory_space<hbm>>
        tpu.enqueue_dma source(%dma_start3A_382 : memref<40xi32, #tpu.memory_space<hbm>>) target(%arg18 : memref<40xi32, #tpu.memory_space<vmem>>) target_semaphore(%arg31 : memref<!tpu.dma_semaphore, #tpu.memory_space<semaphore_mem>>)
      } else {
      }
      %scan3A_286 = arith.constant 0 : i32
      scf.yield %scan3A_286 : i32
    }
    %scan3A_47 = arith.constant 41 : i32
    %dma_wait3A = arith.constant 0 : i32
    %dma_wait3A_48 = arith.constant 0 : i32
    %dma_wait3A_49 = tpu.memref_slice %arg25[%dma_wait3A, %dma_wait3A_48] : memref<10000x128xf32, #tpu.memory_space<vmem_shared>> -> memref<10000x128xf32, #tpu.memory_space<vmem_shared>>
    tpu.wait_indirect_dma semaphore(%arg38 : memref<!tpu.dma_semaphore, #tpu.memory_space<semaphore_mem>>) src(%arg19 : memref<40x128xf32, #tpu.memory_space<vmem>>) dst(%dma_wait3A_49 : memref<10000x128xf32, #tpu.memory_space<vmem_shared>>)
    %add3A_50 = arith.constant 9840 : i32
    %add3A_51 = arith.addi %mul3A_6, %add3A_50 : i32
    %dma_start3A_52 = tpu.memref_slice %arg3[%add3A_51] : memref<320000xi32, #tpu.memory_space<hbm>> -> memref<40xi32, #tpu.memory_space<hbm>>
    %dma_start3A_53 = tpu.memref_slice %arg3[%add3A_51] : memref<320000xi32, #tpu.memory_space<hbm>> -> memref<40xi32, #tpu.memory_space<hbm>>
    tpu.enqueue_dma source(%dma_start3A_53 : memref<40xi32, #tpu.memory_space<hbm>>) target(%arg7 : memref<40xi32, #tpu.memory_space<vmem>>) target_semaphore(%arg26 : memref<!tpu.dma_semaphore, #tpu.memory_space<semaphore_mem>>)
    %dma_start3A_54 = tpu.memref_slice %arg4[%add3A_51] : memref<320000xi32, #tpu.memory_space<hbm>> -> memref<40xi32, #tpu.memory_space<hbm>>
    %dma_start3A_55 = tpu.memref_slice %arg4[%add3A_51] : memref<320000xi32, #tpu.memory_space<hbm>> -> memref<40xi32, #tpu.memory_space<hbm>>
    tpu.enqueue_dma source(%dma_start3A_55 : memref<40xi32, #tpu.memory_space<hbm>>) target(%arg13 : memref<40xi32, #tpu.memory_space<vmem>>) target_semaphore(%arg26 : memref<!tpu.dma_semaphore, #tpu.memory_space<semaphore_mem>>)
    %dma_wait3A_56 = arith.constant 0 : i32
    %dma_wait3A_57 = arith.constant 0 : i32
    %dma_wait3A_58 = tpu.memref_slice %arg25[%dma_wait3A_56, %dma_wait3A_57] : memref<10000x128xf32, #tpu.memory_space<vmem_shared>> -> memref<10000x128xf32, #tpu.memory_space<vmem_shared>>
    tpu.wait_indirect_dma semaphore(%arg39 : memref<!tpu.dma_semaphore, #tpu.memory_space<semaphore_mem>>) src(%arg20 : memref<40x128xf32, #tpu.memory_space<vmem>>) dst(%dma_wait3A_58 : memref<10000x128xf32, #tpu.memory_space<vmem_shared>>)
    %add3A_59 = arith.constant 9880 : i32
    %add3A_60 = arith.addi %mul3A_6, %add3A_59 : i32
    %dma_start3A_61 = tpu.memref_slice %arg3[%add3A_60] : memref<320000xi32, #tpu.memory_space<hbm>> -> memref<40xi32, #tpu.memory_space<hbm>>
    %dma_start3A_62 = tpu.memref_slice %arg3[%add3A_60] : memref<320000xi32, #tpu.memory_space<hbm>> -> memref<40xi32, #tpu.memory_space<hbm>>
    tpu.enqueue_dma source(%dma_start3A_62 : memref<40xi32, #tpu.memory_space<hbm>>) target(%arg8 : memref<40xi32, #tpu.memory_space<vmem>>) target_semaphore(%arg27 : memref<!tpu.dma_semaphore, #tpu.memory_space<semaphore_mem>>)
    %dma_start3A_63 = tpu.memref_slice %arg4[%add3A_60] : memref<320000xi32, #tpu.memory_space<hbm>> -> memref<40xi32, #tpu.memory_space<hbm>>
    %dma_start3A_64 = tpu.memref_slice %arg4[%add3A_60] : memref<320000xi32, #tpu.memory_space<hbm>> -> memref<40xi32, #tpu.memory_space<hbm>>
    tpu.enqueue_dma source(%dma_start3A_64 : memref<40xi32, #tpu.memory_space<hbm>>) target(%arg14 : memref<40xi32, #tpu.memory_space<vmem>>) target_semaphore(%arg27 : memref<!tpu.dma_semaphore, #tpu.memory_space<semaphore_mem>>)
    %dma_wait3A_65 = arith.constant 0 : i32
    %dma_wait3A_66 = arith.constant 0 : i32
    %dma_wait3A_67 = tpu.memref_slice %arg25[%dma_wait3A_65, %dma_wait3A_66] : memref<10000x128xf32, #tpu.memory_space<vmem_shared>> -> memref<10000x128xf32, #tpu.memory_space<vmem_shared>>
    tpu.wait_indirect_dma semaphore(%arg40 : memref<!tpu.dma_semaphore, #tpu.memory_space<semaphore_mem>>) src(%arg21 : memref<40x128xf32, #tpu.memory_space<vmem>>) dst(%dma_wait3A_67 : memref<10000x128xf32, #tpu.memory_space<vmem_shared>>)
    %add3A_68 = arith.constant 9920 : i32
    %add3A_69 = arith.addi %mul3A_6, %add3A_68 : i32
    %dma_start3A_70 = tpu.memref_slice %arg3[%add3A_69] : memref<320000xi32, #tpu.memory_space<hbm>> -> memref<40xi32, #tpu.memory_space<hbm>>
    %dma_start3A_71 = tpu.memref_slice %arg3[%add3A_69] : memref<320000xi32, #tpu.memory_space<hbm>> -> memref<40xi32, #tpu.memory_space<hbm>>
    tpu.enqueue_dma source(%dma_start3A_71 : memref<40xi32, #tpu.memory_space<hbm>>) target(%arg9 : memref<40xi32, #tpu.memory_space<vmem>>) target_semaphore(%arg28 : memref<!tpu.dma_semaphore, #tpu.memory_space<semaphore_mem>>)
    %dma_start3A_72 = tpu.memref_slice %arg4[%add3A_69] : memref<320000xi32, #tpu.memory_space<hbm>> -> memref<40xi32, #tpu.memory_space<hbm>>
    %dma_start3A_73 = tpu.memref_slice %arg4[%add3A_69] : memref<320000xi32, #tpu.memory_space<hbm>> -> memref<40xi32, #tpu.memory_space<hbm>>
    tpu.enqueue_dma source(%dma_start3A_73 : memref<40xi32, #tpu.memory_space<hbm>>) target(%arg15 : memref<40xi32, #tpu.memory_space<vmem>>) target_semaphore(%arg28 : memref<!tpu.dma_semaphore, #tpu.memory_space<semaphore_mem>>)
    %dma_wait3A_74 = arith.constant 0 : i32
    %dma_wait3A_75 = arith.constant 0 : i32
    %dma_wait3A_76 = tpu.memref_slice %arg25[%dma_wait3A_74, %dma_wait3A_75] : memref<10000x128xf32, #tpu.memory_space<vmem_shared>> -> memref<10000x128xf32, #tpu.memory_space<vmem_shared>>
    tpu.wait_indirect_dma semaphore(%arg41 : memref<!tpu.dma_semaphore, #tpu.memory_space<semaphore_mem>>) src(%arg22 : memref<40x128xf32, #tpu.memory_space<vmem>>) dst(%dma_wait3A_76 : memref<10000x128xf32, #tpu.memory_space<vmem_shared>>)
    %add3A_77 = arith.constant 9960 : i32
    %add3A_78 = arith.addi %mul3A_6, %add3A_77 : i32
    %dma_start3A_79 = tpu.memref_slice %arg3[%add3A_78] : memref<320000xi32, #tpu.memory_space<hbm>> -> memref<40xi32, #tpu.memory_space<hbm>>
    %dma_start3A_80 = tpu.memref_slice %arg3[%add3A_78] : memref<320000xi32, #tpu.memory_space<hbm>> -> memref<40xi32, #tpu.memory_space<hbm>>
    tpu.enqueue_dma source(%dma_start3A_80 : memref<40xi32, #tpu.memory_space<hbm>>) target(%arg10 : memref<40xi32, #tpu.memory_space<vmem>>) target_semaphore(%arg29 : memref<!tpu.dma_semaphore, #tpu.memory_space<semaphore_mem>>)
    %dma_start3A_81 = tpu.memref_slice %arg4[%add3A_78] : memref<320000xi32, #tpu.memory_space<hbm>> -> memref<40xi32, #tpu.memory_space<hbm>>
    %dma_start3A_82 = tpu.memref_slice %arg4[%add3A_78] : memref<320000xi32, #tpu.memory_space<hbm>> -> memref<40xi32, #tpu.memory_space<hbm>>
    tpu.enqueue_dma source(%dma_start3A_82 : memref<40xi32, #tpu.memory_space<hbm>>) target(%arg16 : memref<40xi32, #tpu.memory_space<vmem>>) target_semaphore(%arg29 : memref<!tpu.dma_semaphore, #tpu.memory_space<semaphore_mem>>)
    %dma_wait3A_83 = arith.constant 0 : i32
    %dma_wait3A_84 = tpu.memref_slice %arg3[%dma_wait3A_83] : memref<320000xi32, #tpu.memory_space<hbm>> -> memref<40xi32, #tpu.memory_space<hbm>>
    %dma_wait3A_85 = arith.constant 0 : i32
    %dma_wait3A_86 = tpu.memref_slice %arg3[%dma_wait3A_85] : memref<320000xi32, #tpu.memory_space<hbm>> -> memref<40xi32, #tpu.memory_space<hbm>>
    tpu.wait_dma2 semaphore(%arg26 : memref<!tpu.dma_semaphore, #tpu.memory_space<semaphore_mem>>) src(%dma_wait3A_86 : memref<40xi32, #tpu.memory_space<hbm>>) dst(%arg7 : memref<40xi32, #tpu.memory_space<vmem>>)
    %dma_wait3A_87 = arith.constant 0 : i32
    %dma_wait3A_88 = tpu.memref_slice %arg4[%dma_wait3A_87] : memref<320000xi32, #tpu.memory_space<hbm>> -> memref<40xi32, #tpu.memory_space<hbm>>
    %dma_wait3A_89 = arith.constant 0 : i32
    %dma_wait3A_90 = tpu.memref_slice %arg4[%dma_wait3A_89] : memref<320000xi32, #tpu.memory_space<hbm>> -> memref<40xi32, #tpu.memory_space<hbm>>
    tpu.wait_dma2 semaphore(%arg26 : memref<!tpu.dma_semaphore, #tpu.memory_space<semaphore_mem>>) src(%dma_wait3A_90 : memref<40xi32, #tpu.memory_space<hbm>>) dst(%arg13 : memref<40xi32, #tpu.memory_space<vmem>>)
    %dma_start3A_91 = arith.constant 0 : i32
    %dma_start3A_92 = arith.constant 0 : i32
    %dma_start3A_93 = tpu.memref_slice %arg2[%dma_start3A_91, %dma_start3A_92] : memref<10000x128xf32, #tpu.memory_space<hbm>> -> memref<10000x128xf32, #tpu.memory_space<hbm>>
    tpu.enqueue_indirect_dma source(%dma_start3A_93 : memref<10000x128xf32, #tpu.memory_space<hbm>>) target(%arg19 : memref<40x128xf32, #tpu.memory_space<vmem>>) offsets(%arg7 : memref<40xi32, #tpu.memory_space<vmem>>) semaphore(%arg32 : memref<!tpu.dma_semaphore, #tpu.memory_space<semaphore_mem>>)
    %dma_wait3A_94 = arith.constant 0 : i32
    %dma_wait3A_95 = tpu.memref_slice %arg3[%dma_wait3A_94] : memref<320000xi32, #tpu.memory_space<hbm>> -> memref<40xi32, #tpu.memory_space<hbm>>
    %dma_wait3A_96 = arith.constant 0 : i32
    %dma_wait3A_97 = tpu.memref_slice %arg3[%dma_wait3A_96] : memref<320000xi32, #tpu.memory_space<hbm>> -> memref<40xi32, #tpu.memory_space<hbm>>
    tpu.wait_dma2 semaphore(%arg27 : memref<!tpu.dma_semaphore, #tpu.memory_space<semaphore_mem>>) src(%dma_wait3A_97 : memref<40xi32, #tpu.memory_space<hbm>>) dst(%arg8 : memref<40xi32, #tpu.memory_space<vmem>>)
    %dma_wait3A_98 = arith.constant 0 : i32
    %dma_wait3A_99 = tpu.memref_slice %arg4[%dma_wait3A_98] : memref<320000xi32, #tpu.memory_space<hbm>> -> memref<40xi32, #tpu.memory_space<hbm>>
    %dma_wait3A_100 = arith.constant 0 : i32
    %dma_wait3A_101 = tpu.memref_slice %arg4[%dma_wait3A_100] : memref<320000xi32, #tpu.memory_space<hbm>> -> memref<40xi32, #tpu.memory_space<hbm>>
    tpu.wait_dma2 semaphore(%arg27 : memref<!tpu.dma_semaphore, #tpu.memory_space<semaphore_mem>>) src(%dma_wait3A_101 : memref<40xi32, #tpu.memory_space<hbm>>) dst(%arg14 : memref<40xi32, #tpu.memory_space<vmem>>)
    %dma_start3A_102 = arith.constant 0 : i32
    %dma_start3A_103 = arith.constant 0 : i32
    %dma_start3A_104 = tpu.memref_slice %arg2[%dma_start3A_102, %dma_start3A_103] : memref<10000x128xf32, #tpu.memory_space<hbm>> -> memref<10000x128xf32, #tpu.memory_space<hbm>>
    tpu.enqueue_indirect_dma source(%dma_start3A_104 : memref<10000x128xf32, #tpu.memory_space<hbm>>) target(%arg20 : memref<40x128xf32, #tpu.memory_space<vmem>>) offsets(%arg8 : memref<40xi32, #tpu.memory_space<vmem>>) semaphore(%arg33 : memref<!tpu.dma_semaphore, #tpu.memory_space<semaphore_mem>>)
    %dma_wait3A_105 = arith.constant 0 : i32
    %dma_wait3A_106 = tpu.memref_slice %arg3[%dma_wait3A_105] : memref<320000xi32, #tpu.memory_space<hbm>> -> memref<40xi32, #tpu.memory_space<hbm>>
    %dma_wait3A_107 = arith.constant 0 : i32
    %dma_wait3A_108 = tpu.memref_slice %arg3[%dma_wait3A_107] : memref<320000xi32, #tpu.memory_space<hbm>> -> memref<40xi32, #tpu.memory_space<hbm>>
    tpu.wait_dma2 semaphore(%arg28 : memref<!tpu.dma_semaphore, #tpu.memory_space<semaphore_mem>>) src(%dma_wait3A_108 : memref<40xi32, #tpu.memory_space<hbm>>) dst(%arg9 : memref<40xi32, #tpu.memory_space<vmem>>)
    %dma_wait3A_109 = arith.constant 0 : i32
    %dma_wait3A_110 = tpu.memref_slice %arg4[%dma_wait3A_109] : memref<320000xi32, #tpu.memory_space<hbm>> -> memref<40xi32, #tpu.memory_space<hbm>>
    %dma_wait3A_111 = arith.constant 0 : i32
    %dma_wait3A_112 = tpu.memref_slice %arg4[%dma_wait3A_111] : memref<320000xi32, #tpu.memory_space<hbm>> -> memref<40xi32, #tpu.memory_space<hbm>>
    tpu.wait_dma2 semaphore(%arg28 : memref<!tpu.dma_semaphore, #tpu.memory_space<semaphore_mem>>) src(%dma_wait3A_112 : memref<40xi32, #tpu.memory_space<hbm>>) dst(%arg15 : memref<40xi32, #tpu.memory_space<vmem>>)
    %dma_start3A_113 = arith.constant 0 : i32
    %dma_start3A_114 = arith.constant 0 : i32
    %dma_start3A_115 = tpu.memref_slice %arg2[%dma_start3A_113, %dma_start3A_114] : memref<10000x128xf32, #tpu.memory_space<hbm>> -> memref<10000x128xf32, #tpu.memory_space<hbm>>
    tpu.enqueue_indirect_dma source(%dma_start3A_115 : memref<10000x128xf32, #tpu.memory_space<hbm>>) target(%arg21 : memref<40x128xf32, #tpu.memory_space<vmem>>) offsets(%arg9 : memref<40xi32, #tpu.memory_space<vmem>>) semaphore(%arg34 : memref<!tpu.dma_semaphore, #tpu.memory_space<semaphore_mem>>)
    %dma_wait3A_116 = arith.constant 0 : i32
    %dma_wait3A_117 = tpu.memref_slice %arg3[%dma_wait3A_116] : memref<320000xi32, #tpu.memory_space<hbm>> -> memref<40xi32, #tpu.memory_space<hbm>>
    %dma_wait3A_118 = arith.constant 0 : i32
    %dma_wait3A_119 = tpu.memref_slice %arg3[%dma_wait3A_118] : memref<320000xi32, #tpu.memory_space<hbm>> -> memref<40xi32, #tpu.memory_space<hbm>>
    tpu.wait_dma2 semaphore(%arg29 : memref<!tpu.dma_semaphore, #tpu.memory_space<semaphore_mem>>) src(%dma_wait3A_119 : memref<40xi32, #tpu.memory_space<hbm>>) dst(%arg10 : memref<40xi32, #tpu.memory_space<vmem>>)
    %dma_wait3A_120 = arith.constant 0 : i32
    %dma_wait3A_121 = tpu.memref_slice %arg4[%dma_wait3A_120] : memref<320000xi32, #tpu.memory_space<hbm>> -> memref<40xi32, #tpu.memory_space<hbm>>
    %dma_wait3A_122 = arith.constant 0 : i32
    %dma_wait3A_123 = tpu.memref_slice %arg4[%dma_wait3A_122] : memref<320000xi32, #tpu.memory_space<hbm>> -> memref<40xi32, #tpu.memory_space<hbm>>
    tpu.wait_dma2 semaphore(%arg29 : memref<!tpu.dma_semaphore, #tpu.memory_space<semaphore_mem>>) src(%dma_wait3A_123 : memref<40xi32, #tpu.memory_space<hbm>>) dst(%arg16 : memref<40xi32, #tpu.memory_space<vmem>>)
    %dma_start3A_124 = arith.constant 0 : i32
    %dma_start3A_125 = arith.constant 0 : i32
    %dma_start3A_126 = tpu.memref_slice %arg2[%dma_start3A_124, %dma_start3A_125] : memref<10000x128xf32, #tpu.memory_space<hbm>> -> memref<10000x128xf32, #tpu.memory_space<hbm>>
    tpu.enqueue_indirect_dma source(%dma_start3A_126 : memref<10000x128xf32, #tpu.memory_space<hbm>>) target(%arg22 : memref<40x128xf32, #tpu.memory_space<vmem>>) offsets(%arg10 : memref<40xi32, #tpu.memory_space<vmem>>) semaphore(%arg35 : memref<!tpu.dma_semaphore, #tpu.memory_space<semaphore_mem>>)
    %dma_wait3A_127 = arith.constant 0 : i32
    %dma_wait3A_128 = arith.constant 0 : i32
    %dma_wait3A_129 = tpu.memref_slice %arg2[%dma_wait3A_127, %dma_wait3A_128] : memref<10000x128xf32, #tpu.memory_space<hbm>> -> memref<10000x128xf32, #tpu.memory_space<hbm>>
    tpu.wait_indirect_dma semaphore(%arg32 : memref<!tpu.dma_semaphore, #tpu.memory_space<semaphore_mem>>) src(%dma_wait3A_129 : memref<10000x128xf32, #tpu.memory_space<hbm>>) dst(%arg19 : memref<40x128xf32, #tpu.memory_space<vmem>>)
    %dma_start3A_130 = arith.constant 0 : i32
    %dma_start3A_131 = arith.constant 0 : i32
    %dma_start3A_132 = tpu.memref_slice %arg25[%dma_start3A_130, %dma_start3A_131] : memref<10000x128xf32, #tpu.memory_space<vmem_shared>> -> memref<10000x128xf32, #tpu.memory_space<vmem_shared>>
    tpu.enqueue_indirect_dma source(%arg19 : memref<40x128xf32, #tpu.memory_space<vmem>>) target(%dma_start3A_132 : memref<10000x128xf32, #tpu.memory_space<vmem_shared>>) offsets(%arg13 : memref<40xi32, #tpu.memory_space<vmem>>) semaphore(%arg38 : memref<!tpu.dma_semaphore, #tpu.memory_space<semaphore_mem>>) {add = true}
    %dma_wait3A_133 = arith.constant 0 : i32
    %dma_wait3A_134 = arith.constant 0 : i32
    %dma_wait3A_135 = tpu.memref_slice %arg2[%dma_wait3A_133, %dma_wait3A_134] : memref<10000x128xf32, #tpu.memory_space<hbm>> -> memref<10000x128xf32, #tpu.memory_space<hbm>>
    tpu.wait_indirect_dma semaphore(%arg33 : memref<!tpu.dma_semaphore, #tpu.memory_space<semaphore_mem>>) src(%dma_wait3A_135 : memref<10000x128xf32, #tpu.memory_space<hbm>>) dst(%arg20 : memref<40x128xf32, #tpu.memory_space<vmem>>)
    %dma_start3A_136 = arith.constant 0 : i32
    %dma_start3A_137 = arith.constant 0 : i32
    %dma_start3A_138 = tpu.memref_slice %arg25[%dma_start3A_136, %dma_start3A_137] : memref<10000x128xf32, #tpu.memory_space<vmem_shared>> -> memref<10000x128xf32, #tpu.memory_space<vmem_shared>>
    tpu.enqueue_indirect_dma source(%arg20 : memref<40x128xf32, #tpu.memory_space<vmem>>) target(%dma_start3A_138 : memref<10000x128xf32, #tpu.memory_space<vmem_shared>>) offsets(%arg14 : memref<40xi32, #tpu.memory_space<vmem>>) semaphore(%arg39 : memref<!tpu.dma_semaphore, #tpu.memory_space<semaphore_mem>>) {add = true}
    %dma_wait3A_139 = arith.constant 0 : i32
    %dma_wait3A_140 = arith.constant 0 : i32
    %dma_wait3A_141 = tpu.memref_slice %arg2[%dma_wait3A_139, %dma_wait3A_140] : memref<10000x128xf32, #tpu.memory_space<hbm>> -> memref<10000x128xf32, #tpu.memory_space<hbm>>
    tpu.wait_indirect_dma semaphore(%arg34 : memref<!tpu.dma_semaphore, #tpu.memory_space<semaphore_mem>>) src(%dma_wait3A_141 : memref<10000x128xf32, #tpu.memory_space<hbm>>) dst(%arg21 : memref<40x128xf32, #tpu.memory_space<vmem>>)
    %dma_start3A_142 = arith.constant 0 : i32
    %dma_start3A_143 = arith.constant 0 : i32
    %dma_start3A_144 = tpu.memref_slice %arg25[%dma_start3A_142, %dma_start3A_143] : memref<10000x128xf32, #tpu.memory_space<vmem_shared>> -> memref<10000x128xf32, #tpu.memory_space<vmem_shared>>
    tpu.enqueue_indirect_dma source(%arg21 : memref<40x128xf32, #tpu.memory_space<vmem>>) target(%dma_start3A_144 : memref<10000x128xf32, #tpu.memory_space<vmem_shared>>) offsets(%arg15 : memref<40xi32, #tpu.memory_space<vmem>>) semaphore(%arg40 : memref<!tpu.dma_semaphore, #tpu.memory_space<semaphore_mem>>) {add = true}
    %dma_wait3A_145 = arith.constant 0 : i32
    %dma_wait3A_146 = arith.constant 0 : i32
    %dma_wait3A_147 = tpu.memref_slice %arg2[%dma_wait3A_145, %dma_wait3A_146] : memref<10000x128xf32, #tpu.memory_space<hbm>> -> memref<10000x128xf32, #tpu.memory_space<hbm>>
    tpu.wait_indirect_dma semaphore(%arg35 : memref<!tpu.dma_semaphore, #tpu.memory_space<semaphore_mem>>) src(%dma_wait3A_147 : memref<10000x128xf32, #tpu.memory_space<hbm>>) dst(%arg22 : memref<40x128xf32, #tpu.memory_space<vmem>>)
    %dma_start3A_148 = arith.constant 0 : i32
    %dma_start3A_149 = arith.constant 0 : i32
    %dma_start3A_150 = tpu.memref_slice %arg25[%dma_start3A_148, %dma_start3A_149] : memref<10000x128xf32, #tpu.memory_space<vmem_shared>> -> memref<10000x128xf32, #tpu.memory_space<vmem_shared>>
    tpu.enqueue_indirect_dma source(%arg22 : memref<40x128xf32, #tpu.memory_space<vmem>>) target(%dma_start3A_150 : memref<10000x128xf32, #tpu.memory_space<vmem_shared>>) offsets(%arg16 : memref<40xi32, #tpu.memory_space<vmem>>) semaphore(%arg41 : memref<!tpu.dma_semaphore, #tpu.memory_space<semaphore_mem>>) {add = true}
    %dma_wait3A_151 = arith.constant 0 : i32
    %dma_wait3A_152 = arith.constant 0 : i32
    %dma_wait3A_153 = tpu.memref_slice %arg25[%dma_wait3A_151, %dma_wait3A_152] : memref<10000x128xf32, #tpu.memory_space<vmem_shared>> -> memref<10000x128xf32, #tpu.memory_space<vmem_shared>>
    tpu.wait_indirect_dma semaphore(%arg38 : memref<!tpu.dma_semaphore, #tpu.memory_space<semaphore_mem>>) src(%arg19 : memref<40x128xf32, #tpu.memory_space<vmem>>) dst(%dma_wait3A_153 : memref<10000x128xf32, #tpu.memory_space<vmem_shared>>)
    %dma_wait3A_154 = arith.constant 0 : i32
    %dma_wait3A_155 = arith.constant 0 : i32
    %dma_wait3A_156 = tpu.memref_slice %arg25[%dma_wait3A_154, %dma_wait3A_155] : memref<10000x128xf32, #tpu.memory_space<vmem_shared>> -> memref<10000x128xf32, #tpu.memory_space<vmem_shared>>
    tpu.wait_indirect_dma semaphore(%arg39 : memref<!tpu.dma_semaphore, #tpu.memory_space<semaphore_mem>>) src(%arg20 : memref<40x128xf32, #tpu.memory_space<vmem>>) dst(%dma_wait3A_156 : memref<10000x128xf32, #tpu.memory_space<vmem_shared>>)
    %dma_wait3A_157 = arith.constant 0 : i32
    %dma_wait3A_158 = arith.constant 0 : i32
    %dma_wait3A_159 = tpu.memref_slice %arg25[%dma_wait3A_157, %dma_wait3A_158] : memref<10000x128xf32, #tpu.memory_space<vmem_shared>> -> memref<10000x128xf32, #tpu.memory_space<vmem_shared>>
    tpu.wait_indirect_dma semaphore(%arg40 : memref<!tpu.dma_semaphore, #tpu.memory_space<semaphore_mem>>) src(%arg21 : memref<40x128xf32, #tpu.memory_space<vmem>>) dst(%dma_wait3A_159 : memref<10000x128xf32, #tpu.memory_space<vmem_shared>>)
    %dma_wait3A_160 = arith.constant 0 : i32
    %dma_wait3A_161 = arith.constant 0 : i32
    %dma_wait3A_162 = tpu.memref_slice %arg25[%dma_wait3A_160, %dma_wait3A_161] : memref<10000x128xf32, #tpu.memory_space<vmem_shared>> -> memref<10000x128xf32, #tpu.memory_space<vmem_shared>>
    tpu.wait_indirect_dma semaphore(%arg41 : memref<!tpu.dma_semaphore, #tpu.memory_space<semaphore_mem>>) src(%arg22 : memref<40x128xf32, #tpu.memory_space<vmem>>) dst(%dma_wait3A_162 : memref<10000x128xf32, #tpu.memory_space<vmem_shared>>)
    %dma_wait3A_163 = arith.constant 0 : i32
    %dma_wait3A_164 = arith.constant 0 : i32
    %dma_wait3A_165 = tpu.memref_slice %arg25[%dma_wait3A_163, %dma_wait3A_164] : memref<10000x128xf32, #tpu.memory_space<vmem_shared>> -> memref<10000x128xf32, #tpu.memory_space<vmem_shared>>
    tpu.wait_indirect_dma semaphore(%arg42 : memref<!tpu.dma_semaphore, #tpu.memory_space<semaphore_mem>>) src(%arg23 : memref<40x128xf32, #tpu.memory_space<vmem>>) dst(%dma_wait3A_165 : memref<10000x128xf32, #tpu.memory_space<vmem_shared>>)
    %dma_wait3A_166 = arith.constant 0 : i32
    %dma_wait3A_167 = arith.constant 0 : i32
    %dma_wait3A_168 = tpu.memref_slice %arg25[%dma_wait3A_166, %dma_wait3A_167] : memref<10000x128xf32, #tpu.memory_space<vmem_shared>> -> memref<10000x128xf32, #tpu.memory_space<vmem_shared>>
    tpu.wait_indirect_dma semaphore(%arg43 : memref<!tpu.dma_semaphore, #tpu.memory_space<semaphore_mem>>) src(%arg24 : memref<40x128xf32, #tpu.memory_space<vmem>>) dst(%dma_wait3A_168 : memref<10000x128xf32, #tpu.memory_space<vmem_shared>>)
    %barrier3A_169 = arith.constant 0 : index
    tpu.barrier barrier_id(%barrier3A_169)
    %mul3A_170 = arith.constant 10000 : i32
    %mul3A_171 = arith.muli %arg0, %mul3A_170 : i32
    %add3A_172 = arith.addi %mul3A_171, %mul3A_2 : i32
    "tpu.region"() ({
      %run_scoped3A = tpu.sem_alloc : memref<!tpu.dma_semaphore, #tpu.memory_space<semaphore_mem>>
      %dma_start3A_178 = arith.constant 0 : i32
      %dma_start3A_179 = tpu.memref_slice %arg6[%add3A_172, %dma_start3A_178] : memref<20000x128xf32, #tpu.memory_space<hbm>> -> memref<624x128xf32, #tpu.memory_space<hbm>>
      %dma_start3A_180 = arith.constant 0 : i32
      %dma_start3A_181 = tpu.memref_slice %arg25[%mul3A_2, %dma_start3A_180] : memref<10000x128xf32, #tpu.memory_space<vmem_shared>> -> memref<624x128xf32, #tpu.memory_space<vmem_shared>>
      tpu.enqueue_dma source(%dma_start3A_181 : memref<624x128xf32, #tpu.memory_space<vmem_shared>>) target(%dma_start3A_179 : memref<624x128xf32, #tpu.memory_space<hbm>>) target_semaphore(%run_scoped3A : memref<!tpu.dma_semaphore, #tpu.memory_space<semaphore_mem>>)
      %dma_wait3A_182 = arith.constant 0 : i32
      %dma_wait3A_183 = tpu.memref_slice %arg6[%add3A_172, %dma_wait3A_182] : memref<20000x128xf32, #tpu.memory_space<hbm>> -> memref<624x128xf32, #tpu.memory_space<hbm>>
      %dma_wait3A_184 = arith.constant 0 : i32
      %dma_wait3A_185 = tpu.memref_slice %arg25[%mul3A_2, %dma_wait3A_184] : memref<10000x128xf32, #tpu.memory_space<vmem_shared>> -> memref<624x128xf32, #tpu.memory_space<vmem_shared>>
      tpu.wait_dma2 semaphore(%run_scoped3A : memref<!tpu.dma_semaphore, #tpu.memory_space<semaphore_mem>>) src(%dma_wait3A_185 : memref<624x128xf32, #tpu.memory_space<vmem_shared>>) dst(%dma_wait3A_183 : memref<624x128xf32, #tpu.memory_space<hbm>>)
      tpu.yield
    }) : () -> ()
    %eq3A_173 = arith.constant 15 : i32
    %eq3A_174 = arith.cmpi eq, %arg1, %eq3A_173 : i32
    %convert_element_type3A_175 = arith.extui %eq3A_174 : i1 to i32
    %cond3A_176 = arith.constant 0 : i32
    %cond3A_177 = arith.cmpi ne, %convert_element_type3A_175, %cond3A_176 : i32
    scf.if %cond3A_177 {
      %mul3A_178 = arith.constant 10000 : i32
      %mul3A_179 = arith.muli %arg0, %mul3A_178 : i32
      %add3A_180 = arith.constant 10000 : i32
      %add3A_181 = arith.addi %mul3A_179, %add3A_180 : i32
      %sub3A = arith.constant 16 : i32
      %sub3A_182 = arith.subi %add3A_181, %sub3A : i32
      "tpu.region"() ({
        %run_scoped3A = tpu.sem_alloc : memref<!tpu.dma_semaphore, #tpu.memory_space<semaphore_mem>>
        %dma_start3A_183 = arith.constant 0 : i32
        %dma_start3A_184 = tpu.memref_slice %arg6[%sub3A_182, %dma_start3A_183] : memref<20000x128xf32, #tpu.memory_space<hbm>> -> memref<16x128xf32, #tpu.memory_space<hbm>>
        %dma_start3A_185 = arith.constant 9984 : i32
        %dma_start3A_186 = arith.constant 0 : i32
        %dma_start3A_187 = tpu.memref_slice %arg25[%dma_start3A_185, %dma_start3A_186] : memref<10000x128xf32, #tpu.memory_space<vmem_shared>> -> memref<16x128xf32, #tpu.memory_space<vmem_shared>>
        tpu.enqueue_dma source(%dma_start3A_187 : memref<16x128xf32, #tpu.memory_space<vmem_shared>>) target(%dma_start3A_184 : memref<16x128xf32, #tpu.memory_space<hbm>>) target_semaphore(%run_scoped3A : memref<!tpu.dma_semaphore, #tpu.memory_space<semaphore_mem>>)
        %dma_wait3A_188 = arith.constant 0 : i32
        %dma_wait3A_189 = tpu.memref_slice %arg6[%sub3A_182, %dma_wait3A_188] : memref<20000x128xf32, #tpu.memory_space<hbm>> -> memref<16x128xf32, #tpu.memory_space<hbm>>
        %dma_wait3A_190 = arith.constant 9984 : i32
        %dma_wait3A_191 = arith.constant 0 : i32
        %dma_wait3A_192 = tpu.memref_slice %arg25[%dma_wait3A_190, %dma_wait3A_191] : memref<10000x128xf32, #tpu.memory_space<vmem_shared>> -> memref<16x128xf32, #tpu.memory_space<vmem_shared>>
        tpu.wait_dma2 semaphore(%run_scoped3A : memref<!tpu.dma_semaphore, #tpu.memory_space<semaphore_mem>>) src(%dma_wait3A_192 : memref<16x128xf32, #tpu.memory_space<vmem_shared>>) dst(%dma_wait3A_189 : memref<16x128xf32, #tpu.memory_space<hbm>>)
        tpu.yield
      }) : () -> ()
    } else {
    }
    return
  }
}

module attributes {stable_mosaic.version = 14 : i64} {
  func.func @_prep_body(%arg0: i32, %arg1: memref<1000x128xf32, #tpu.memory_space<vmem>>, %arg2: memref<128x128xf32, #tpu.memory_space<vmem>>, %arg3: memref<1000x1xf32, #tpu.memory_space<vmem>>, %arg4: memref<1000x128xf32, #tpu.memory_space<vmem>>, %arg5: memref<1000x128xf32, #tpu.memory_space<vmem>>, %arg6: memref<1000x1xf32, #tpu.memory_space<vmem>>, %arg7: memref<1000x1xf32, #tpu.memory_space<vmem>>) attributes {dimension_semantics = [#tpu.dimension_semantics<arbitrary>], iteration_bounds = array<i64: 10>, scalar_prefetch = 0 : i64, scratch_operands = 0 : i64, tpu.core_type = #tpu.core_type<tc>, window_params = [{transform_indices = @transform_0, window_bounds = array<i64: 1000, 128>}, {pipeline_mode = #tpu.pipeline_mode<synchronous>, transform_indices = @transform_1, window_bounds = array<i64: 128, 128>}, {transform_indices = @transform_2, window_bounds = array<i64: 1000, 1>}, {transform_indices = @transform_3, window_bounds = array<i64: 1000, 128>}, {transform_indices = @transform_4, window_bounds = array<i64: 1000, 128>}, {transform_indices = @transform_5, window_bounds = array<i64: 1000, 1>}, {transform_indices = @transform_6, window_bounds = array<i64: 1000, 1>}]} {
    %get3A = arith.constant 0 : index
    %get3A_0 = arith.constant 0 : index
    %get3A_1 = vector.load %arg3[%get3A, %get3A_0] : memref<1000x1xf32, #tpu.memory_space<vmem>>, vector<1000x1xf32>
    %rsqrt3A = math.rsqrt %get3A_1 : vector<1000x1xf32>
    %div3A = arith.constant 1.000000e+00 : f32
    %div3A_2 = vector.broadcast %div3A : f32 to vector<1000x1xf32>
    %div3A_3 = arith.divf %div3A_2, %get3A_1 : vector<1000x1xf32>
    %get3A_4 = arith.constant 0 : index
    %get3A_5 = arith.constant 0 : index
    %get3A_6 = vector.load %arg1[%get3A_4, %get3A_5] : memref<1000x128xf32, #tpu.memory_space<vmem>>, vector<1000x128xf32>
    %get3A_7 = arith.constant 0 : index
    %get3A_8 = arith.constant 0 : index
    %get3A_9 = vector.load %arg2[%get3A_7, %get3A_8] : memref<128x128xf32, #tpu.memory_space<vmem>>, vector<128x128xf32>
    %dot_general3A = arith.constant dense<0.000000e+00> : vector<1000x128xf32>
    %dot_general3A_10 = tpu.matmul %get3A_6, %get3A_9, %dot_general3A {dimension_numbers = #tpu.dot_dimension_numbers<[1], [0], [0], [1], [0, 0, 1, 1], [], []>, precision = #tpu.contract_precision<fp32>, transpose_lhs_hint = false} : vector<1000x128xf32>, vector<128x128xf32>, vector<1000x128xf32> -> vector<1000x128xf32>
    %mul3A = vector.broadcast %rsqrt3A : vector<1000x1xf32> to vector<1000x128xf32>
    %mul3A_11 = arith.mulf %dot_general3A_10, %mul3A : vector<1000x128xf32>
    %swap3A = arith.constant 0 : index
    %swap3A_12 = arith.constant 0 : index
    %swap3A_13 = vector.load %arg4[%swap3A, %swap3A_12] : memref<1000x128xf32, #tpu.memory_space<vmem>>, vector<1000x128xf32>
    tpu.vector_store %arg4[%swap3A, %swap3A_12], %mul3A_11 {strides = array<i32>} : memref<1000x128xf32, #tpu.memory_space<vmem>>, vector<1000x128xf32>,
    %mul3A_14 = vector.broadcast %div3A_3 : vector<1000x1xf32> to vector<1000x128xf32>
    %mul3A_15 = arith.mulf %dot_general3A_10, %mul3A_14 : vector<1000x128xf32>
    %swap3A_16 = arith.constant 0 : index
    %swap3A_17 = arith.constant 0 : index
    %swap3A_18 = vector.load %arg5[%swap3A_16, %swap3A_17] : memref<1000x128xf32, #tpu.memory_space<vmem>>, vector<1000x128xf32>
    tpu.vector_store %arg5[%swap3A_16, %swap3A_17], %mul3A_15 {strides = array<i32>} : memref<1000x128xf32, #tpu.memory_space<vmem>>, vector<1000x128xf32>,
    %swap3A_19 = arith.constant 0 : index
    %swap3A_20 = arith.constant 0 : index
    %swap3A_21 = vector.load %arg6[%swap3A_19, %swap3A_20] : memref<1000x1xf32, #tpu.memory_space<vmem>>, vector<1000x1xf32>
    tpu.vector_store %arg6[%swap3A_19, %swap3A_20], %rsqrt3A {strides = array<i32>} : memref<1000x1xf32, #tpu.memory_space<vmem>>, vector<1000x1xf32>,
    %swap3A_22 = arith.constant 0 : index
    %swap3A_23 = arith.constant 0 : index
    %swap3A_24 = vector.load %arg7[%swap3A_22, %swap3A_23] : memref<1000x1xf32, #tpu.memory_space<vmem>>, vector<1000x1xf32>
    tpu.vector_store %arg7[%swap3A_22, %swap3A_23], %div3A_3 {strides = array<i32>} : memref<1000x1xf32, #tpu.memory_space<vmem>>, vector<1000x1xf32>,
    return
  }
  func.func @transform_0(%arg0: i32) -> (i32, i32) {
    %c0_i32 = arith.constant 0 : i32
    %c0_i32_0 = arith.constant 0 : i32
    return %arg0, %c0_i32 : i32, i32
  }
  func.func @transform_1(%arg0: i32) -> (i32, i32) {
    %c0_i32 = arith.constant 0 : i32
    %c0_i32_0 = arith.constant 0 : i32
    %c0_i32_1 = arith.constant 0 : i32
    return %c0_i32, %c0_i32_0 : i32, i32
  }
  func.func @transform_2(%arg0: i32) -> (i32, i32) {
    %c0_i32 = arith.constant 0 : i32
    %c0_i32_0 = arith.constant 0 : i32
    return %arg0, %c0_i32 : i32, i32
  }
  func.func @transform_3(%arg0: i32) -> (i32, i32) {
    %c0_i32 = arith.constant 0 : i32
    %c0_i32_0 = arith.constant 0 : i32
    return %arg0, %c0_i32 : i32, i32
  }
  func.func @transform_4(%arg0: i32) -> (i32, i32) {
    %c0_i32 = arith.constant 0 : i32
    %c0_i32_0 = arith.constant 0 : i32
    return %arg0, %c0_i32 : i32, i32
  }
  func.func @transform_5(%arg0: i32) -> (i32, i32) {
    %c0_i32 = arith.constant 0 : i32
    %c0_i32_0 = arith.constant 0 : i32
    return %arg0, %c0_i32 : i32, i32
  }
  func.func @transform_6(%arg0: i32) -> (i32, i32) {
    %c0_i32 = arith.constant 0 : i32
    %c0_i32_0 = arith.constant 0 : i32
    return %arg0, %c0_i32 : i32, i32
  }
}

module attributes {stable_mosaic.version = 14 : i64} {
  func.func @_mid_body(%arg0: i32, %arg1: memref<1000x128xf32, #tpu.memory_space<vmem>>, %arg2: memref<1000x128xf32, #tpu.memory_space<vmem>>, %arg3: memref<1000x128xf32, #tpu.memory_space<vmem>>, %arg4: memref<1x128xf32, #tpu.memory_space<vmem>>, %arg5: memref<128x128xf32, #tpu.memory_space<vmem>>, %arg6: memref<1000x1xf32, #tpu.memory_space<vmem>>, %arg7: memref<1000x1xf32, #tpu.memory_space<vmem>>, %arg8: memref<1000x128xf32, #tpu.memory_space<vmem>>, %arg9: memref<1000x128xf32, #tpu.memory_space<vmem>>) attributes {dimension_semantics = [#tpu.dimension_semantics<arbitrary>], iteration_bounds = array<i64: 10>, scalar_prefetch = 0 : i64, scratch_operands = 0 : i64, tpu.core_type = #tpu.core_type<tc>, window_params = [{transform_indices = @transform_0, window_bounds = array<i64: 1000, 128>}, {transform_indices = @transform_1, window_bounds = array<i64: 1000, 128>}, {transform_indices = @transform_2, window_bounds = array<i64: 1000, 128>}, {pipeline_mode = #tpu.pipeline_mode<synchronous>, transform_indices = @transform_3, window_bounds = array<i64: 1, 128>}, {pipeline_mode = #tpu.pipeline_mode<synchronous>, transform_indices = @transform_4, window_bounds = array<i64: 128, 128>}, {transform_indices = @transform_5, window_bounds = array<i64: 1000, 1>}, {transform_indices = @transform_6, window_bounds = array<i64: 1000, 1>}, {transform_indices = @transform_7, window_bounds = array<i64: 1000, 128>}, {transform_indices = @transform_8, window_bounds = array<i64: 1000, 128>}]} {
    %get3A = arith.constant 0 : index
    %get3A_0 = arith.constant 0 : index
    %get3A_1 = vector.load %arg6[%get3A, %get3A_0] : memref<1000x1xf32, #tpu.memory_space<vmem>>, vector<1000x1xf32>
    %get3A_2 = arith.constant 0 : index
    %get3A_3 = arith.constant 0 : index
    %get3A_4 = vector.load %arg7[%get3A_2, %get3A_3] : memref<1000x1xf32, #tpu.memory_space<vmem>>, vector<1000x1xf32>
    %get3A_5 = arith.constant 0 : index
    %get3A_6 = arith.constant 0 : index
    %get3A_7 = vector.load %arg1[%get3A_5, %get3A_6] : memref<1000x128xf32, #tpu.memory_space<vmem>>, vector<1000x128xf32>
    %get3A_8 = arith.constant 0 : index
    %get3A_9 = arith.constant 0 : index
    %get3A_10 = vector.load %arg2[%get3A_8, %get3A_9] : memref<1000x128xf32, #tpu.memory_space<vmem>>, vector<1000x128xf32>
    %add3A = arith.addf %get3A_7, %get3A_10 : vector<1000x128xf32>
    %mul3A = vector.broadcast %get3A_1 : vector<1000x1xf32> to vector<1000x128xf32>
    %mul3A_11 = arith.mulf %mul3A, %add3A : vector<1000x128xf32>
    %get3A_12 = arith.constant 0 : index
    %get3A_13 = arith.constant 0 : index
    %get3A_14 = vector.load %arg3[%get3A_12, %get3A_13] : memref<1000x128xf32, #tpu.memory_space<vmem>>, vector<1000x128xf32>
    %add3A_15 = arith.addf %mul3A_11, %get3A_14 : vector<1000x128xf32>
    %get3A_16 = arith.constant 0 : index
    %get3A_17 = arith.constant 0 : index
    %get3A_18 = vector.load %arg4[%get3A_16, %get3A_17] : memref<1x128xf32, #tpu.memory_space<vmem>>, vector<1x128xf32>
    %add3A_19 = vector.broadcast %get3A_18 : vector<1x128xf32> to vector<1000x128xf32>
    %add3A_20 = arith.addf %add3A_15, %add3A_19 : vector<1000x128xf32>
    %max3A = arith.constant 0.000000e+00 : f32
    %max3A_21 = vector.broadcast %max3A : f32 to vector<1000x128xf32>
    %max3A_22 = arith.maximumf %add3A_20, %max3A_21 : vector<1000x128xf32>
    %get3A_23 = arith.constant 0 : index
    %get3A_24 = arith.constant 0 : index
    %get3A_25 = vector.load %arg5[%get3A_23, %get3A_24] : memref<128x128xf32, #tpu.memory_space<vmem>>, vector<128x128xf32>
    %dot_general3A = arith.constant dense<0.000000e+00> : vector<1000x128xf32>
    %dot_general3A_26 = tpu.matmul %max3A_22, %get3A_25, %dot_general3A {dimension_numbers = #tpu.dot_dimension_numbers<[1], [0], [0], [1], [0, 0, 1, 1], [], []>, precision = #tpu.contract_precision<fp32>, transpose_lhs_hint = false} : vector<1000x128xf32>, vector<128x128xf32>, vector<1000x128xf32> -> vector<1000x128xf32>
    %mul3A_27 = vector.broadcast %get3A_1 : vector<1000x1xf32> to vector<1000x128xf32>
    %mul3A_28 = arith.mulf %dot_general3A_26, %mul3A_27 : vector<1000x128xf32>
    %swap3A = arith.constant 0 : index
    %swap3A_29 = arith.constant 0 : index
    %swap3A_30 = vector.load %arg8[%swap3A, %swap3A_29] : memref<1000x128xf32, #tpu.memory_space<vmem>>, vector<1000x128xf32>
    tpu.vector_store %arg8[%swap3A, %swap3A_29], %mul3A_28 {strides = array<i32>} : memref<1000x128xf32, #tpu.memory_space<vmem>>, vector<1000x128xf32>,
    %mul3A_31 = vector.broadcast %get3A_4 : vector<1000x1xf32> to vector<1000x128xf32>
    %mul3A_32 = arith.mulf %dot_general3A_26, %mul3A_31 : vector<1000x128xf32>
    %swap3A_33 = arith.constant 0 : index
    %swap3A_34 = arith.constant 0 : index
    %swap3A_35 = vector.load %arg9[%swap3A_33, %swap3A_34] : memref<1000x128xf32, #tpu.memory_space<vmem>>, vector<1000x128xf32>
    tpu.vector_store %arg9[%swap3A_33, %swap3A_34], %mul3A_32 {strides = array<i32>} : memref<1000x128xf32, #tpu.memory_space<vmem>>, vector<1000x128xf32>,
    return
  }
  func.func @transform_0(%arg0: i32) -> (i32, i32) {
    %c0_i32 = arith.constant 0 : i32
    %c0_i32_0 = arith.constant 0 : i32
    return %arg0, %c0_i32 : i32, i32
  }
  func.func @transform_1(%arg0: i32) -> (i32, i32) {
    %c0_i32 = arith.constant 0 : i32
    %c0_i32_0 = arith.constant 0 : i32
    return %arg0, %c0_i32 : i32, i32
  }
  func.func @transform_2(%arg0: i32) -> (i32, i32) {
    %c0_i32 = arith.constant 0 : i32
    %c0_i32_0 = arith.constant 0 : i32
    return %arg0, %c0_i32 : i32, i32
  }
  func.func @transform_3(%arg0: i32) -> (i32, i32) {
    %c0_i32 = arith.constant 0 : i32
    %c0_i32_0 = arith.constant 0 : i32
    %c0_i32_1 = arith.constant 0 : i32
    return %c0_i32, %c0_i32_0 : i32, i32
  }
  func.func @transform_4(%arg0: i32) -> (i32, i32) {
    %c0_i32 = arith.constant 0 : i32
    %c0_i32_0 = arith.constant 0 : i32
    %c0_i32_1 = arith.constant 0 : i32
    return %c0_i32, %c0_i32_0 : i32, i32
  }
  func.func @transform_5(%arg0: i32) -> (i32, i32) {
    %c0_i32 = arith.constant 0 : i32
    %c0_i32_0 = arith.constant 0 : i32
    return %arg0, %c0_i32 : i32, i32
  }
  func.func @transform_6(%arg0: i32) -> (i32, i32) {
    %c0_i32 = arith.constant 0 : i32
    %c0_i32_0 = arith.constant 0 : i32
    return %arg0, %c0_i32 : i32, i32
  }
  func.func @transform_7(%arg0: i32) -> (i32, i32) {
    %c0_i32 = arith.constant 0 : i32
    %c0_i32_0 = arith.constant 0 : i32
    return %arg0, %c0_i32 : i32, i32
  }
  func.func @transform_8(%arg0: i32) -> (i32, i32) {
    %c0_i32 = arith.constant 0 : i32
    %c0_i32_0 = arith.constant 0 : i32
    return %arg0, %c0_i32 : i32, i32
  }
}

module attributes {stable_mosaic.version = 14 : i64} {
  func.func @_final_body(%arg0: i32, %arg1: memref<1000x128xf32, #tpu.memory_space<vmem>>, %arg2: memref<1000x128xf32, #tpu.memory_space<vmem>>, %arg3: memref<1000x128xf32, #tpu.memory_space<vmem>>, %arg4: memref<1x128xf32, #tpu.memory_space<vmem>>, %arg5: memref<1000x1xf32, #tpu.memory_space<vmem>>, %arg6: memref<1000x128xf32, #tpu.memory_space<vmem>>) attributes {dimension_semantics = [#tpu.dimension_semantics<arbitrary>], iteration_bounds = array<i64: 10>, scalar_prefetch = 0 : i64, scratch_operands = 0 : i64, tpu.core_type = #tpu.core_type<tc>, window_params = [{transform_indices = @transform_0, window_bounds = array<i64: 1000, 128>}, {transform_indices = @transform_1, window_bounds = array<i64: 1000, 128>}, {transform_indices = @transform_2, window_bounds = array<i64: 1000, 128>}, {pipeline_mode = #tpu.pipeline_mode<synchronous>, transform_indices = @transform_3, window_bounds = array<i64: 1, 128>}, {transform_indices = @transform_4, window_bounds = array<i64: 1000, 1>}, {transform_indices = @transform_5, window_bounds = array<i64: 1000, 128>}]} {
    %get3A = arith.constant 0 : index
    %get3A_0 = arith.constant 0 : index
    %get3A_1 = vector.load %arg5[%get3A, %get3A_0] : memref<1000x1xf32, #tpu.memory_space<vmem>>, vector<1000x1xf32>
    %get3A_2 = arith.constant 0 : index
    %get3A_3 = arith.constant 0 : index
    %get3A_4 = vector.load %arg1[%get3A_2, %get3A_3] : memref<1000x128xf32, #tpu.memory_space<vmem>>, vector<1000x128xf32>
    %get3A_5 = arith.constant 0 : index
    %get3A_6 = arith.constant 0 : index
    %get3A_7 = vector.load %arg2[%get3A_5, %get3A_6] : memref<1000x128xf32, #tpu.memory_space<vmem>>, vector<1000x128xf32>
    %add3A = arith.addf %get3A_4, %get3A_7 : vector<1000x128xf32>
    %mul3A = vector.broadcast %get3A_1 : vector<1000x1xf32> to vector<1000x128xf32>
    %mul3A_8 = arith.mulf %mul3A, %add3A : vector<1000x128xf32>
    %get3A_9 = arith.constant 0 : index
    %get3A_10 = arith.constant 0 : index
    %get3A_11 = vector.load %arg3[%get3A_9, %get3A_10] : memref<1000x128xf32, #tpu.memory_space<vmem>>, vector<1000x128xf32>
    %add3A_12 = arith.addf %mul3A_8, %get3A_11 : vector<1000x128xf32>
    %get3A_13 = arith.constant 0 : index
    %get3A_14 = arith.constant 0 : index
    %get3A_15 = vector.load %arg4[%get3A_13, %get3A_14] : memref<1x128xf32, #tpu.memory_space<vmem>>, vector<1x128xf32>
    %add3A_16 = vector.broadcast %get3A_15 : vector<1x128xf32> to vector<1000x128xf32>
    %add3A_17 = arith.addf %add3A_12, %add3A_16 : vector<1000x128xf32>
    %swap3A = arith.constant 0 : index
    %swap3A_18 = arith.constant 0 : index
    %swap3A_19 = vector.load %arg6[%swap3A, %swap3A_18] : memref<1000x128xf32, #tpu.memory_space<vmem>>, vector<1000x128xf32>
    tpu.vector_store %arg6[%swap3A, %swap3A_18], %add3A_17 {strides = array<i32>} : memref<1000x128xf32, #tpu.memory_space<vmem>>, vector<1000x128xf32>,
    return
  }
  func.func @transform_0(%arg0: i32) -> (i32, i32) {
    %c0_i32 = arith.constant 0 : i32
    %c0_i32_0 = arith.constant 0 : i32
    return %arg0, %c0_i32 : i32, i32
  }
  func.func @transform_1(%arg0: i32) -> (i32, i32) {
    %c0_i32 = arith.constant 0 : i32
    %c0_i32_0 = arith.constant 0 : i32
    return %arg0, %c0_i32 : i32, i32
  }
  func.func @transform_2(%arg0: i32) -> (i32, i32) {
    %c0_i32 = arith.constant 0 : i32
    %c0_i32_0 = arith.constant 0 : i32
    return %arg0, %c0_i32 : i32, i32
  }
  func.func @transform_3(%arg0: i32) -> (i32, i32) {
    %c0_i32 = arith.constant 0 : i32
    %c0_i32_0 = arith.constant 0 : i32
    %c0_i32_1 = arith.constant 0 : i32
    return %c0_i32, %c0_i32_0 : i32, i32
  }
  func.func @transform_4(%arg0: i32) -> (i32, i32) {
    %c0_i32 = arith.constant 0 : i32
    %c0_i32_0 = arith.constant 0 : i32
    return %arg0, %c0_i32 : i32, i32
  }
  func.func @transform_5(%arg0: i32) -> (i32, i32) {
    %c0_i32 = arith.constant 0 : i32
    %c0_i32_0 = arith.constant 0 : i32
    return %arg0, %c0_i32 : i32, i32
  }
}

</mosaic_0001>

<sc_bundles>
// kernel: kernel.11.cloned.1.call-start
scs
__scs_entry_jumppad:
0x0: {  	(pc) =	sbr.rel $0x88, $3  }
0x1: {  	(tag) =	ssettag $0x0;
	lr =	simm.s32 $0x1  }
0x2: {  	[smem:$0x3F9B] =	sst lr;
	_ =	strace $0xD0000000  }
0x3: {  	_ = 	snop  }
0x4: {  	_ = 	snop  }
0x5: {  	_ = 	snop  }
0x6: {  	_ = 	snop  }
0x7: {  	_ = 	snop  }
__scs_overlays_trampoline_lowered:
0x8: {  	[smem:$0x3FAA] =	sst s0  }
0x9: {  	[smem:$0x3FAB] =	sst s1  }
0xa: {  	[smem:$0x3FAC] =	sst s2  }
0xb: {  	[smem:$0x3FAD] =	sst s3  }
0xc: {  	[smem:$0x3FAE] =	sst s4  }
0xd: {  	[smem:$0x3FAF] =	sst s5  }
0xe: {  	[smem:$0x3FB0] =	sst s6  }
0xf: {  	[smem:$0x3FB1] =	sst s7  }
0x10: {  	[smem:$0x3FB2] =	sst s8  }
0x11: {  	[smem:$0x3FB3] =	sst s9;
	s0 =	simm.s32 @!p0 $0x0  }
0x12: {  	s1 =	sld [smem:$0x3F99];
	s0 =	simm.s32 @p0 $0x1  }
0x13: {  	[smem:$0x3FB4] =	sst s0;
	s0 =	simm.s32 @!p1 $0x0  }
0x14: {  	s2 =	sld [smem:$0x3F98];
	s0 =	simm.s32 @p1 $0x1  }
0x15: {  	[smem:$0x3FB5] =	sst s0;
	s0 =	simm.s32 @!p2 $0x0  }
0x16: {  	s3 =	sld [smem:$0x3FDB];
	s0 =	simm.s32 @p2 $0x1  }
0x17: {  	s4 =	simm.s32 $0x1BF5;
	[smem:$0x3FB7] =	sst s0  }
0x18: {  	s0 =	sld [smem:$0x3F9A];
	_ =	swait.ge [sflag:s4], $0x0  }
0x19: {  	s7 =	sld [smem:$0x3F9B]  }
0x1a: {  	s8 =	sadd.s32 $0xFFFFE003, lr  }
0x1b: {  	s9 =	sadd.s32 $0xFFFFFEF7, lr;
	s5 =	simm.s32 $0xFFFFFFFF;
	p2 =	slt.u32 s8, $0xFFFFF086  }
0x1c: {  	p1 =	slt.u32 s9, $0xF7A;
	s5 =	simm.s32 @!p2 $0x0  }
0x1d: {  	s5 =	simm.s32 @p1 $0x1;
	p0 =	seq.s32 s7, s2  }
0x1e: {  	s7 =	smul.u32 @!p0 $0xF7A, s2;
	p2 =	seq.s32 @!p0 s5, $0x0  }
0x1f: {  	s9 =	smul.u32 $0xF7A, s1;
	s8 =	simm.s32 @!p0 $0x1BF5;
	p2 =	por !p2, p0  }
0x20: {  	[sflag:s8] =	ssyncset.s32 @!p0 $0xFFFFF086;
	s6 =	sadd.s32 @!p0 s3, s7;
	s7 =	simm.s32 @!p0 $0x108  }
0x21: {  	s3 =	sadd.s32 s3, s9;
	s6 =	sadd.s32 @!p0 $0x88, s6;
	s7 =	simm.s32 @p2 $0x1082  }
0x22: {  	[simem:s7], [sflag:s8] =	dma.local @!p0 [hbm:s6], $0xF7A  }
0x23: {  	s9 =	sor.u32 $0xD0000000, s2;
	s6 =	simm.s32 $0x108;
	_ =	swait.ge @!p0 [sflag:s8], $0x0  }
0x24: {  	s3 =	sadd.s32 $0x88, s3;
	s6 =	simm.s32 @!p1 $0x1082;
	[sflag:s4] =	ssyncset.s32 $0xFFFFF086  }
0x25: {  	[simem:s6], [sflag:s4] =	dma.local [hbm:s3], $0xF7A  }
0x26: {  	[smem:$0x3F9B] =	sst s1;
	(tag) =	ssettag s2;
	_ =	strace s9  }
0x27: {  	s1 =	sld [smem:$0x3FAB]  }
0x28: {  	s2 =	sld [smem:$0x3FAC]  }
0x29: {  	s4 =	sld [smem:$0x3FAE]  }
0x2a: {  	p0 =	seq.s32 s5, $0x0;
	s5 =	sld [smem:$0x3FAF]  }
0x2b: {  	s6 =	sld [smem:$0x3FB0]  }
0x2c: {  	s7 =	sld [smem:$0x3FB1]  }
0x2d: {  	s3 =	simm.s32 $0x108;
	s8 =	sld [smem:$0x3FB2]  }
0x2e: {  	s3 =	simm.s32 @!p0 $0x1082;
	s9 =	sld [smem:$0x3FB3]  }
0x2f: {  	lr =	sadd.s32 s0, s3;
	s0 =	sld [smem:$0x3FAA]  }
0x30: {  	s3 =	sld [smem:$0x3FAD]  }
0x31: {  	[smem:$0x3FB6] =	sst s10  }
0x32: {  	s10 =	sld [smem:$0x3FB4];
	_ =	sdelay $0x3  }
0x33: {  	p0 =	seq.s32 s10, $0x1;
	s10 =	sld [smem:$0x3FB6];
	_ =	sdelay $0x3  }
0x34: {  	[smem:$0x3FB6] =	sst s10  }
0x35: {  	s10 =	sld [smem:$0x3FB5];
	_ =	sdelay $0x3  }
0x36: {  	p1 =	seq.s32 s10, $0x1;
	s10 =	sld [smem:$0x3FB6];
	_ =	sdelay $0x3  }
0x37: {  	[smem:$0x3FB6] =	sst s10  }
0x38: {  	s10 =	sld [smem:$0x3FB7]  }
0x39: {  	_ = 	snop;
	(pc) =	sbr.ind lr, $3  }
0x3a: {  	_ = 	snop  }
0x3b: {  	_ = 	snop  }
0x3c: {  	p2 =	seq.s32 s10, $0x1;
	s10 =	sld [smem:$0x3FB6]  }
0x3d: {  	_ =	shalt  }
0x3e: {  	_ =	shalt  }
0x3f: {  	_ =	shalt  }
0x40: {  	_ =	shalt  }
0x41: {  	_ =	shalt  }
0x42: {  	_ =	shalt  }
0x43: {  	_ =	shalt  }
0x44: {  	_ =	shalt  }
0x45: {  	_ =	shalt  }
0x46: {  	_ =	shalt  }
0x47: {  	_ =	shalt  }
0x48: {  	_ =	shalt  }
0x49: {  	_ =	shalt  }
0x4a: {  	_ =	shalt  }
0x4b: {  	_ =	shalt  }
0x4c: {  	_ =	shalt  }
0x4d: {  	_ =	shalt  }
0x4e: {  	_ =	shalt  }
0x4f: {  	_ =	shalt  }
0x50: {  	_ =	shalt  }
0x51: {  	_ =	shalt  }
0x52: {  	_ =	shalt  }
0x53: {  	_ =	shalt  }
0x54: {  	_ =	shalt  }
0x55: {  	_ =	shalt  }
0x56: {  	_ =	shalt  }
0x57: {  	_ =	shalt  }
0x58: {  	_ =	shalt  }
0x59: {  	_ =	shalt  }
0x5a: {  	_ =	shalt  }
0x5b: {  	_ =	shalt  }
0x5c: {  	_ =	shalt  }
0x5d: {  	_ =	shalt  }
0x5e: {  	_ =	shalt  }
0x5f: {  	_ =	shalt  }
0x60: {  	_ =	shalt  }
0x61: {  	_ =	shalt  }
0x62: {  	_ =	shalt  }
0x63: {  	_ =	shalt  }
0x64: {  	_ =	shalt  }
0x65: {  	_ =	shalt  }
0x66: {  	_ =	shalt  }
0x67: {  	_ =	shalt  }
0x68: {  	_ =	shalt  }
0x69: {  	_ =	shalt  }
0x6a: {  	_ =	shalt  }
0x6b: {  	_ =	shalt  }
0x6c: {  	_ =	shalt  }
0x6d: {  	_ =	shalt  }
0x6e: {  	_ =	shalt  }
0x6f: {  	_ =	shalt  }
0x70: {  	_ =	shalt  }
0x71: {  	_ =	shalt  }
0x72: {  	_ =	shalt  }
0x73: {  	_ =	shalt  }
0x74: {  	_ =	shalt  }
0x75: {  	_ =	shalt  }
0x76: {  	_ =	shalt  }
0x77: {  	_ =	shalt  }
0x78: {  	_ =	shalt  }
0x79: {  	_ =	shalt  }
0x7a: {  	_ =	shalt  }
0x7b: {  	_ =	shalt  }
0x7c: {  	_ =	shalt  }
0x7d: {  	_ =	shalt  }
0x7e: {  	_ =	shalt  }
0x7f: {  	_ =	shalt  }
0x80: {  	_ =	shalt  }
0x81: {  	_ =	shalt  }
0x82: {  	_ =	shalt  }
0x83: {  	_ =	shalt  }
0x84: {  	_ =	shalt  }
0x85: {  	_ =	shalt  }
0x86: {  	_ =	shalt  }
0x87: {  	_ =	shalt  }
.Lfunc_end0:
.L_simem_size_0:
called_computation.1_lowered:
.L_overlay_start_0:
0x88: {  	s2 =	sld [smem:$0x3FD9]  }
0x89: {  	s3 =	sld [smem:$0x3FFE];
	_ =	sdelay $0x1  }
0x8a: {  	s1 =	srdreg.scid  }
0x8b: {  	s0 =	sand.u32 $0x1, s1  }
0x8c: {  	s17 =	sshll.u32 s0, $0xA;
	s2 =	sadd.s32 s3, s2  }
0x8d: {  	s2 =	sadd.s32 s2, s17  }
0x8e: {  	[smem:$0x3FC2] =	sst s2  }
0x8f: {  	_ = 	snop  }
0x90: {  	s2 =	sld [smem:$0x3FD0];
	(tm) =	ssettm $0x1  }
0x91: {  	s18 =	sld [smem:$0x3FFB];
	_ =	sdelay $0x3  }
0x92: {  	_ =	strace s18  }
0x93: {  	s3 =	sld [smem:$0x3FFC];
	_ =	sdelay $0x3  }
0x94: {  	_ =	strace s3  }
0x95: {  	s3 =	sld [smem:$0x3FFD];
	_ =	sdelay $0x3  }
0x96: {  	_ =	strace s3  }
0x97: {  	_ =	strace $0x8FFFFFFF  }
0x98: {  	s19 =	sld [smem:$0x3FDB];
	_ =	sdelay $0x1  }
0x99: {  	s4 =	simm.s32 $_scs_section_size  }
0x9a: {  	s5 =	simm.s32 $_size__tile_overlayer_lowered;
	s6 =	simm.s32 $_tile_overlayer_lowered  }
0x9b: {  	s22 =	simm.s32 $0x1BFF;
	s21 =	sshll.u32 s6, $0x1;
	s3 =	sadd.s32 s4, s19  }
0x9c: {  	s7 =	simm.s32 $0x0;
	s20 =	sshll.u32 s5, $0x1;
	s5 =	sadd.s32 s21, s3  }
0x9d: {  	[timem:s7], [sflag:s22] =	dma.local [hbm:s5], s20  }
0x9e: {  	_ =	swait.ge [sflag:s22], s20  }
0x9f: {  	s4 =	ssub.s32 $0x0, s20;
	[sflag:s22] =	ssyncset.done $0x0  }
0xa0: {  	[sflag:s22] =	ssyncadd.s32 s4;
	_ =	sdelay $0x1  }
0xa1: {  	s23 =	simm.s32 $0x1B8B  }
0xa2: {  	_ =	swait.ge [sflag:s23], $0x1  }
0xa3: {  	[sflag:s23] =	ssyncset.done $0x0  }
0xa4: {  	s25 =	simm.s32 $0x1B8E;
	s24 =	sld [smem:$0x3FFE];
	[sflag:s23] =	ssyncadd.s32 $0xFFFFFFFF  }
0xa5: {  	s26 =	simm.s32 $execute0_lowered;
	[smem:$0x3FD2] =	sst s25  }
0xa6: {  	s5 =	sshll.u32 s26, $0x1;
	_ =	strace $0x80000049;
	[dreg:$0x1] =	wrdreg $0xFFFFFFFF  }
0xa7: {  	s28 =	simm.s32 $_size_execute0_lowered;
	s3 =	sadd.s32 s3, s5;
	[dreg:$0x0] =	wrdreg $0x0  }
0xa8: {  	s5 =	sshll.u32 s28, $0x1;
	[dreg:$0x2] =	wrdreg s3  }
0xa9: {  	[dreg:$0x3] =	wrdreg s5  }
0xaa: {  	[dreg:$0x4] =	wrdreg $0xC0  }
0xab: {  	_ =	task [dreg:s7], $0x5FFFF  }
0xac: {  	[dreg:$0x1] =	wrdreg $0xFFFFFFFF  }
0xad: {  	[dreg:$0x0] =	wrdreg $0x60  }
0xae: {  	[dreg:$0x2] =	wrdreg s2  }
0xaf: {  	[dreg:$0x3] =	wrdreg s24  }
0xb0: {  	[dreg:$0x4] =	wrdreg $0x7E000  }
0xb1: {  	[dreg:$0x5] =	wrdreg $0x9  }
0xb2: {  	_ =	task.clear_ibuf [dreg:s7], $0x6FFFF;
	_ =	strace $0x90000049  }
0xb3: {  	s29 =	simm.s32 $0x9;
	_ =	strace $0x8000004B  }
0xb4: {  	_ =	swait.ge [sflag:s29], $0x1  }
0xb5: {  	[sflag:s29] =	ssyncadd.s32 $0xFFFFFFFF  }
0xb6: {  	_ =	strace $0x9000004B  }
0xb7: {  	_ =	sfence  }
0xb8: {  	s30 =	sld [smem:$0x0];
	_ =	sdelay $0x2  }
0xb9: {  	s31 =	sshll.u32 s1, $0xD;
	s1 =	sshrl.u32 s1, $0x2  }
0xba: {  	s3 =	sand.u32 $0x4000, s31;
	s1 =	sadd.s32 s1, s30  }
0xbb: {  	s0 =	sor.u32 s3, s0;
	s1 =	sshll.u32 s1, $0x11  }
0xbc: {  	s0 =	sor.u32 s1, s0  }
0xbd: {  	s0 =	sadd.s32 $0x8F2B, s0  }
0xbe: {  	[sflag:s0] =	ssyncadd.remote.s32 $0x1  }
0xbf: {  	_ =	sfence.sel $0xFFFF  }
0xc0: {  	[dreg:$0x0] =	wrdreg $0xFFFFFFFF;
	(pc) =	sbr.abs _section_cstart, $3  }
0xc1: {  	[dreg:$0x1] =	wrdreg $0xFFFFFFFF  }
0xc2: {  	_ =	task.clear_ibuf [dreg:s7], $0x2FFFF;
	_ =	strace $0x9FFFFFFF  }
0xc3: {  	(tm) =	ssettm $0x7FFFFFFF  }
tec
execute0_lowered:
.L_overlay_start_1:
0x0: {  	(tag) =	ssettag $0x1  }
0x1: {  	s1 =	rddreg [dreg:$0x0]  }
0x2: {  	s0 =	rddreg [dreg:$0x1]  }
0x3: {  	s2 =	rddreg [dreg:$0x2];
	s3 =	simm.s32 $0x0  }
0x4: {  	s4 =	srdreg.scid;
	s12 =	stileid.u32;
	s28 =	simm.s32 $0x13  }
0x5: {  	s29 =	simm.s32 $0x300;
	s30 =	simm.s32 $0x480;
	s31 =	simm.s32 $0x200  }
0x6: {  	[smem:$0x7FF] =	sst s3;
	s13 =	sadd.s32 $0x2000, s0;
	s14 =	sadd.s32 $0xBE00, s0  }
0x7: {  	s4 =	sand.u32 $0x1, s4;
	s5 =	sshll.u32 s12, $0x1;
	s7 =	smul.u32 $0x4E000, s12  }
0x8: {  	s8 =	sadd.s32 $0x8B200, s0;
	s0 =	sadd.s32 $0x8DA00, s0;
	s25 =	smul.u32 $0x2700, s12  }
0x9: {  	s9 =	sshll.u32 s12, $0x6;
	s23 =	smul.u32 $0x4E20, s12;
	_ =	strace $0x8000004A  }
0xa: {  	s6 =	ssub.s32 $0x2, s4;
	[dreg:$0x6] =	wrdreg s8;
	s20 =	smul.u32 $0x27100, s4  }
0xb: {  	s5 =	sor.u32 s4, s5;
	s21 =	smul.u32 $0x138800, s4;
	[dreg:$0x5] =	wrdreg s14  }
0xc: {  	s26 =	sor.u32 $0x1C13, s9;
	s4 =	smul.u32 $0x2710, s4;
	[dreg:$0x4] =	wrdreg s13  }
0xd: {  	s24 =	sshrl.u32 s6, $0x1;
	s5 =	smul.u32 $0x2710, s5;
	s7 =	sshrl.u32 s7, $0x2  }
0xe: {  	[dreg:$0x8] =	wrdreg s26;
	s6 =	ssub.s32 s6, s24;
	s7 =	sadd.s32 s7, s2  }
0xf: {  	s8 =	sadd.s32 s25, s20;
	s4 =	sadd.s32 s4, s23;
	s15 =	sadd.s32 $0x28, s5  }
0x10: {  	[dreg:$0x7] =	wrdreg s7;
	s8 =	sadd.s32 s0, s8;
	s7 =	sshrl.u32 s15, $0x3  }
0x11: {  	s10 =	sshrl.u32 s5, $0x3;
	[dreg:$0x10] =	wrdreg s8;
	s16 =	sadd.s32 s13, s7  }
0x12: {  	s17 =	sadd.s32 $0xA, s10;
	s7 =	sadd.s32 s14, s7;
	[dreg:$0x9] =	wrdreg s16  }
0x13: {  	s19 =	sadd.s32 $0x78, s5;
	s18 =	sadd.s32 s13, s17;
	[dreg:$0xa] =	wrdreg s7  }
0x14: {  	s22 =	sadd.s32 $0x14, s10;
	s9 =	sadd.s32 s14, s17;
	[dreg:$0xb] =	wrdreg s18  }
0x15: {  	s24 =	sadd.s32 $0xC8, s5;
	s15 =	sadd.s32 s13, s22;
	[dreg:$0xc] =	wrdreg s9  }
0x16: {  	s25 =	sadd.s32 s14, s22;
	s17 =	sadd.s32 s13, s10;
	[dreg:$0xf] =	wrdreg s15  }
0x17: {  	s7 =	sshrl.u32 s19, $0x3;
	[dreg:$0x11] =	wrdreg s25;
	s16 =	sadd.s32 $0x2698, s5  }
0x18: {  	[dreg:$0x16] =	wrdreg s17;
	s18 =	sadd.s32 s14, s10;
	s19 =	sadd.s32 $0x4D8, s10  }
0x19: {  	s5 =	sadd.s32 $0x26E8, s5;
	s11 =	sadd.s32 s13, s7;
	[dreg:$0x17] =	wrdreg s18  }
0x1a: {  	s17 =	sadd.s32 $0x140, s4;
	s7 =	sadd.s32 s14, s7;
	[dreg:$0xd] =	wrdreg s11  }
0x1b: {  	s5 =	sshrl.u32 s5, $0x3;
	s22 =	sadd.s32 s14, s19;
	[dreg:$0xe] =	wrdreg s7  }
0x1c: {  	s7 =	sshrl.u32 s21, $0x3;
	s21 =	sadd.s32 s13, s19;
	[dreg:$0x1b] =	wrdreg s22  }
0x1d: {  	s11 =	sadd.s32 $0x4CE, s10;
	s23 =	sadd.s32 s13, s5;
	[dreg:$0x1a] =	wrdreg s21  }
0x1e: {  	s5 =	sadd.s32 s14, s5;
	s19 =	sshrl.u32 s17, $0x3;
	[dreg:$0x1c] =	wrdreg s23  }
0x1f: {  	s0 =	sadd.s32 s0, s7;
	s15 =	sadd.s32 s13, s11;
	[dreg:$0x1d] =	wrdreg s5  }
0x20: {  	s7 =	sshrl.u32 s24, $0x3;
	s21 =	sadd.s32 s19, s14;
	[dreg:$0x14] =	wrdreg s15  }
0x21: {  	p0 =	sne.s32 s12, $0xF;
	s9 =	sadd.s32 s13, s7;
	[smem:$0x7F8] =	sst s21  }
0x22: {  	s18 =	sadd.s32 $0x118, s4;
	s7 =	sadd.s32 s14, s7;
	[dreg:$0x12] =	wrdreg s9  }
0x23: {  	s24 =	sadd.s32 $0x1B8, s4;
	s0 =	sadd.s32 $0x27000, s0;
	[dreg:$0x13] =	wrdreg s7  }
0x24: {  	s25 =	sshrl.u32 s24, $0x3;
	s24 =	sadd.s32 $0xF0, s4;
	[dreg:$0x1e] =	wrdreg s0  }
0x25: {  	s21 =	simm.s32 $0x2;
	s7 =	sadd.s32 s14, s11;
	[smem:$0x7FC] =	sst s24  }
0x26: {  	s8 =	sadd.s32 s25, s14;
	s9 =	sadd.s32 $0x190, s4;
	[dreg:$0x15] =	wrdreg s7  }
0x27: {  	s0 =	sadd.s32 s25, s13;
	s11 =	sadd.s32 $0x168, s4;
	[smem:$0x7F2] =	sst s8  }
0x28: {  	s25 =	sadd.s32 $0x138000, s2;
	s7 =	sshrl.u32 s16, $0x3;
	[smem:$0x7F3] =	sst s0  }
0x29: {  	s10 =	sshrl.u32 s9, $0x3;
	s16 =	sshrl.u32 s11, $0x3;
	[smem:$0x7FD] =	sst s25  }
0x2a: {  	s9 =	simm.s32 $0x100;
	s8 =	simm.s32 $0x4;
	s20 =	sadd.s32 s13, s7  }
0x2b: {  	s11 =	simm.s32 $0x5;
	s7 =	sadd.s32 s14, s7;
	[dreg:$0x18] =	wrdreg s20  }
0x2c: {  	s25 =	simm.s32 $0x2E00;
	s15 =	sadd.s32 s10, s14;
	[dreg:$0x19] =	wrdreg s7  }
0x2d: {  	s0 =	sadd.s32 s10, s13;
	s5 =	sadd.s32 s16, s14;
	[smem:$0x7F4] =	sst s15  }
0x2e: {  	s10 =	simm.s32 $0x180;
	s7 =	smax.u32 s6, $0x1;
	[smem:$0x7F5] =	sst s0  }
0x2f: {  	[smem:$0x7F6] =	sst s5;
	s0 =	sadd.s32 s16, s13;
	s20 =	sshrl.u32 s18, $0x3  }
0x30: {  	s6 =	simm.s32 $0x400;
	s5 =	simm.s32 $0x3;
	[dreg:$0x1f] =	wrdreg s7  }
.Ltmp0:
0x31: {  	[smem:$0x7F7] =	sst s0;
	s0 =	sadd.s32 s19, s13;
	(pc) =	sbr.rel .LBB2_1-.Ltmp0, $4  }
0x32: {  	s22 =	sadd.s32 s20, s14;
	s23 =	sadd.s32 s20, s13;
	s7 =	simm.s32 $0x80  }
0x33: {  	s14 =	simm.s32 $0x380;
	s20 =	simm.s32 $0x1;
	[smem:$0x7F9] =	sst s0  }
0x34: {  	s19 =	simm.s32 $0x28;
	s13 =	simm.s32 $0x6;
	[smem:$0x7FA] =	sst s22  }
0x35: {  	[smem:$0x7FB] =	sst s23;
	s23 =	simm.s32 $0x10;
	s0 =	simm.s32 $0x0  }
.LBB2_4:
0x36: {  	s12 =	rddreg [dreg:$0x14]  }
0x37: {  	[tilespmem:s3], [sflag:$0x1] =	stream.linear.gather [hbm4b:s12+s3], $0x28, $0x38;
	[tilespmem:$0x1B680] =	vst v63  }
0x38: {  	s6 =	rddreg [dreg:$0x15];
	s4 =	simm.s32 $0xE  }
0x39: {  	[tilespmem:s29], [sflag:$0x1] =	stream.linear.gather [hbm4b:s6+s3], $0x28, $0x38;
	[tilespmem:$0x1B680] =	vst v63  }
0x3a: {  	_ =	swait.ge [sflag:s4], $0x1400  }
0x3b: {  	[sflag:s4] =	ssyncset.done $0x0  }
0x3c: {  	s26 =	simm.s32 $0x80;
	s7 =	rddreg [dreg:$0x18];
	[sflag:s4] =	ssyncadd.s32 $0xFFFFEC00  }
0x3d: {  	[tilespmem:s26], [sflag:$0x2] =	stream.linear.gather [hbm4b:s7+s3], $0x28, $0x38;
	[tilespmem:$0x1B680] =	vst v63  }
0x3e: {  	s22 =	simm.s32 $0x380;
	s18 =	simm.s32 $0xF;
	s9 =	rddreg [dreg:$0x19]  }
0x3f: {  	[tilespmem:s22], [sflag:$0x2] =	stream.linear.gather [hbm4b:s9+s3], $0x28, $0x38;
	[tilespmem:$0x1B680] =	vst v63  }
0x40: {  	_ =	swait.ge [sflag:s18], $0x1400  }
0x41: {  	[sflag:s18] =	ssyncset.done $0x0  }
0x42: {  	s14 =	simm.s32 $0x100;
	s10 =	rddreg [dreg:$0x1a];
	[sflag:s18] =	ssyncadd.s32 $0xFFFFEC00  }
0x43: {  	[tilespmem:s14], [sflag:$0x3] =	stream.linear.gather [hbm4b:s10+s3], $0x28, $0x38;
	[tilespmem:$0x1B680] =	vst v63  }
0x44: {  	s30 =	simm.s32 $0x400;
	s15 =	rddreg [dreg:$0x1b]  }
0x45: {  	[tilespmem:s30], [sflag:$0x3] =	stream.linear.gather [hbm4b:s15+s3], $0x28, $0x38;
	[tilespmem:$0x1B680] =	vst v63  }
0x46: {  	_ =	swait.ge [sflag:s23], $0x1400  }
0x47: {  	[sflag:s23] =	ssyncset.done $0x0  }
0x48: {  	s6 =	simm.s32 $0x180;
	s16 =	rddreg [dreg:$0x1c];
	[sflag:s23] =	ssyncadd.s32 $0xFFFFEC00  }
0x49: {  	[tilespmem:s6], [sflag:$0x4] =	stream.linear.gather [hbm4b:s16+s3], $0x28, $0x38;
	[tilespmem:$0x1B680] =	vst v63  }
0x4a: {  	s28 =	simm.s32 $0x480;
	s17 =	rddreg [dreg:$0x1d]  }
0x4b: {  	[tilespmem:s28], [sflag:$0x4] =	stream.linear.gather [hbm4b:s17+s3], $0x28, $0x38;
	[tilespmem:$0x1B680] =	vst v63  }
0x4c: {  	_ =	swait.ge [sflag:s20], $0x28  }
0x4d: {  	[sflag:s20] =	ssyncset.done $0x0  }
0x4e: {  	[sflag:s20] =	ssyncadd.s32 $0xFFFFFFD8  }
0x4f: {  	_ =	swait.ge [sflag:s20], $0x28  }
0x50: {  	[sflag:s20] =	ssyncset.done $0x0  }
0x51: {  	s24 =	simm.s32 $0x600;
	[sflag:s20] =	ssyncadd.s32 $0xFFFFFFD8  }
0x52: {  	[tilespmem:s24], [sflag:$0x7] =	stream.indirect.gather [hbm4b:s1+s19], $0x80, s3, s19, $0xb8;
	[tilespmem:$0x1B680] =	vst v63  }
0x53: {  	_ =	swait.ge [sflag:s21], $0x28  }
0x54: {  	[sflag:s21] =	ssyncset.done $0x0  }
0x55: {  	[sflag:s21] =	ssyncadd.s32 $0xFFFFFFD8  }
0x56: {  	_ =	swait.ge [sflag:s21], $0x28  }
0x57: {  	[sflag:s21] =	ssyncset.done $0x0  }
0x58: {  	s15 =	simm.s32 $0x1A00;
	[sflag:s21] =	ssyncadd.s32 $0xFFFFFFD8  }
0x59: {  	[tilespmem:s15], [sflag:$0x8] =	stream.indirect.gather [hbm4b:s1+s19], $0x80, s26, s19, $0xb8;
	[tilespmem:$0x1B680] =	vst v63  }
0x5a: {  	_ =	swait.ge [sflag:s5], $0x28  }
0x5b: {  	[sflag:s5] =	ssyncset.done $0x0  }
0x5c: {  	[sflag:s5] =	ssyncadd.s32 $0xFFFFFFD8  }
0x5d: {  	_ =	swait.ge [sflag:s5], $0x28  }
0x5e: {  	[sflag:s5] =	ssyncset.done $0x0  }
0x5f: {  	s16 =	simm.s32 $0x2E00;
	[sflag:s5] =	ssyncadd.s32 $0xFFFFFFD8  }
0x60: {  	[tilespmem:s16], [sflag:$0x9] =	stream.indirect.gather [hbm4b:s1+s19], $0x80, s14, s19, $0xb8;
	[tilespmem:$0x1B680] =	vst v63  }
0x61: {  	_ =	swait.ge [sflag:s8], $0x28  }
0x62: {  	[sflag:s8] =	ssyncset.done $0x0  }
0x63: {  	[sflag:s8] =	ssyncadd.s32 $0xFFFFFFD8  }
0x64: {  	_ =	swait.ge [sflag:s8], $0x28  }
0x65: {  	[sflag:s8] =	ssyncset.done $0x0  }
0x66: {  	s0 =	simm.s32 $0x7;
	s17 =	simm.s32 $0x4200;
	[sflag:s8] =	ssyncadd.s32 $0xFFFFFFD8  }
0x67: {  	[tilespmem:s17], [sflag:$0xA] =	stream.indirect.gather [hbm4b:s1+s19], $0x80, s6, s19, $0xb8;
	[tilespmem:$0x1B680] =	vst v63  }
0x68: {  	_ =	swait.ge [sflag:s0], $0x1400  }
0x69: {  	[sflag:s0] =	ssyncset.done $0x0  }
0x6a: {  	s14 =	simm.s32 $0x8;
	[sflag:s0] =	ssyncadd.s32 $0xFFFFEC00  }
0x6b: {  	[spmem:s2] =	stream.indirect.scatter.add.f32 [tilespmem:s24], [sflag:$0xD], $0x80, s29, s19, $0xb8;
	[tilespmem:$0x1B680] =	vst v63  }
0x6c: {  	_ =	swait.ge [sflag:s14], $0x1400  }
0x6d: {  	[sflag:s14] =	ssyncset.done $0x0  }
0x6e: {  	s24 =	simm.s32 $0x9;
	[sflag:s14] =	ssyncadd.s32 $0xFFFFEC00  }
0x6f: {  	[spmem:s2] =	stream.indirect.scatter.add.f32 [tilespmem:s15], [sflag:$0xE], $0x80, s22, s19, $0xb8;
	[tilespmem:$0x1B680] =	vst v63  }
0x70: {  	_ =	swait.ge [sflag:s24], $0x1400  }
0x71: {  	[sflag:s24] =	ssyncset.done $0x0  }
0x72: {  	s26 =	simm.s32 $0xA;
	[sflag:s24] =	ssyncadd.s32 $0xFFFFEC00  }
0x73: {  	[spmem:s2] =	stream.indirect.scatter.add.f32 [tilespmem:s16], [sflag:$0xF], $0x80, s30, s19, $0xb8;
	[tilespmem:$0x1B680] =	vst v63  }
0x74: {  	_ =	swait.ge [sflag:s26], $0x1400  }
0x75: {  	[sflag:s26] =	ssyncset.done $0x0  }
0x76: {  	s12 =	simm.s32 $0xD;
	[sflag:s26] =	ssyncadd.s32 $0xFFFFEC00  }
0x77: {  	[spmem:s2] =	stream.indirect.scatter.add.f32 [tilespmem:s17], [sflag:$0x10], $0x80, s28, s19, $0xb8;
	[tilespmem:$0x1B680] =	vst v63  }
0x78: {  	_ =	swait.ge [sflag:s12], $0x1400  }
0x79: {  	[sflag:s12] =	ssyncset.done $0x0  }
0x7a: {  	[sflag:s12] =	ssyncadd.s32 $0xFFFFEC00  }
0x7b: {  	_ =	swait.ge [sflag:s4], $0x1400  }
0x7c: {  	[sflag:s4] =	ssyncset.done $0x0  }
0x7d: {  	[sflag:s4] =	ssyncadd.s32 $0xFFFFEC00  }
0x7e: {  	_ =	swait.ge [sflag:s18], $0x1400  }
0x7f: {  	[sflag:s18] =	ssyncset.done $0x0  }
0x80: {  	[sflag:s18] =	ssyncadd.s32 $0xFFFFEC00  }
0x81: {  	_ =	swait.ge [sflag:s23], $0x1400  }
0x82: {  	[sflag:s23] =	ssyncset.done $0x0  }
0x83: {  	s15 =	simm.s32 $0x11;
	[sflag:s23] =	ssyncadd.s32 $0xFFFFEC00  }
0x84: {  	_ =	swait.ge [sflag:s15], $0x1400  }
0x85: {  	[sflag:s15] =	ssyncset.done $0x0  }
0x86: {  	s16 =	simm.s32 $0x12;
	[sflag:s15] =	ssyncadd.s32 $0xFFFFEC00  }
0x87: {  	_ =	swait.ge [sflag:s16], $0x1400  }
0x88: {  	[sflag:s16] =	ssyncset.done $0x0  }
0x89: {  	[sflag:s16] =	ssyncadd.s32 $0xFFFFEC00  }
0x8a: {  	[bflag:$0x0] =	sbarrier.arrive $0xFFFF  }
0x8b: {  	s18 =	sld [smem:$0x7F0]  }
0x8c: {  	s26 =	rddreg [dreg:$0x8]  }
0x8d: {  	s22 =	simm.s32 $0x13;
	s17 =	rddreg [dreg:$0x10]  }
0x8e: {  	[hbm:s17], [sflag:s26] =	dma.local [spmem:s18], $0x2700  }
0x8f: {  	_ =	swait.ge [sflag:s22], $0x2700  }
0x90: {  	s0 =	sld [smem:$0x7F1]  }
0x91: {  	[sflag:s22] =	ssyncset.done $0x0  }
0x92: {  	s12 =	rddreg [dreg:$0x1e];
	[sflag:s22] =	ssyncadd.s32 $0xFFFFD900  }
0x93: {  	[hbm:s12], [sflag:s26] =	dma.local @!p0 [spmem:s0], $0x100  }
0x94: {  	s12 =	simm.s32 @!p0 $0x13  }
0x95: {  	_ =	swait.ge @!p0 [sflag:s12], $0x100  }
0x96: {  	s24 =	sld [smem:$0x7EF];
	_ =	sdelay $0x2  }
0x97: {  	s28 =	rddreg [dreg:$0x1f];
	s0 =	sadd.s32 $0x1, s24  }
0x98: {  	p1 =	sne.s32 s0, s28  }
.Ltmp1:
0x99: {  	_ = 	snop;
	(pc) =	sbr.rel @!p1 .LBB2_5-.Ltmp1, $4  }
0x9a: {  	_ = 	snop  }
0x9b: {  	s7 =	simm.s32 $0x80;
	s9 =	simm.s32 $0x100;
	s10 =	simm.s32 $0x180  }
0x9c: {  	s6 =	simm.s32 $0x400;
	s14 =	simm.s32 $0x380;
	[sflag:s12] =	ssyncset.done @!p0 $0x0  }
0x9d: {  	s30 =	simm.s32 $0x480;
	[sflag:s12] =	ssyncadd.s32 @!p0 $0xFFFFFF00;
	s28 =	simm.s32 $0x13  }
.LBB2_1:
0x9e: {  	[smem:$0x7EF] =	sst s0  }
0x9f: {  	s12 =	rddreg [dreg:$0x7]  }
0xa0: {  	s18 =	sshrl.u32 s12, $0x3;
	s12 =	rddreg [dreg:$0x6]  }
0xa1: {  	[smem:$0x7F0] =	sst s18  }
0xa2: {  	[spmem:s18], [sflag:s26] =	dma.local [hbm:s12], $0x2700  }
0xa3: {  	_ =	swait.ge [sflag:s28], $0x2700  }
0xa4: {  	[sflag:s28] =	ssyncset.done $0x0  }
0xa5: {  	[sflag:s28] =	ssyncadd.s32 $0xFFFFD900;
	s28 =	sld [smem:$0x7FD];
	_ =	sdelay $0x2  }
0xa6: {  	s0 =	sshrl.u32 @!p0 s28, $0x3  }
0xa7: {  	[smem:$0x7F1] =	sst s0  }
0xa8: {  	[spmem:s0], [sflag:s26] =	dma.local @!p0 [hbm:s12], $0x100  }
0xa9: {  	s26 =	simm.s32 @!p0 $0x13  }
0xaa: {  	_ =	swait.ge @!p0 [sflag:s26], $0x100  }
0xab: {  	[sflag:s26] =	ssyncset.done @!p0 $0x0  }
0xac: {  	[sflag:s26] =	ssyncadd.s32 @!p0 $0xFFFFFF00  }
0xad: {  	[bflag:$0x0] =	sbarrier.arrive $0xFFFF  }
0xae: {  	s22 =	rddreg [dreg:$0x16]  }
0xaf: {  	[tilespmem:s3], [sflag:$0x1] =	stream.linear.gather [hbm4b:s22+s3], $0x28, $0x38;
	[tilespmem:$0x1B680] =	vst v63  }
0xb0: {  	s24 =	rddreg [dreg:$0x17]  }
0xb1: {  	[tilespmem:s29], [sflag:$0x1] =	stream.linear.gather [hbm4b:s24+s3], $0x28, $0x38;
	[tilespmem:$0x1B680] =	vst v63  }
0xb2: {  	s26 =	rddreg [dreg:$0x9]  }
0xb3: {  	[tilespmem:s7], [sflag:$0x2] =	stream.linear.gather [hbm4b:s26+s3], $0x28, $0x38;
	[tilespmem:$0x1B680] =	vst v63  }
0xb4: {  	s0 =	rddreg [dreg:$0xa]  }
0xb5: {  	[tilespmem:s14], [sflag:$0x2] =	stream.linear.gather [hbm4b:s0+s3], $0x28, $0x38;
	[tilespmem:$0x1B680] =	vst v63  }
0xb6: {  	s4 =	rddreg [dreg:$0xb]  }
0xb7: {  	[tilespmem:s9], [sflag:$0x3] =	stream.linear.gather [hbm4b:s4+s3], $0x28, $0x38;
	[tilespmem:$0x1B680] =	vst v63  }
0xb8: {  	s15 =	rddreg [dreg:$0xc]  }
0xb9: {  	[tilespmem:s6], [sflag:$0x3] =	stream.linear.gather [hbm4b:s15+s3], $0x28, $0x38;
	[tilespmem:$0x1B680] =	vst v63  }
0xba: {  	s16 =	rddreg [dreg:$0xd]  }
0xbb: {  	[tilespmem:s10], [sflag:$0x4] =	stream.linear.gather [hbm4b:s16+s3], $0x28, $0x38;
	[tilespmem:$0x1B680] =	vst v63  }
0xbc: {  	s17 =	rddreg [dreg:$0xe]  }
0xbd: {  	[tilespmem:s30], [sflag:$0x4] =	stream.linear.gather [hbm4b:s17+s3], $0x28, $0x38;
	[tilespmem:$0x1B680] =	vst v63  }
0xbe: {  	s18 =	rddreg [dreg:$0xf]  }
0xbf: {  	[tilespmem:s31], [sflag:$0x5] =	stream.linear.gather [hbm4b:s18+s3], $0x28, $0x38;
	[tilespmem:$0x1B680] =	vst v63  }
0xc0: {  	s22 =	rddreg [dreg:$0x11];
	s15 =	simm.s32 $0x500  }
0xc1: {  	[tilespmem:s15], [sflag:$0x5] =	stream.linear.gather [hbm4b:s22+s3], $0x28, $0x38;
	[tilespmem:$0x1B680] =	vst v63  }
0xc2: {  	s24 =	rddreg [dreg:$0x12];
	s16 =	simm.s32 $0x280  }
0xc3: {  	[tilespmem:s16], [sflag:$0x6] =	stream.linear.gather [hbm4b:s24+s3], $0x28, $0x38;
	[tilespmem:$0x1B680] =	vst v63  }
0xc4: {  	s26 =	rddreg [dreg:$0x13];
	s24 =	simm.s32 $0x580  }
0xc5: {  	[tilespmem:s24], [sflag:$0x6] =	stream.linear.gather [hbm4b:s26+s3], $0x28, $0x38;
	[tilespmem:$0x1B680] =	vst v63  }
0xc6: {  	s28 =	simm.s32 $0x0;
	s12 =	simm.s32 $0x580;
	s26 =	sld [smem:$0x7FC]  }
.LBB2_2:
0xc7: {  	_ =	swait.ge [sflag:s20], $0x28  }
0xc8: {  	[sflag:s20] =	ssyncset.done $0x0  }
0xc9: {  	[sflag:s20] =	ssyncadd.s32 $0xFFFFFFD8  }
0xca: {  	_ =	swait.ge [sflag:s20], $0x28  }
0xcb: {  	[sflag:s20] =	ssyncset.done $0x0  }
0xcc: {  	s24 =	simm.s32 $0x600;
	[sflag:s20] =	ssyncadd.s32 $0xFFFFFFD8  }
0xcd: {  	[tilespmem:s24], [sflag:$0x7] =	stream.indirect.gather [hbm4b:s1+s19], $0x80, s3, s19, $0xb8;
	[tilespmem:$0x1B680] =	vst v63  }
0xce: {  	_ =	swait.ge [sflag:s21], $0x28  }
0xcf: {  	[sflag:s21] =	ssyncset.done $0x0  }
0xd0: {  	[sflag:s21] =	ssyncadd.s32 $0xFFFFFFD8  }
0xd1: {  	_ =	swait.ge [sflag:s21], $0x28  }
0xd2: {  	[sflag:s21] =	ssyncset.done $0x0  }
0xd3: {  	s17 =	simm.s32 $0x1A00;
	[sflag:s21] =	ssyncadd.s32 $0xFFFFFFD8  }
0xd4: {  	[tilespmem:s17], [sflag:$0x8] =	stream.indirect.gather [hbm4b:s1+s19], $0x80, s7, s19, $0xb8;
	[tilespmem:$0x1B680] =	vst v63  }
0xd5: {  	_ =	swait.ge [sflag:s5], $0x28  }
0xd6: {  	[sflag:s5] =	ssyncset.done $0x0  }
0xd7: {  	[sflag:s5] =	ssyncadd.s32 $0xFFFFFFD8  }
0xd8: {  	_ =	swait.ge [sflag:s5], $0x28  }
0xd9: {  	[sflag:s5] =	ssyncset.done $0x0  }
0xda: {  	[sflag:s5] =	ssyncadd.s32 $0xFFFFFFD8  }
0xdb: {  	[tilespmem:s25], [sflag:$0x9] =	stream.indirect.gather [hbm4b:s1+s19], $0x80, s9, s19, $0xb8;
	[tilespmem:$0x1B680] =	vst v63  }
0xdc: {  	_ =	swait.ge [sflag:s8], $0x28  }
0xdd: {  	[sflag:s8] =	ssyncset.done $0x0  }
0xde: {  	[sflag:s8] =	ssyncadd.s32 $0xFFFFFFD8  }
0xdf: {  	_ =	swait.ge [sflag:s8], $0x28  }
0xe0: {  	[sflag:s8] =	ssyncset.done $0x0  }
0xe1: {  	s18 =	simm.s32 $0x4200;
	[sflag:s8] =	ssyncadd.s32 $0xFFFFFFD8  }
0xe2: {  	[tilespmem:s18], [sflag:$0xA] =	stream.indirect.gather [hbm4b:s1+s19], $0x80, s10, s19, $0xb8;
	[tilespmem:$0x1B680] =	vst v63  }
0xe3: {  	_ =	swait.ge [sflag:s11], $0x28  }
0xe4: {  	[sflag:s11] =	ssyncset.done $0x0  }
0xe5: {  	[sflag:s11] =	ssyncadd.s32 $0xFFFFFFD8  }
0xe6: {  	_ =	swait.ge [sflag:s11], $0x28  }
0xe7: {  	[sflag:s11] =	ssyncset.done $0x0  }
0xe8: {  	s0 =	simm.s32 $0x5600;
	[sflag:s11] =	ssyncadd.s32 $0xFFFFFFD8  }
0xe9: {  	[tilespmem:s0], [sflag:$0xB] =	stream.indirect.gather [hbm4b:s1+s19], $0x80, s31, s19, $0xb8;
	[tilespmem:$0x1B680] =	vst v63  }
0xea: {  	_ =	swait.ge [sflag:s13], $0x28  }
0xeb: {  	[sflag:s13] =	ssyncset.done $0x0  }
0xec: {  	[sflag:s13] =	ssyncadd.s32 $0xFFFFFFD8  }
0xed: {  	_ =	swait.ge [sflag:s13], $0x28  }
0xee: {  	[sflag:s13] =	ssyncset.done $0x0  }
0xef: {  	s22 =	simm.s32 $0x6A00;
	s4 =	simm.s32 $0x7;
	[sflag:s13] =	ssyncadd.s32 $0xFFFFFFD8  }
0xf0: {  	[tilespmem:s22], [sflag:$0xC] =	stream.indirect.gather [hbm4b:s1+s19], $0x80, s16, s19, $0xb8;
	[tilespmem:$0x1B680] =	vst v63  }
0xf1: {  	_ =	swait.ge [sflag:s4], $0x1400  }
0xf2: {  	[sflag:s4] =	ssyncset.done $0x0  }
0xf3: {  	[sflag:s4] =	ssyncadd.s32 $0xFFFFEC00  }
0xf4: {  	[spmem:s2] =	stream.indirect.scatter.add.f32 [tilespmem:s24], [sflag:$0xD], $0x80, s29, s19, $0xb8;
	[tilespmem:$0x1B680] =	vst v63  }
0xf5: {  	s24 =	simm.s32 $0x8  }
0xf6: {  	_ =	swait.ge [sflag:s24], $0x1400  }
0xf7: {  	[sflag:s24] =	ssyncset.done $0x0  }
0xf8: {  	[sflag:s24] =	ssyncadd.s32 $0xFFFFEC00  }
0xf9: {  	[spmem:s2] =	stream.indirect.scatter.add.f32 [tilespmem:s17], [sflag:$0xE], $0x80, s14, s19, $0xb8;
	[tilespmem:$0x1B680] =	vst v63  }
0xfa: {  	s17 =	simm.s32 $0x9  }
0xfb: {  	_ =	swait.ge [sflag:s17], $0x1400  }
0xfc: {  	[sflag:s17] =	ssyncset.done $0x0  }
0xfd: {  	s24 =	simm.s32 $0xA;
	[sflag:s17] =	ssyncadd.s32 $0xFFFFEC00  }
0xfe: {  	[spmem:s2] =	stream.indirect.scatter.add.f32 [tilespmem:s25], [sflag:$0xF], $0x80, s6, s19, $0xb8;
	[tilespmem:$0x1B680] =	vst v63  }
0xff: {  	_ =	swait.ge [sflag:s24], $0x1400  }
0x100: {  	[sflag:s24] =	ssyncset.done $0x0  }
0x101: {  	s17 =	simm.s32 $0xB;
	[sflag:s24] =	ssyncadd.s32 $0xFFFFEC00  }
0x102: {  	[spmem:s2] =	stream.indirect.scatter.add.f32 [tilespmem:s18], [sflag:$0x10], $0x80, s30, s19, $0xb8;
	[tilespmem:$0x1B680] =	vst v63  }
0x103: {  	_ =	swait.ge [sflag:s17], $0x1400  }
0x104: {  	[sflag:s17] =	ssyncset.done $0x0  }
0x105: {  	s18 =	simm.s32 $0xC;
	[sflag:s17] =	ssyncadd.s32 $0xFFFFEC00  }
0x106: {  	[spmem:s2] =	stream.indirect.scatter.add.f32 [tilespmem:s0], [sflag:$0x11], $0x80, s15, s19, $0xb8;
	[tilespmem:$0x1B680] =	vst v63  }
0x107: {  	_ =	swait.ge [sflag:s18], $0x1400  }
0x108: {  	p1 =	seq.s32 s28, $0x4B0;
	[sflag:s18] =	ssyncset.done $0x0  }
.Ltmp2:
0x109: {  	s24 =	simm.s32 $0xD;
	[sflag:s18] =	ssyncadd.s32 $0xFFFFEC00;
	(pc) =	sbr.rel @p1 .LBB2_4-.Ltmp2, $4  }
0x10a: {  	[spmem:s2] =	stream.indirect.scatter.add.f32 [tilespmem:s22], [sflag:$0x12], $0x80, s12, s19, $0xb8;
	[tilespmem:$0x1B680] =	vst v63  }
0x10b: {  	_ =	swait.ge [sflag:s24], $0x1400  }
0x10c: {  	[sflag:s24] =	ssyncset.done $0x0  }
0x10d: {  	[sflag:s24] =	ssyncadd.s32 $0xFFFFEC00;
	s24 =	simm.s32 $0x580  }
0x10e: {  	s29 =	sshrl.u32 s26, $0x3;
	s12 =	rddreg [dreg:$0x4]  }
0x10f: {  	s4 =	rddreg [dreg:$0x5];
	s12 =	sadd.s32 s12, s29  }
0x110: {  	[tilespmem:s3], [sflag:$0x1] =	stream.linear.gather [hbm4b:s12+s3], $0x28, $0x38;
	[tilespmem:$0x1B680] =	vst v63  }
0x111: {  	s0 =	simm.s32 $0xE;
	s12 =	sadd.s32 s4, s29;
	s29 =	simm.s32 $0x300  }
0x112: {  	[tilespmem:s29], [sflag:$0x1] =	stream.linear.gather [hbm4b:s12+s3], $0x28, $0x38;
	[tilespmem:$0x1B680] =	vst v63  }
0x113: {  	_ =	swait.ge [sflag:s0], $0x1400  }
0x114: {  	s17 =	sld [smem:$0x7FB];
	_ =	sdelay $0x1  }
0x115: {  	[sflag:s0] =	ssyncset.done $0x0;
	s18 =	sld [smem:$0x7FA]  }
0x116: {  	[sflag:s0] =	ssyncadd.s32 $0xFFFFEC00;
	s12 =	sadd.s32 s28, s17  }
0x117: {  	[tilespmem:s7], [sflag:$0x2] =	stream.linear.gather [hbm4b:s12+s3], $0x28, $0x38;
	[tilespmem:$0x1B680] =	vst v63  }
0x118: {  	s22 =	simm.s32 $0xF;
	s12 =	sadd.s32 s28, s18  }
0x119: {  	[tilespmem:s14], [sflag:$0x2] =	stream.linear.gather [hbm4b:s12+s3], $0x28, $0x38;
	[tilespmem:$0x1B680] =	vst v63  }
0x11a: {  	_ =	swait.ge [sflag:s22], $0x1400  }
0x11b: {  	s0 =	sld [smem:$0x7F9];
	_ =	sdelay $0x1  }
0x11c: {  	[sflag:s22] =	ssyncset.done $0x0;
	s4 =	sld [smem:$0x7F8]  }
0x11d: {  	[sflag:s22] =	ssyncadd.s32 $0xFFFFEC00;
	s12 =	sadd.s32 s28, s0  }
0x11e: {  	[tilespmem:s9], [sflag:$0x3] =	stream.linear.gather [hbm4b:s12+s3], $0x28, $0x38;
	[tilespmem:$0x1B680] =	vst v63  }
0x11f: {  	s12 =	sadd.s32 s28, s4  }
0x120: {  	[tilespmem:s6], [sflag:$0x3] =	stream.linear.gather [hbm4b:s12+s3], $0x28, $0x38;
	[tilespmem:$0x1B680] =	vst v63  }
0x121: {  	_ =	swait.ge [sflag:s23], $0x1400  }
0x122: {  	s17 =	sld [smem:$0x7F7];
	_ =	sdelay $0x1  }
0x123: {  	[sflag:s23] =	ssyncset.done $0x0;
	s18 =	sld [smem:$0x7F6]  }
0x124: {  	[sflag:s23] =	ssyncadd.s32 $0xFFFFEC00;
	s12 =	sadd.s32 s28, s17  }
0x125: {  	[tilespmem:s10], [sflag:$0x4] =	stream.linear.gather [hbm4b:s12+s3], $0x28, $0x38;
	[tilespmem:$0x1B680] =	vst v63  }
0x126: {  	s22 =	simm.s32 $0x11;
	s12 =	sadd.s32 s28, s18  }
0x127: {  	[tilespmem:s30], [sflag:$0x4] =	stream.linear.gather [hbm4b:s12+s3], $0x28, $0x38;
	[tilespmem:$0x1B680] =	vst v63  }
0x128: {  	_ =	swait.ge [sflag:s22], $0x1400  }
0x129: {  	s0 =	sld [smem:$0x7F5];
	_ =	sdelay $0x1  }
0x12a: {  	[sflag:s22] =	ssyncset.done $0x0;
	s4 =	sld [smem:$0x7F4]  }
0x12b: {  	[sflag:s22] =	ssyncadd.s32 $0xFFFFEC00;
	s12 =	sadd.s32 s28, s0  }
0x12c: {  	[tilespmem:s31], [sflag:$0x5] =	stream.linear.gather [hbm4b:s12+s3], $0x28, $0x38;
	[tilespmem:$0x1B680] =	vst v63  }
0x12d: {  	s17 =	simm.s32 $0x12;
	s12 =	sadd.s32 s28, s4  }
0x12e: {  	[tilespmem:s15], [sflag:$0x5] =	stream.linear.gather [hbm4b:s12+s3], $0x28, $0x38;
	[tilespmem:$0x1B680] =	vst v63  }
0x12f: {  	_ =	swait.ge [sflag:s17], $0x1400  }
0x130: {  	s18 =	sld [smem:$0x7F3];
	_ =	sdelay $0x1  }
0x131: {  	[sflag:s17] =	ssyncset.done $0x0;
	s22 =	sld [smem:$0x7F2]  }
.Ltmp3:
0x132: {  	[sflag:s17] =	ssyncadd.s32 $0xFFFFEC00;
	s12 =	sadd.s32 s28, s18;
	(pc) =	sbr.rel .LBB2_2-.Ltmp3, $4  }
0x133: {  	[tilespmem:s16], [sflag:$0x6] =	stream.linear.gather [hbm4b:s12+s3], $0x28, $0x38;
	[tilespmem:$0x1B680] =	vst v63  }
0x134: {  	s12 =	sadd.s32 s28, s22  }
0x135: {  	[tilespmem:s24], [sflag:$0x6] =	stream.linear.gather [hbm4b:s12+s3], $0x28, $0x38;
	[tilespmem:$0x1B680] =	vst v63  }
0x136: {  	s26 =	sadd.s32 $0xF0, s26;
	s28 =	sadd.s32 $0x1E, s28;
	s12 =	simm.s32 $0x580  }
.LBB2_5:
0x137: {  	_ =	sfence.sel $0x180000  }
0x138: {  	[bflag:$0x0] =	sbarrier.arrive $0xFFFF  }
0x139: {  	_ =	strace $0x9000004A  }
0x13a: {  	s0 =	stileid.u32;
	[bflag:$0x2] =	sbarrier.arrive $0xFFFF  }
0x13b: {  	p0 =	sne.s32 s0, $0x0;
	s0 =	rddreg [dreg:$0x3]  }
0x13c: {  	s0 =	sadd.s32 @!p0 $0x100000, s0  }
0x13d: {  	[sflag:s0] =	ssyncadd.tile.s32 @!p0 $0x1;
	_ =	shalt  }
.Lfunc_end2:
_tile_overlayer_lowered:
.L_overlay_start_2:
0x13e: {  	(tag) =	ssettag $0x2  }
0x13f: {  	s0 =	rddreg [dreg:$0x0];
	s2 =	stileid.u32  }
0x140: {  	s1 =	rddreg [dreg:$0x1];
	p0 =	sne.s32 s2, $0x0  }
0x141: {  	s3 =	rddreg [dreg:$0x2];
	[bflag:$0x3] =	sbarrier.arrive $0xFFFF;
	s2 =	simm.s32 @!p0 $0x1C13  }
0x142: {  	[timem:s3], [sflag:s2] =	dma.local @!p0 [hbm:s0], s1  }
0x143: {  	s0 =	simm.s32 @!p0 $0x13  }
0x144: {  	_ =	swait.ge @!p0 [sflag:s0], s1  }
0x145: {  	s1 =	ssub.s32 @!p0 $0x0, s1;
	[sflag:s0] =	ssyncset.done @!p0 $0x0  }
0x146: {  	[sflag:s0] =	ssyncadd.s32 @!p0 s1  }
0x147: {  	[bflag:$0x3] =	sbarrier.arrive $0xFFFF  }
0x148: {  	_ =	shalt  }

// kernel: kernel.14.cloned.1.call-start
scs
__scs_entry_jumppad:
0x0: {  	(pc) =	sbr.rel $0x88, $3  }
0x1: {  	(tag) =	ssettag $0x0;
	lr =	simm.s32 $0x1  }
0x2: {  	[smem:$0x3F9B] =	sst lr;
	_ =	strace $0xD0000000  }
0x3: {  	_ = 	snop  }
0x4: {  	_ = 	snop  }
0x5: {  	_ = 	snop  }
0x6: {  	_ = 	snop  }
0x7: {  	_ = 	snop  }
__scs_overlays_trampoline_lowered:
0x8: {  	[smem:$0x3FAA] =	sst s0  }
0x9: {  	[smem:$0x3FAB] =	sst s1  }
0xa: {  	[smem:$0x3FAC] =	sst s2  }
0xb: {  	[smem:$0x3FAD] =	sst s3  }
0xc: {  	[smem:$0x3FAE] =	sst s4  }
0xd: {  	[smem:$0x3FAF] =	sst s5  }
0xe: {  	[smem:$0x3FB0] =	sst s6  }
0xf: {  	[smem:$0x3FB1] =	sst s7  }
0x10: {  	[smem:$0x3FB2] =	sst s8  }
0x11: {  	[smem:$0x3FB3] =	sst s9;
	s0 =	simm.s32 @!p0 $0x0  }
0x12: {  	s1 =	sld [smem:$0x3F99];
	s0 =	simm.s32 @p0 $0x1  }
0x13: {  	[smem:$0x3FB4] =	sst s0;
	s0 =	simm.s32 @!p1 $0x0  }
0x14: {  	s2 =	sld [smem:$0x3F98];
	s0 =	simm.s32 @p1 $0x1  }
0x15: {  	[smem:$0x3FB5] =	sst s0;
	s0 =	simm.s32 @!p2 $0x0  }
0x16: {  	s3 =	sld [smem:$0x3FDB];
	s0 =	simm.s32 @p2 $0x1  }
0x17: {  	s4 =	simm.s32 $0x1BF5;
	[smem:$0x3FB7] =	sst s0  }
0x18: {  	s0 =	sld [smem:$0x3F9A];
	_ =	swait.ge [sflag:s4], $0x0  }
0x19: {  	s7 =	sld [smem:$0x3F9B]  }
0x1a: {  	s8 =	sadd.s32 $0xFFFFE003, lr  }
0x1b: {  	s9 =	sadd.s32 $0xFFFFFEF7, lr;
	s5 =	simm.s32 $0xFFFFFFFF;
	p2 =	slt.u32 s8, $0xFFFFF086  }
0x1c: {  	p1 =	slt.u32 s9, $0xF7A;
	s5 =	simm.s32 @!p2 $0x0  }
0x1d: {  	s5 =	simm.s32 @p1 $0x1;
	p0 =	seq.s32 s7, s2  }
0x1e: {  	s7 =	smul.u32 @!p0 $0xF7A, s2;
	p2 =	seq.s32 @!p0 s5, $0x0  }
0x1f: {  	s9 =	smul.u32 $0xF7A, s1;
	s8 =	simm.s32 @!p0 $0x1BF5;
	p2 =	por !p2, p0  }
0x20: {  	[sflag:s8] =	ssyncset.s32 @!p0 $0xFFFFF086;
	s6 =	sadd.s32 @!p0 s3, s7;
	s7 =	simm.s32 @!p0 $0x108  }
0x21: {  	s3 =	sadd.s32 s3, s9;
	s6 =	sadd.s32 @!p0 $0x88, s6;
	s7 =	simm.s32 @p2 $0x1082  }
0x22: {  	[simem:s7], [sflag:s8] =	dma.local @!p0 [hbm:s6], $0xF7A  }
0x23: {  	s9 =	sor.u32 $0xD0000000, s2;
	s6 =	simm.s32 $0x108;
	_ =	swait.ge @!p0 [sflag:s8], $0x0  }
0x24: {  	s3 =	sadd.s32 $0x88, s3;
	s6 =	simm.s32 @!p1 $0x1082;
	[sflag:s4] =	ssyncset.s32 $0xFFFFF086  }
0x25: {  	[simem:s6], [sflag:s4] =	dma.local [hbm:s3], $0xF7A  }
0x26: {  	[smem:$0x3F9B] =	sst s1;
	(tag) =	ssettag s2;
	_ =	strace s9  }
0x27: {  	s1 =	sld [smem:$0x3FAB]  }
0x28: {  	s2 =	sld [smem:$0x3FAC]  }
0x29: {  	s4 =	sld [smem:$0x3FAE]  }
0x2a: {  	p0 =	seq.s32 s5, $0x0;
	s5 =	sld [smem:$0x3FAF]  }
0x2b: {  	s6 =	sld [smem:$0x3FB0]  }
0x2c: {  	s7 =	sld [smem:$0x3FB1]  }
0x2d: {  	s3 =	simm.s32 $0x108;
	s8 =	sld [smem:$0x3FB2]  }
0x2e: {  	s3 =	simm.s32 @!p0 $0x1082;
	s9 =	sld [smem:$0x3FB3]  }
0x2f: {  	lr =	sadd.s32 s0, s3;
	s0 =	sld [smem:$0x3FAA]  }
0x30: {  	s3 =	sld [smem:$0x3FAD]  }
0x31: {  	[smem:$0x3FB6] =	sst s10  }
0x32: {  	s10 =	sld [smem:$0x3FB4];
	_ =	sdelay $0x3  }
0x33: {  	p0 =	seq.s32 s10, $0x1;
	s10 =	sld [smem:$0x3FB6];
	_ =	sdelay $0x3  }
0x34: {  	[smem:$0x3FB6] =	sst s10  }
0x35: {  	s10 =	sld [smem:$0x3FB5];
	_ =	sdelay $0x3  }
0x36: {  	p1 =	seq.s32 s10, $0x1;
	s10 =	sld [smem:$0x3FB6];
	_ =	sdelay $0x3  }
0x37: {  	[smem:$0x3FB6] =	sst s10  }
0x38: {  	s10 =	sld [smem:$0x3FB7]  }
0x39: {  	_ = 	snop;
	(pc) =	sbr.ind lr, $3  }
0x3a: {  	_ = 	snop  }
0x3b: {  	_ = 	snop  }
0x3c: {  	p2 =	seq.s32 s10, $0x1;
	s10 =	sld [smem:$0x3FB6]  }
0x3d: {  	_ =	shalt  }
0x3e: {  	_ =	shalt  }
0x3f: {  	_ =	shalt  }
0x40: {  	_ =	shalt  }
0x41: {  	_ =	shalt  }
0x42: {  	_ =	shalt  }
0x43: {  	_ =	shalt  }
0x44: {  	_ =	shalt  }
0x45: {  	_ =	shalt  }
0x46: {  	_ =	shalt  }
0x47: {  	_ =	shalt  }
0x48: {  	_ =	shalt  }
0x49: {  	_ =	shalt  }
0x4a: {  	_ =	shalt  }
0x4b: {  	_ =	shalt  }
0x4c: {  	_ =	shalt  }
0x4d: {  	_ =	shalt  }
0x4e: {  	_ =	shalt  }
0x4f: {  	_ =	shalt  }
0x50: {  	_ =	shalt  }
0x51: {  	_ =	shalt  }
0x52: {  	_ =	shalt  }
0x53: {  	_ =	shalt  }
0x54: {  	_ =	shalt  }
0x55: {  	_ =	shalt  }
0x56: {  	_ =	shalt  }
0x57: {  	_ =	shalt  }
0x58: {  	_ =	shalt  }
0x59: {  	_ =	shalt  }
0x5a: {  	_ =	shalt  }
0x5b: {  	_ =	shalt  }
0x5c: {  	_ =	shalt  }
0x5d: {  	_ =	shalt  }
0x5e: {  	_ =	shalt  }
0x5f: {  	_ =	shalt  }
0x60: {  	_ =	shalt  }
0x61: {  	_ =	shalt  }
0x62: {  	_ =	shalt  }
0x63: {  	_ =	shalt  }
0x64: {  	_ =	shalt  }
0x65: {  	_ =	shalt  }
0x66: {  	_ =	shalt  }
0x67: {  	_ =	shalt  }
0x68: {  	_ =	shalt  }
0x69: {  	_ =	shalt  }
0x6a: {  	_ =	shalt  }
0x6b: {  	_ =	shalt  }
0x6c: {  	_ =	shalt  }
0x6d: {  	_ =	shalt  }
0x6e: {  	_ =	shalt  }
0x6f: {  	_ =	shalt  }
0x70: {  	_ =	shalt  }
0x71: {  	_ =	shalt  }
0x72: {  	_ =	shalt  }
0x73: {  	_ =	shalt  }
0x74: {  	_ =	shalt  }
0x75: {  	_ =	shalt  }
0x76: {  	_ =	shalt  }
0x77: {  	_ =	shalt  }
0x78: {  	_ =	shalt  }
0x79: {  	_ =	shalt  }
0x7a: {  	_ =	shalt  }
0x7b: {  	_ =	shalt  }
0x7c: {  	_ =	shalt  }
0x7d: {  	_ =	shalt  }
0x7e: {  	_ =	shalt  }
0x7f: {  	_ =	shalt  }
0x80: {  	_ =	shalt  }
0x81: {  	_ =	shalt  }
0x82: {  	_ =	shalt  }
0x83: {  	_ =	shalt  }
0x84: {  	_ =	shalt  }
0x85: {  	_ =	shalt  }
0x86: {  	_ =	shalt  }
0x87: {  	_ =	shalt  }
.Lfunc_end0:
.L_simem_size_0:
called_computation.2_lowered:
.L_overlay_start_0:
0x88: {  	s2 =	sld [smem:$0x3FD9]  }
0x89: {  	s3 =	sld [smem:$0x3FFE];
	_ =	sdelay $0x1  }
0x8a: {  	s1 =	srdreg.scid  }
0x8b: {  	s0 =	sand.u32 $0x1, s1  }
0x8c: {  	s17 =	sshll.u32 s0, $0xA;
	s2 =	sadd.s32 s3, s2  }
0x8d: {  	s2 =	sadd.s32 s2, s17  }
0x8e: {  	[smem:$0x3FC2] =	sst s2  }
0x8f: {  	_ = 	snop  }
0x90: {  	s2 =	sld [smem:$0x3FD0];
	(tm) =	ssettm $0x1  }
0x91: {  	s18 =	sld [smem:$0x3FFB];
	_ =	sdelay $0x3  }
0x92: {  	_ =	strace s18  }
0x93: {  	s3 =	sld [smem:$0x3FFC];
	_ =	sdelay $0x3  }
0x94: {  	_ =	strace s3  }
0x95: {  	s3 =	sld [smem:$0x3FFD];
	_ =	sdelay $0x3  }
0x96: {  	_ =	strace s3  }
0x97: {  	_ =	strace $0x8FFFFFFF  }
0x98: {  	s19 =	sld [smem:$0x3FDB];
	_ =	sdelay $0x1  }
0x99: {  	s4 =	simm.s32 $_scs_section_size  }
0x9a: {  	s5 =	simm.s32 $_size__tile_overlayer_lowered;
	s6 =	simm.s32 $_tile_overlayer_lowered  }
0x9b: {  	s22 =	simm.s32 $0x1BFF;
	s21 =	sshll.u32 s6, $0x1;
	s3 =	sadd.s32 s4, s19  }
0x9c: {  	s7 =	simm.s32 $0x0;
	s20 =	sshll.u32 s5, $0x1;
	s5 =	sadd.s32 s21, s3  }
0x9d: {  	[timem:s7], [sflag:s22] =	dma.local [hbm:s5], s20  }
0x9e: {  	_ =	swait.ge [sflag:s22], s20  }
0x9f: {  	s4 =	ssub.s32 $0x0, s20;
	[sflag:s22] =	ssyncset.done $0x0  }
0xa0: {  	[sflag:s22] =	ssyncadd.s32 s4;
	_ =	sdelay $0x1  }
0xa1: {  	s23 =	simm.s32 $0x1B8B  }
0xa2: {  	_ =	swait.ge [sflag:s23], $0x1  }
0xa3: {  	[sflag:s23] =	ssyncset.done $0x0  }
0xa4: {  	s25 =	simm.s32 $0x1B8E;
	s24 =	sld [smem:$0x3FFE];
	[sflag:s23] =	ssyncadd.s32 $0xFFFFFFFF  }
0xa5: {  	s26 =	simm.s32 $execute0_lowered;
	[smem:$0x3FD2] =	sst s25  }
0xa6: {  	s5 =	sshll.u32 s26, $0x1;
	_ =	strace $0x8000004C;
	[dreg:$0x1] =	wrdreg $0xFFFFFFFF  }
0xa7: {  	s28 =	simm.s32 $_size_execute0_lowered;
	s3 =	sadd.s32 s3, s5;
	[dreg:$0x0] =	wrdreg $0x0  }
0xa8: {  	s5 =	sshll.u32 s28, $0x1;
	[dreg:$0x2] =	wrdreg s3  }
0xa9: {  	[dreg:$0x3] =	wrdreg s5  }
0xaa: {  	[dreg:$0x4] =	wrdreg $0xC0  }
0xab: {  	_ =	task [dreg:s7], $0x5FFFF  }
0xac: {  	[dreg:$0x1] =	wrdreg $0xFFFFFFFF  }
0xad: {  	[dreg:$0x0] =	wrdreg $0x60  }
0xae: {  	[dreg:$0x2] =	wrdreg s2  }
0xaf: {  	[dreg:$0x3] =	wrdreg s24  }
0xb0: {  	[dreg:$0x4] =	wrdreg $0x7E000  }
0xb1: {  	[dreg:$0x5] =	wrdreg $0x9  }
0xb2: {  	_ =	task.clear_ibuf [dreg:s7], $0x6FFFF;
	_ =	strace $0x9000004C  }
0xb3: {  	s29 =	simm.s32 $0x9;
	_ =	strace $0x8000004E  }
0xb4: {  	_ =	swait.ge [sflag:s29], $0x1  }
0xb5: {  	[sflag:s29] =	ssyncadd.s32 $0xFFFFFFFF  }
0xb6: {  	_ =	strace $0x9000004E  }
0xb7: {  	_ =	sfence  }
0xb8: {  	s30 =	sld [smem:$0x0];
	_ =	sdelay $0x2  }
0xb9: {  	s31 =	sshll.u32 s1, $0xD;
	s1 =	sshrl.u32 s1, $0x2  }
0xba: {  	s3 =	sand.u32 $0x4000, s31;
	s1 =	sadd.s32 s1, s30  }
0xbb: {  	s0 =	sor.u32 s3, s0;
	s1 =	sshll.u32 s1, $0x11  }
0xbc: {  	s0 =	sor.u32 s1, s0  }
0xbd: {  	s0 =	sadd.s32 $0x8F2B, s0  }
0xbe: {  	[sflag:s0] =	ssyncadd.remote.s32 $0x1  }
0xbf: {  	_ =	sfence.sel $0xFFFF  }
0xc0: {  	[dreg:$0x0] =	wrdreg $0xFFFFFFFF;
	(pc) =	sbr.abs _section_cstart, $3  }
0xc1: {  	[dreg:$0x1] =	wrdreg $0xFFFFFFFF  }
0xc2: {  	_ =	task.clear_ibuf [dreg:s7], $0x2FFFF;
	_ =	strace $0x9FFFFFFF  }
0xc3: {  	(tm) =	ssettm $0x7FFFFFFF  }
tec
execute0_lowered:
.L_overlay_start_1:
0x0: {  	(tag) =	ssettag $0x1  }
0x1: {  	s1 =	rddreg [dreg:$0x0]  }
0x2: {  	s0 =	rddreg [dreg:$0x1]  }
0x3: {  	s2 =	rddreg [dreg:$0x2];
	s3 =	simm.s32 $0x0  }
0x4: {  	s4 =	srdreg.scid;
	s12 =	stileid.u32;
	s28 =	simm.s32 $0x13  }
0x5: {  	s29 =	simm.s32 $0x300;
	s30 =	simm.s32 $0x480;
	s31 =	simm.s32 $0x200  }
0x6: {  	[smem:$0x7FF] =	sst s3;
	s13 =	sadd.s32 $0x2000, s0;
	s14 =	sadd.s32 $0xBE00, s0  }
0x7: {  	s4 =	sand.u32 $0x1, s4;
	s5 =	sshll.u32 s12, $0x1;
	s7 =	smul.u32 $0x4E000, s12  }
0x8: {  	s8 =	sadd.s32 $0x8B200, s0;
	s0 =	sadd.s32 $0x3CE00, s0;
	s25 =	smul.u32 $0x2700, s12  }
0x9: {  	s9 =	sshll.u32 s12, $0x6;
	s23 =	smul.u32 $0x4E20, s12;
	_ =	strace $0x8000004D  }
0xa: {  	s6 =	ssub.s32 $0x2, s4;
	[dreg:$0x6] =	wrdreg s8;
	s20 =	smul.u32 $0x27100, s4  }
0xb: {  	s5 =	sor.u32 s4, s5;
	s21 =	smul.u32 $0x138800, s4;
	[dreg:$0x5] =	wrdreg s14  }
0xc: {  	s26 =	sor.u32 $0x1C13, s9;
	s4 =	smul.u32 $0x2710, s4;
	[dreg:$0x4] =	wrdreg s13  }
0xd: {  	s24 =	sshrl.u32 s6, $0x1;
	s5 =	smul.u32 $0x2710, s5;
	s7 =	sshrl.u32 s7, $0x2  }
0xe: {  	[dreg:$0x8] =	wrdreg s26;
	s6 =	ssub.s32 s6, s24;
	s7 =	sadd.s32 s7, s2  }
0xf: {  	s8 =	sadd.s32 s25, s20;
	s4 =	sadd.s32 s4, s23;
	s15 =	sadd.s32 $0x28, s5  }
0x10: {  	[dreg:$0x7] =	wrdreg s7;
	s8 =	sadd.s32 s0, s8;
	s7 =	sshrl.u32 s15, $0x3  }
0x11: {  	s10 =	sshrl.u32 s5, $0x3;
	[dreg:$0x10] =	wrdreg s8;
	s16 =	sadd.s32 s13, s7  }
0x12: {  	s17 =	sadd.s32 $0xA, s10;
	s7 =	sadd.s32 s14, s7;
	[dreg:$0x9] =	wrdreg s16  }
0x13: {  	s19 =	sadd.s32 $0x78, s5;
	s18 =	sadd.s32 s13, s17;
	[dreg:$0xa] =	wrdreg s7  }
0x14: {  	s22 =	sadd.s32 $0x14, s10;
	s9 =	sadd.s32 s14, s17;
	[dreg:$0xb] =	wrdreg s18  }
0x15: {  	s24 =	sadd.s32 $0xC8, s5;
	s15 =	sadd.s32 s13, s22;
	[dreg:$0xc] =	wrdreg s9  }
0x16: {  	s25 =	sadd.s32 s14, s22;
	s17 =	sadd.s32 s13, s10;
	[dreg:$0xf] =	wrdreg s15  }
0x17: {  	s7 =	sshrl.u32 s19, $0x3;
	[dreg:$0x11] =	wrdreg s25;
	s16 =	sadd.s32 $0x2698, s5  }
0x18: {  	[dreg:$0x16] =	wrdreg s17;
	s18 =	sadd.s32 s14, s10;
	s19 =	sadd.s32 $0x4D8, s10  }
0x19: {  	s5 =	sadd.s32 $0x26E8, s5;
	s11 =	sadd.s32 s13, s7;
	[dreg:$0x17] =	wrdreg s18  }
0x1a: {  	s17 =	sadd.s32 $0x140, s4;
	s7 =	sadd.s32 s14, s7;
	[dreg:$0xd] =	wrdreg s11  }
0x1b: {  	s5 =	sshrl.u32 s5, $0x3;
	s22 =	sadd.s32 s14, s19;
	[dreg:$0xe] =	wrdreg s7  }
0x1c: {  	s7 =	sshrl.u32 s21, $0x3;
	s21 =	sadd.s32 s13, s19;
	[dreg:$0x1b] =	wrdreg s22  }
0x1d: {  	s11 =	sadd.s32 $0x4CE, s10;
	s23 =	sadd.s32 s13, s5;
	[dreg:$0x1a] =	wrdreg s21  }
0x1e: {  	s5 =	sadd.s32 s14, s5;
	s19 =	sshrl.u32 s17, $0x3;
	[dreg:$0x1c] =	wrdreg s23  }
0x1f: {  	s0 =	sadd.s32 s0, s7;
	s15 =	sadd.s32 s13, s11;
	[dreg:$0x1d] =	wrdreg s5  }
0x20: {  	s7 =	sshrl.u32 s24, $0x3;
	s21 =	sadd.s32 s19, s14;
	[dreg:$0x14] =	wrdreg s15  }
0x21: {  	p0 =	sne.s32 s12, $0xF;
	s9 =	sadd.s32 s13, s7;
	[smem:$0x7F8] =	sst s21  }
0x22: {  	s18 =	sadd.s32 $0x118, s4;
	s7 =	sadd.s32 s14, s7;
	[dreg:$0x12] =	wrdreg s9  }
0x23: {  	s24 =	sadd.s32 $0x1B8, s4;
	s0 =	sadd.s32 $0x27000, s0;
	[dreg:$0x13] =	wrdreg s7  }
0x24: {  	s25 =	sshrl.u32 s24, $0x3;
	s24 =	sadd.s32 $0xF0, s4;
	[dreg:$0x1e] =	wrdreg s0  }
0x25: {  	s21 =	simm.s32 $0x2;
	s7 =	sadd.s32 s14, s11;
	[smem:$0x7FC] =	sst s24  }
0x26: {  	s8 =	sadd.s32 s25, s14;
	s9 =	sadd.s32 $0x190, s4;
	[dreg:$0x15] =	wrdreg s7  }
0x27: {  	s0 =	sadd.s32 s25, s13;
	s11 =	sadd.s32 $0x168, s4;
	[smem:$0x7F2] =	sst s8  }
0x28: {  	s25 =	sadd.s32 $0x138000, s2;
	s7 =	sshrl.u32 s16, $0x3;
	[smem:$0x7F3] =	sst s0  }
0x29: {  	s10 =	sshrl.u32 s9, $0x3;
	s16 =	sshrl.u32 s11, $0x3;
	[smem:$0x7FD] =	sst s25  }
0x2a: {  	s9 =	simm.s32 $0x100;
	s8 =	simm.s32 $0x4;
	s20 =	sadd.s32 s13, s7  }
0x2b: {  	s11 =	simm.s32 $0x5;
	s7 =	sadd.s32 s14, s7;
	[dreg:$0x18] =	wrdreg s20  }
0x2c: {  	s25 =	simm.s32 $0x2E00;
	s15 =	sadd.s32 s10, s14;
	[dreg:$0x19] =	wrdreg s7  }
0x2d: {  	s0 =	sadd.s32 s10, s13;
	s5 =	sadd.s32 s16, s14;
	[smem:$0x7F4] =	sst s15  }
0x2e: {  	s10 =	simm.s32 $0x180;
	s7 =	smax.u32 s6, $0x1;
	[smem:$0x7F5] =	sst s0  }
0x2f: {  	[smem:$0x7F6] =	sst s5;
	s0 =	sadd.s32 s16, s13;
	s20 =	sshrl.u32 s18, $0x3  }
0x30: {  	s6 =	simm.s32 $0x400;
	s5 =	simm.s32 $0x3;
	[dreg:$0x1f] =	wrdreg s7  }
.Ltmp0:
0x31: {  	[smem:$0x7F7] =	sst s0;
	s0 =	sadd.s32 s19, s13;
	(pc) =	sbr.rel .LBB2_1-.Ltmp0, $4  }
0x32: {  	s22 =	sadd.s32 s20, s14;
	s23 =	sadd.s32 s20, s13;
	s7 =	simm.s32 $0x80  }
0x33: {  	s14 =	simm.s32 $0x380;
	s20 =	simm.s32 $0x1;
	[smem:$0x7F9] =	sst s0  }
0x34: {  	s19 =	simm.s32 $0x28;
	s13 =	simm.s32 $0x6;
	[smem:$0x7FA] =	sst s22  }
0x35: {  	[smem:$0x7FB] =	sst s23;
	s23 =	simm.s32 $0x10;
	s0 =	simm.s32 $0x0  }
.LBB2_4:
0x36: {  	s12 =	rddreg [dreg:$0x14]  }
0x37: {  	[tilespmem:s3], [sflag:$0x1] =	stream.linear.gather [hbm4b:s12+s3], $0x28, $0x38;
	[tilespmem:$0x1B680] =	vst v63  }
0x38: {  	s6 =	rddreg [dreg:$0x15];
	s4 =	simm.s32 $0xE  }
0x39: {  	[tilespmem:s29], [sflag:$0x1] =	stream.linear.gather [hbm4b:s6+s3], $0x28, $0x38;
	[tilespmem:$0x1B680] =	vst v63  }
0x3a: {  	_ =	swait.ge [sflag:s4], $0x1400  }
0x3b: {  	[sflag:s4] =	ssyncset.done $0x0  }
0x3c: {  	s26 =	simm.s32 $0x80;
	s7 =	rddreg [dreg:$0x18];
	[sflag:s4] =	ssyncadd.s32 $0xFFFFEC00  }
0x3d: {  	[tilespmem:s26], [sflag:$0x2] =	stream.linear.gather [hbm4b:s7+s3], $0x28, $0x38;
	[tilespmem:$0x1B680] =	vst v63  }
0x3e: {  	s22 =	simm.s32 $0x380;
	s18 =	simm.s32 $0xF;
	s9 =	rddreg [dreg:$0x19]  }
0x3f: {  	[tilespmem:s22], [sflag:$0x2] =	stream.linear.gather [hbm4b:s9+s3], $0x28, $0x38;
	[tilespmem:$0x1B680] =	vst v63  }
0x40: {  	_ =	swait.ge [sflag:s18], $0x1400  }
0x41: {  	[sflag:s18] =	ssyncset.done $0x0  }
0x42: {  	s14 =	simm.s32 $0x100;
	s10 =	rddreg [dreg:$0x1a];
	[sflag:s18] =	ssyncadd.s32 $0xFFFFEC00  }
0x43: {  	[tilespmem:s14], [sflag:$0x3] =	stream.linear.gather [hbm4b:s10+s3], $0x28, $0x38;
	[tilespmem:$0x1B680] =	vst v63  }
0x44: {  	s30 =	simm.s32 $0x400;
	s15 =	rddreg [dreg:$0x1b]  }
0x45: {  	[tilespmem:s30], [sflag:$0x3] =	stream.linear.gather [hbm4b:s15+s3], $0x28, $0x38;
	[tilespmem:$0x1B680] =	vst v63  }
0x46: {  	_ =	swait.ge [sflag:s23], $0x1400  }
0x47: {  	[sflag:s23] =	ssyncset.done $0x0  }
0x48: {  	s6 =	simm.s32 $0x180;
	s16 =	rddreg [dreg:$0x1c];
	[sflag:s23] =	ssyncadd.s32 $0xFFFFEC00  }
0x49: {  	[tilespmem:s6], [sflag:$0x4] =	stream.linear.gather [hbm4b:s16+s3], $0x28, $0x38;
	[tilespmem:$0x1B680] =	vst v63  }
0x4a: {  	s28 =	simm.s32 $0x480;
	s17 =	rddreg [dreg:$0x1d]  }
0x4b: {  	[tilespmem:s28], [sflag:$0x4] =	stream.linear.gather [hbm4b:s17+s3], $0x28, $0x38;
	[tilespmem:$0x1B680] =	vst v63  }
0x4c: {  	_ =	swait.ge [sflag:s20], $0x28  }
0x4d: {  	[sflag:s20] =	ssyncset.done $0x0  }
0x4e: {  	[sflag:s20] =	ssyncadd.s32 $0xFFFFFFD8  }
0x4f: {  	_ =	swait.ge [sflag:s20], $0x28  }
0x50: {  	[sflag:s20] =	ssyncset.done $0x0  }
0x51: {  	s24 =	simm.s32 $0x600;
	[sflag:s20] =	ssyncadd.s32 $0xFFFFFFD8  }
0x52: {  	[tilespmem:s24], [sflag:$0x7] =	stream.indirect.gather [hbm4b:s1+s19], $0x80, s3, s19, $0xb8;
	[tilespmem:$0x1B680] =	vst v63  }
0x53: {  	_ =	swait.ge [sflag:s21], $0x28  }
0x54: {  	[sflag:s21] =	ssyncset.done $0x0  }
0x55: {  	[sflag:s21] =	ssyncadd.s32 $0xFFFFFFD8  }
0x56: {  	_ =	swait.ge [sflag:s21], $0x28  }
0x57: {  	[sflag:s21] =	ssyncset.done $0x0  }
0x58: {  	s15 =	simm.s32 $0x1A00;
	[sflag:s21] =	ssyncadd.s32 $0xFFFFFFD8  }
0x59: {  	[tilespmem:s15], [sflag:$0x8] =	stream.indirect.gather [hbm4b:s1+s19], $0x80, s26, s19, $0xb8;
	[tilespmem:$0x1B680] =	vst v63  }
0x5a: {  	_ =	swait.ge [sflag:s5], $0x28  }
0x5b: {  	[sflag:s5] =	ssyncset.done $0x0  }
0x5c: {  	[sflag:s5] =	ssyncadd.s32 $0xFFFFFFD8  }
0x5d: {  	_ =	swait.ge [sflag:s5], $0x28  }
0x5e: {  	[sflag:s5] =	ssyncset.done $0x0  }
0x5f: {  	s16 =	simm.s32 $0x2E00;
	[sflag:s5] =	ssyncadd.s32 $0xFFFFFFD8  }
0x60: {  	[tilespmem:s16], [sflag:$0x9] =	stream.indirect.gather [hbm4b:s1+s19], $0x80, s14, s19, $0xb8;
	[tilespmem:$0x1B680] =	vst v63  }
0x61: {  	_ =	swait.ge [sflag:s8], $0x28  }
0x62: {  	[sflag:s8] =	ssyncset.done $0x0  }
0x63: {  	[sflag:s8] =	ssyncadd.s32 $0xFFFFFFD8  }
0x64: {  	_ =	swait.ge [sflag:s8], $0x28  }
0x65: {  	[sflag:s8] =	ssyncset.done $0x0  }
0x66: {  	s0 =	simm.s32 $0x7;
	s17 =	simm.s32 $0x4200;
	[sflag:s8] =	ssyncadd.s32 $0xFFFFFFD8  }
0x67: {  	[tilespmem:s17], [sflag:$0xA] =	stream.indirect.gather [hbm4b:s1+s19], $0x80, s6, s19, $0xb8;
	[tilespmem:$0x1B680] =	vst v63  }
0x68: {  	_ =	swait.ge [sflag:s0], $0x1400  }
0x69: {  	[sflag:s0] =	ssyncset.done $0x0  }
0x6a: {  	s14 =	simm.s32 $0x8;
	[sflag:s0] =	ssyncadd.s32 $0xFFFFEC00  }
0x6b: {  	[spmem:s2] =	stream.indirect.scatter.add.f32 [tilespmem:s24], [sflag:$0xD], $0x80, s29, s19, $0xb8;
	[tilespmem:$0x1B680] =	vst v63  }
0x6c: {  	_ =	swait.ge [sflag:s14], $0x1400  }
0x6d: {  	[sflag:s14] =	ssyncset.done $0x0  }
0x6e: {  	s24 =	simm.s32 $0x9;
	[sflag:s14] =	ssyncadd.s32 $0xFFFFEC00  }
0x6f: {  	[spmem:s2] =	stream.indirect.scatter.add.f32 [tilespmem:s15], [sflag:$0xE], $0x80, s22, s19, $0xb8;
	[tilespmem:$0x1B680] =	vst v63  }
0x70: {  	_ =	swait.ge [sflag:s24], $0x1400  }
0x71: {  	[sflag:s24] =	ssyncset.done $0x0  }
0x72: {  	s26 =	simm.s32 $0xA;
	[sflag:s24] =	ssyncadd.s32 $0xFFFFEC00  }
0x73: {  	[spmem:s2] =	stream.indirect.scatter.add.f32 [tilespmem:s16], [sflag:$0xF], $0x80, s30, s19, $0xb8;
	[tilespmem:$0x1B680] =	vst v63  }
0x74: {  	_ =	swait.ge [sflag:s26], $0x1400  }
0x75: {  	[sflag:s26] =	ssyncset.done $0x0  }
0x76: {  	s12 =	simm.s32 $0xD;
	[sflag:s26] =	ssyncadd.s32 $0xFFFFEC00  }
0x77: {  	[spmem:s2] =	stream.indirect.scatter.add.f32 [tilespmem:s17], [sflag:$0x10], $0x80, s28, s19, $0xb8;
	[tilespmem:$0x1B680] =	vst v63  }
0x78: {  	_ =	swait.ge [sflag:s12], $0x1400  }
0x79: {  	[sflag:s12] =	ssyncset.done $0x0  }
0x7a: {  	[sflag:s12] =	ssyncadd.s32 $0xFFFFEC00  }
0x7b: {  	_ =	swait.ge [sflag:s4], $0x1400  }
0x7c: {  	[sflag:s4] =	ssyncset.done $0x0  }
0x7d: {  	[sflag:s4] =	ssyncadd.s32 $0xFFFFEC00  }
0x7e: {  	_ =	swait.ge [sflag:s18], $0x1400  }
0x7f: {  	[sflag:s18] =	ssyncset.done $0x0  }
0x80: {  	[sflag:s18] =	ssyncadd.s32 $0xFFFFEC00  }
0x81: {  	_ =	swait.ge [sflag:s23], $0x1400  }
0x82: {  	[sflag:s23] =	ssyncset.done $0x0  }
0x83: {  	s15 =	simm.s32 $0x11;
	[sflag:s23] =	ssyncadd.s32 $0xFFFFEC00  }
0x84: {  	_ =	swait.ge [sflag:s15], $0x1400  }
0x85: {  	[sflag:s15] =	ssyncset.done $0x0  }
0x86: {  	s16 =	simm.s32 $0x12;
	[sflag:s15] =	ssyncadd.s32 $0xFFFFEC00  }
0x87: {  	_ =	swait.ge [sflag:s16], $0x1400  }
0x88: {  	[sflag:s16] =	ssyncset.done $0x0  }
0x89: {  	[sflag:s16] =	ssyncadd.s32 $0xFFFFEC00  }
0x8a: {  	[bflag:$0x0] =	sbarrier.arrive $0xFFFF  }
0x8b: {  	s18 =	sld [smem:$0x7F0]  }
0x8c: {  	s26 =	rddreg [dreg:$0x8]  }
0x8d: {  	s22 =	simm.s32 $0x13;
	s17 =	rddreg [dreg:$0x10]  }
0x8e: {  	[hbm:s17], [sflag:s26] =	dma.local [spmem:s18], $0x2700  }
0x8f: {  	_ =	swait.ge [sflag:s22], $0x2700  }
0x90: {  	s0 =	sld [smem:$0x7F1]  }
0x91: {  	[sflag:s22] =	ssyncset.done $0x0  }
0x92: {  	s12 =	rddreg [dreg:$0x1e];
	[sflag:s22] =	ssyncadd.s32 $0xFFFFD900  }
0x93: {  	[hbm:s12], [sflag:s26] =	dma.local @!p0 [spmem:s0], $0x100  }
0x94: {  	s12 =	simm.s32 @!p0 $0x13  }
0x95: {  	_ =	swait.ge @!p0 [sflag:s12], $0x100  }
0x96: {  	s24 =	sld [smem:$0x7EF];
	_ =	sdelay $0x2  }
0x97: {  	s28 =	rddreg [dreg:$0x1f];
	s0 =	sadd.s32 $0x1, s24  }
0x98: {  	p1 =	sne.s32 s0, s28  }
.Ltmp1:
0x99: {  	_ = 	snop;
	(pc) =	sbr.rel @!p1 .LBB2_5-.Ltmp1, $4  }
0x9a: {  	_ = 	snop  }
0x9b: {  	s7 =	simm.s32 $0x80;
	s9 =	simm.s32 $0x100;
	s10 =	simm.s32 $0x180  }
0x9c: {  	s6 =	simm.s32 $0x400;
	s14 =	simm.s32 $0x380;
	[sflag:s12] =	ssyncset.done @!p0 $0x0  }
0x9d: {  	s30 =	simm.s32 $0x480;
	[sflag:s12] =	ssyncadd.s32 @!p0 $0xFFFFFF00;
	s28 =	simm.s32 $0x13  }
.LBB2_1:
0x9e: {  	[smem:$0x7EF] =	sst s0  }
0x9f: {  	s12 =	rddreg [dreg:$0x7]  }
0xa0: {  	s18 =	sshrl.u32 s12, $0x3;
	s12 =	rddreg [dreg:$0x6]  }
0xa1: {  	[smem:$0x7F0] =	sst s18  }
0xa2: {  	[spmem:s18], [sflag:s26] =	dma.local [hbm:s12], $0x2700  }
0xa3: {  	_ =	swait.ge [sflag:s28], $0x2700  }
0xa4: {  	[sflag:s28] =	ssyncset.done $0x0  }
0xa5: {  	[sflag:s28] =	ssyncadd.s32 $0xFFFFD900;
	s28 =	sld [smem:$0x7FD];
	_ =	sdelay $0x2  }
0xa6: {  	s0 =	sshrl.u32 @!p0 s28, $0x3  }
0xa7: {  	[smem:$0x7F1] =	sst s0  }
0xa8: {  	[spmem:s0], [sflag:s26] =	dma.local @!p0 [hbm:s12], $0x100  }
0xa9: {  	s26 =	simm.s32 @!p0 $0x13  }
0xaa: {  	_ =	swait.ge @!p0 [sflag:s26], $0x100  }
0xab: {  	[sflag:s26] =	ssyncset.done @!p0 $0x0  }
0xac: {  	[sflag:s26] =	ssyncadd.s32 @!p0 $0xFFFFFF00  }
0xad: {  	[bflag:$0x0] =	sbarrier.arrive $0xFFFF  }
0xae: {  	s22 =	rddreg [dreg:$0x16]  }
0xaf: {  	[tilespmem:s3], [sflag:$0x1] =	stream.linear.gather [hbm4b:s22+s3], $0x28, $0x38;
	[tilespmem:$0x1B680] =	vst v63  }
0xb0: {  	s24 =	rddreg [dreg:$0x17]  }
0xb1: {  	[tilespmem:s29], [sflag:$0x1] =	stream.linear.gather [hbm4b:s24+s3], $0x28, $0x38;
	[tilespmem:$0x1B680] =	vst v63  }
0xb2: {  	s26 =	rddreg [dreg:$0x9]  }
0xb3: {  	[tilespmem:s7], [sflag:$0x2] =	stream.linear.gather [hbm4b:s26+s3], $0x28, $0x38;
	[tilespmem:$0x1B680] =	vst v63  }
0xb4: {  	s0 =	rddreg [dreg:$0xa]  }
0xb5: {  	[tilespmem:s14], [sflag:$0x2] =	stream.linear.gather [hbm4b:s0+s3], $0x28, $0x38;
	[tilespmem:$0x1B680] =	vst v63  }
0xb6: {  	s4 =	rddreg [dreg:$0xb]  }
0xb7: {  	[tilespmem:s9], [sflag:$0x3] =	stream.linear.gather [hbm4b:s4+s3], $0x28, $0x38;
	[tilespmem:$0x1B680] =	vst v63  }
0xb8: {  	s15 =	rddreg [dreg:$0xc]  }
0xb9: {  	[tilespmem:s6], [sflag:$0x3] =	stream.linear.gather [hbm4b:s15+s3], $0x28, $0x38;
	[tilespmem:$0x1B680] =	vst v63  }
0xba: {  	s16 =	rddreg [dreg:$0xd]  }
0xbb: {  	[tilespmem:s10], [sflag:$0x4] =	stream.linear.gather [hbm4b:s16+s3], $0x28, $0x38;
	[tilespmem:$0x1B680] =	vst v63  }
0xbc: {  	s17 =	rddreg [dreg:$0xe]  }
0xbd: {  	[tilespmem:s30], [sflag:$0x4] =	stream.linear.gather [hbm4b:s17+s3], $0x28, $0x38;
	[tilespmem:$0x1B680] =	vst v63  }
0xbe: {  	s18 =	rddreg [dreg:$0xf]  }
0xbf: {  	[tilespmem:s31], [sflag:$0x5] =	stream.linear.gather [hbm4b:s18+s3], $0x28, $0x38;
	[tilespmem:$0x1B680] =	vst v63  }
0xc0: {  	s22 =	rddreg [dreg:$0x11];
	s15 =	simm.s32 $0x500  }
0xc1: {  	[tilespmem:s15], [sflag:$0x5] =	stream.linear.gather [hbm4b:s22+s3], $0x28, $0x38;
	[tilespmem:$0x1B680] =	vst v63  }
0xc2: {  	s24 =	rddreg [dreg:$0x12];
	s16 =	simm.s32 $0x280  }
0xc3: {  	[tilespmem:s16], [sflag:$0x6] =	stream.linear.gather [hbm4b:s24+s3], $0x28, $0x38;
	[tilespmem:$0x1B680] =	vst v63  }
0xc4: {  	s26 =	rddreg [dreg:$0x13];
	s24 =	simm.s32 $0x580  }
0xc5: {  	[tilespmem:s24], [sflag:$0x6] =	stream.linear.gather [hbm4b:s26+s3], $0x28, $0x38;
	[tilespmem:$0x1B680] =	vst v63  }
0xc6: {  	s28 =	simm.s32 $0x0;
	s12 =	simm.s32 $0x580;
	s26 =	sld [smem:$0x7FC]  }
.LBB2_2:
0xc7: {  	_ =	swait.ge [sflag:s20], $0x28  }
0xc8: {  	[sflag:s20] =	ssyncset.done $0x0  }
0xc9: {  	[sflag:s20] =	ssyncadd.s32 $0xFFFFFFD8  }
0xca: {  	_ =	swait.ge [sflag:s20], $0x28  }
0xcb: {  	[sflag:s20] =	ssyncset.done $0x0  }
0xcc: {  	s24 =	simm.s32 $0x600;
	[sflag:s20] =	ssyncadd.s32 $0xFFFFFFD8  }
0xcd: {  	[tilespmem:s24], [sflag:$0x7] =	stream.indirect.gather [hbm4b:s1+s19], $0x80, s3, s19, $0xb8;
	[tilespmem:$0x1B680] =	vst v63  }
0xce: {  	_ =	swait.ge [sflag:s21], $0x28  }
0xcf: {  	[sflag:s21] =	ssyncset.done $0x0  }
0xd0: {  	[sflag:s21] =	ssyncadd.s32 $0xFFFFFFD8  }
0xd1: {  	_ =	swait.ge [sflag:s21], $0x28  }
0xd2: {  	[sflag:s21] =	ssyncset.done $0x0  }
0xd3: {  	s17 =	simm.s32 $0x1A00;
	[sflag:s21] =	ssyncadd.s32 $0xFFFFFFD8  }
0xd4: {  	[tilespmem:s17], [sflag:$0x8] =	stream.indirect.gather [hbm4b:s1+s19], $0x80, s7, s19, $0xb8;
	[tilespmem:$0x1B680] =	vst v63  }
0xd5: {  	_ =	swait.ge [sflag:s5], $0x28  }
0xd6: {  	[sflag:s5] =	ssyncset.done $0x0  }
0xd7: {  	[sflag:s5] =	ssyncadd.s32 $0xFFFFFFD8  }
0xd8: {  	_ =	swait.ge [sflag:s5], $0x28  }
0xd9: {  	[sflag:s5] =	ssyncset.done $0x0  }
0xda: {  	[sflag:s5] =	ssyncadd.s32 $0xFFFFFFD8  }
0xdb: {  	[tilespmem:s25], [sflag:$0x9] =	stream.indirect.gather [hbm4b:s1+s19], $0x80, s9, s19, $0xb8;
	[tilespmem:$0x1B680] =	vst v63  }
0xdc: {  	_ =	swait.ge [sflag:s8], $0x28  }
0xdd: {  	[sflag:s8] =	ssyncset.done $0x0  }
0xde: {  	[sflag:s8] =	ssyncadd.s32 $0xFFFFFFD8  }
0xdf: {  	_ =	swait.ge [sflag:s8], $0x28  }
0xe0: {  	[sflag:s8] =	ssyncset.done $0x0  }
0xe1: {  	s18 =	simm.s32 $0x4200;
	[sflag:s8] =	ssyncadd.s32 $0xFFFFFFD8  }
0xe2: {  	[tilespmem:s18], [sflag:$0xA] =	stream.indirect.gather [hbm4b:s1+s19], $0x80, s10, s19, $0xb8;
	[tilespmem:$0x1B680] =	vst v63  }
0xe3: {  	_ =	swait.ge [sflag:s11], $0x28  }
0xe4: {  	[sflag:s11] =	ssyncset.done $0x0  }
0xe5: {  	[sflag:s11] =	ssyncadd.s32 $0xFFFFFFD8  }
0xe6: {  	_ =	swait.ge [sflag:s11], $0x28  }
0xe7: {  	[sflag:s11] =	ssyncset.done $0x0  }
0xe8: {  	s0 =	simm.s32 $0x5600;
	[sflag:s11] =	ssyncadd.s32 $0xFFFFFFD8  }
0xe9: {  	[tilespmem:s0], [sflag:$0xB] =	stream.indirect.gather [hbm4b:s1+s19], $0x80, s31, s19, $0xb8;
	[tilespmem:$0x1B680] =	vst v63  }
0xea: {  	_ =	swait.ge [sflag:s13], $0x28  }
0xeb: {  	[sflag:s13] =	ssyncset.done $0x0  }
0xec: {  	[sflag:s13] =	ssyncadd.s32 $0xFFFFFFD8  }
0xed: {  	_ =	swait.ge [sflag:s13], $0x28  }
0xee: {  	[sflag:s13] =	ssyncset.done $0x0  }
0xef: {  	s22 =	simm.s32 $0x6A00;
	s4 =	simm.s32 $0x7;
	[sflag:s13] =	ssyncadd.s32 $0xFFFFFFD8  }
0xf0: {  	[tilespmem:s22], [sflag:$0xC] =	stream.indirect.gather [hbm4b:s1+s19], $0x80, s16, s19, $0xb8;
	[tilespmem:$0x1B680] =	vst v63  }
0xf1: {  	_ =	swait.ge [sflag:s4], $0x1400  }
0xf2: {  	[sflag:s4] =	ssyncset.done $0x0  }
0xf3: {  	[sflag:s4] =	ssyncadd.s32 $0xFFFFEC00  }
0xf4: {  	[spmem:s2] =	stream.indirect.scatter.add.f32 [tilespmem:s24], [sflag:$0xD], $0x80, s29, s19, $0xb8;
	[tilespmem:$0x1B680] =	vst v63  }
0xf5: {  	s24 =	simm.s32 $0x8  }
0xf6: {  	_ =	swait.ge [sflag:s24], $0x1400  }
0xf7: {  	[sflag:s24] =	ssyncset.done $0x0  }
0xf8: {  	[sflag:s24] =	ssyncadd.s32 $0xFFFFEC00  }
0xf9: {  	[spmem:s2] =	stream.indirect.scatter.add.f32 [tilespmem:s17], [sflag:$0xE], $0x80, s14, s19, $0xb8;
	[tilespmem:$0x1B680] =	vst v63  }
0xfa: {  	s17 =	simm.s32 $0x9  }
0xfb: {  	_ =	swait.ge [sflag:s17], $0x1400  }
0xfc: {  	[sflag:s17] =	ssyncset.done $0x0  }
0xfd: {  	s24 =	simm.s32 $0xA;
	[sflag:s17] =	ssyncadd.s32 $0xFFFFEC00  }
0xfe: {  	[spmem:s2] =	stream.indirect.scatter.add.f32 [tilespmem:s25], [sflag:$0xF], $0x80, s6, s19, $0xb8;
	[tilespmem:$0x1B680] =	vst v63  }
0xff: {  	_ =	swait.ge [sflag:s24], $0x1400  }
0x100: {  	[sflag:s24] =	ssyncset.done $0x0  }
0x101: {  	s17 =	simm.s32 $0xB;
	[sflag:s24] =	ssyncadd.s32 $0xFFFFEC00  }
0x102: {  	[spmem:s2] =	stream.indirect.scatter.add.f32 [tilespmem:s18], [sflag:$0x10], $0x80, s30, s19, $0xb8;
	[tilespmem:$0x1B680] =	vst v63  }
0x103: {  	_ =	swait.ge [sflag:s17], $0x1400  }
0x104: {  	[sflag:s17] =	ssyncset.done $0x0  }
0x105: {  	s18 =	simm.s32 $0xC;
	[sflag:s17] =	ssyncadd.s32 $0xFFFFEC00  }
0x106: {  	[spmem:s2] =	stream.indirect.scatter.add.f32 [tilespmem:s0], [sflag:$0x11], $0x80, s15, s19, $0xb8;
	[tilespmem:$0x1B680] =	vst v63  }
0x107: {  	_ =	swait.ge [sflag:s18], $0x1400  }
0x108: {  	p1 =	seq.s32 s28, $0x4B0;
	[sflag:s18] =	ssyncset.done $0x0  }
.Ltmp2:
0x109: {  	s24 =	simm.s32 $0xD;
	[sflag:s18] =	ssyncadd.s32 $0xFFFFEC00;
	(pc) =	sbr.rel @p1 .LBB2_4-.Ltmp2, $4  }
0x10a: {  	[spmem:s2] =	stream.indirect.scatter.add.f32 [tilespmem:s22], [sflag:$0x12], $0x80, s12, s19, $0xb8;
	[tilespmem:$0x1B680] =	vst v63  }
0x10b: {  	_ =	swait.ge [sflag:s24], $0x1400  }
0x10c: {  	[sflag:s24] =	ssyncset.done $0x0  }
0x10d: {  	[sflag:s24] =	ssyncadd.s32 $0xFFFFEC00;
	s24 =	simm.s32 $0x580  }
0x10e: {  	s29 =	sshrl.u32 s26, $0x3;
	s12 =	rddreg [dreg:$0x4]  }
0x10f: {  	s4 =	rddreg [dreg:$0x5];
	s12 =	sadd.s32 s12, s29  }
0x110: {  	[tilespmem:s3], [sflag:$0x1] =	stream.linear.gather [hbm4b:s12+s3], $0x28, $0x38;
	[tilespmem:$0x1B680] =	vst v63  }
0x111: {  	s0 =	simm.s32 $0xE;
	s12 =	sadd.s32 s4, s29;
	s29 =	simm.s32 $0x300  }
0x112: {  	[tilespmem:s29], [sflag:$0x1] =	stream.linear.gather [hbm4b:s12+s3], $0x28, $0x38;
	[tilespmem:$0x1B680] =	vst v63  }
0x113: {  	_ =	swait.ge [sflag:s0], $0x1400  }
0x114: {  	s17 =	sld [smem:$0x7FB];
	_ =	sdelay $0x1  }
0x115: {  	[sflag:s0] =	ssyncset.done $0x0;
	s18 =	sld [smem:$0x7FA]  }
0x116: {  	[sflag:s0] =	ssyncadd.s32 $0xFFFFEC00;
	s12 =	sadd.s32 s28, s17  }
0x117: {  	[tilespmem:s7], [sflag:$0x2] =	stream.linear.gather [hbm4b:s12+s3], $0x28, $0x38;
	[tilespmem:$0x1B680] =	vst v63  }
0x118: {  	s22 =	simm.s32 $0xF;
	s12 =	sadd.s32 s28, s18  }
0x119: {  	[tilespmem:s14], [sflag:$0x2] =	stream.linear.gather [hbm4b:s12+s3], $0x28, $0x38;
	[tilespmem:$0x1B680] =	vst v63  }
0x11a: {  	_ =	swait.ge [sflag:s22], $0x1400  }
0x11b: {  	s0 =	sld [smem:$0x7F9];
	_ =	sdelay $0x1  }
0x11c: {  	[sflag:s22] =	ssyncset.done $0x0;
	s4 =	sld [smem:$0x7F8]  }
0x11d: {  	[sflag:s22] =	ssyncadd.s32 $0xFFFFEC00;
	s12 =	sadd.s32 s28, s0  }
0x11e: {  	[tilespmem:s9], [sflag:$0x3] =	stream.linear.gather [hbm4b:s12+s3], $0x28, $0x38;
	[tilespmem:$0x1B680] =	vst v63  }
0x11f: {  	s12 =	sadd.s32 s28, s4  }
0x120: {  	[tilespmem:s6], [sflag:$0x3] =	stream.linear.gather [hbm4b:s12+s3], $0x28, $0x38;
	[tilespmem:$0x1B680] =	vst v63  }
0x121: {  	_ =	swait.ge [sflag:s23], $0x1400  }
0x122: {  	s17 =	sld [smem:$0x7F7];
	_ =	sdelay $0x1  }
0x123: {  	[sflag:s23] =	ssyncset.done $0x0;
	s18 =	sld [smem:$0x7F6]  }
0x124: {  	[sflag:s23] =	ssyncadd.s32 $0xFFFFEC00;
	s12 =	sadd.s32 s28, s17  }
0x125: {  	[tilespmem:s10], [sflag:$0x4] =	stream.linear.gather [hbm4b:s12+s3], $0x28, $0x38;
	[tilespmem:$0x1B680] =	vst v63  }
0x126: {  	s22 =	simm.s32 $0x11;
	s12 =	sadd.s32 s28, s18  }
0x127: {  	[tilespmem:s30], [sflag:$0x4] =	stream.linear.gather [hbm4b:s12+s3], $0x28, $0x38;
	[tilespmem:$0x1B680] =	vst v63  }
0x128: {  	_ =	swait.ge [sflag:s22], $0x1400  }
0x129: {  	s0 =	sld [smem:$0x7F5];
	_ =	sdelay $0x1  }
0x12a: {  	[sflag:s22] =	ssyncset.done $0x0;
	s4 =	sld [smem:$0x7F4]  }
0x12b: {  	[sflag:s22] =	ssyncadd.s32 $0xFFFFEC00;
	s12 =	sadd.s32 s28, s0  }
0x12c: {  	[tilespmem:s31], [sflag:$0x5] =	stream.linear.gather [hbm4b:s12+s3], $0x28, $0x38;
	[tilespmem:$0x1B680] =	vst v63  }
0x12d: {  	s17 =	simm.s32 $0x12;
	s12 =	sadd.s32 s28, s4  }
0x12e: {  	[tilespmem:s15], [sflag:$0x5] =	stream.linear.gather [hbm4b:s12+s3], $0x28, $0x38;
	[tilespmem:$0x1B680] =	vst v63  }
0x12f: {  	_ =	swait.ge [sflag:s17], $0x1400  }
0x130: {  	s18 =	sld [smem:$0x7F3];
	_ =	sdelay $0x1  }
0x131: {  	[sflag:s17] =	ssyncset.done $0x0;
	s22 =	sld [smem:$0x7F2]  }
.Ltmp3:
0x132: {  	[sflag:s17] =	ssyncadd.s32 $0xFFFFEC00;
	s12 =	sadd.s32 s28, s18;
	(pc) =	sbr.rel .LBB2_2-.Ltmp3, $4  }
0x133: {  	[tilespmem:s16], [sflag:$0x6] =	stream.linear.gather [hbm4b:s12+s3], $0x28, $0x38;
	[tilespmem:$0x1B680] =	vst v63  }
0x134: {  	s12 =	sadd.s32 s28, s22  }
0x135: {  	[tilespmem:s24], [sflag:$0x6] =	stream.linear.gather [hbm4b:s12+s3], $0x28, $0x38;
	[tilespmem:$0x1B680] =	vst v63  }
0x136: {  	s26 =	sadd.s32 $0xF0, s26;
	s28 =	sadd.s32 $0x1E, s28;
	s12 =	simm.s32 $0x580  }
.LBB2_5:
0x137: {  	_ =	sfence.sel $0x180000  }
0x138: {  	[bflag:$0x0] =	sbarrier.arrive $0xFFFF  }
0x139: {  	_ =	strace $0x9000004D  }
0x13a: {  	s0 =	stileid.u32;
	[bflag:$0x2] =	sbarrier.arrive $0xFFFF  }
0x13b: {  	p0 =	sne.s32 s0, $0x0;
	s0 =	rddreg [dreg:$0x3]  }
0x13c: {  	s0 =	sadd.s32 @!p0 $0x100000, s0  }
0x13d: {  	[sflag:s0] =	ssyncadd.tile.s32 @!p0 $0x1;
	_ =	shalt  }
.Lfunc_end2:
_tile_overlayer_lowered:
.L_overlay_start_2:
0x13e: {  	(tag) =	ssettag $0x2  }
0x13f: {  	s0 =	rddreg [dreg:$0x0];
	s2 =	stileid.u32  }
0x140: {  	s1 =	rddreg [dreg:$0x1];
	p0 =	sne.s32 s2, $0x0  }
0x141: {  	s3 =	rddreg [dreg:$0x2];
	[bflag:$0x3] =	sbarrier.arrive $0xFFFF;
	s2 =	simm.s32 @!p0 $0x1C13  }
0x142: {  	[timem:s3], [sflag:s2] =	dma.local @!p0 [hbm:s0], s1  }
0x143: {  	s0 =	simm.s32 @!p0 $0x13  }
0x144: {  	_ =	swait.ge @!p0 [sflag:s0], s1  }
0x145: {  	s1 =	ssub.s32 @!p0 $0x0, s1;
	[sflag:s0] =	ssyncset.done @!p0 $0x0  }
0x146: {  	[sflag:s0] =	ssyncadd.s32 @!p0 s1  }
0x147: {  	[bflag:$0x3] =	sbarrier.arrive $0xFFFF  }
0x148: {  	_ =	shalt  }

// kernel: kernel.8.cloned.1.call-start
scs
__scs_entry_jumppad:
0x0: {  	(pc) =	sbr.rel $0x88, $3  }
0x1: {  	(tag) =	ssettag $0x0;
	lr =	simm.s32 $0x1  }
0x2: {  	[smem:$0x3F9B] =	sst lr;
	_ =	strace $0xD0000000  }
0x3: {  	_ = 	snop  }
0x4: {  	_ = 	snop  }
0x5: {  	_ = 	snop  }
0x6: {  	_ = 	snop  }
0x7: {  	_ = 	snop  }
__scs_overlays_trampoline_lowered:
0x8: {  	[smem:$0x3FAA] =	sst s0  }
0x9: {  	[smem:$0x3FAB] =	sst s1  }
0xa: {  	[smem:$0x3FAC] =	sst s2  }
0xb: {  	[smem:$0x3FAD] =	sst s3  }
0xc: {  	[smem:$0x3FAE] =	sst s4  }
0xd: {  	[smem:$0x3FAF] =	sst s5  }
0xe: {  	[smem:$0x3FB0] =	sst s6  }
0xf: {  	[smem:$0x3FB1] =	sst s7  }
0x10: {  	[smem:$0x3FB2] =	sst s8  }
0x11: {  	[smem:$0x3FB3] =	sst s9;
	s0 =	simm.s32 @!p0 $0x0  }
0x12: {  	s1 =	sld [smem:$0x3F99];
	s0 =	simm.s32 @p0 $0x1  }
0x13: {  	[smem:$0x3FB4] =	sst s0;
	s0 =	simm.s32 @!p1 $0x0  }
0x14: {  	s2 =	sld [smem:$0x3F98];
	s0 =	simm.s32 @p1 $0x1  }
0x15: {  	[smem:$0x3FB5] =	sst s0;
	s0 =	simm.s32 @!p2 $0x0  }
0x16: {  	s3 =	sld [smem:$0x3FDB];
	s0 =	simm.s32 @p2 $0x1  }
0x17: {  	s4 =	simm.s32 $0x1BF5;
	[smem:$0x3FB7] =	sst s0  }
0x18: {  	s0 =	sld [smem:$0x3F9A];
	_ =	swait.ge [sflag:s4], $0x0  }
0x19: {  	s7 =	sld [smem:$0x3F9B]  }
0x1a: {  	s8 =	sadd.s32 $0xFFFFE003, lr  }
0x1b: {  	s9 =	sadd.s32 $0xFFFFFEF7, lr;
	s5 =	simm.s32 $0xFFFFFFFF;
	p2 =	slt.u32 s8, $0xFFFFF086  }
0x1c: {  	p1 =	slt.u32 s9, $0xF7A;
	s5 =	simm.s32 @!p2 $0x0  }
0x1d: {  	s5 =	simm.s32 @p1 $0x1;
	p0 =	seq.s32 s7, s2  }
0x1e: {  	s7 =	smul.u32 @!p0 $0xF7A, s2;
	p2 =	seq.s32 @!p0 s5, $0x0  }
0x1f: {  	s9 =	smul.u32 $0xF7A, s1;
	s8 =	simm.s32 @!p0 $0x1BF5;
	p2 =	por !p2, p0  }
0x20: {  	[sflag:s8] =	ssyncset.s32 @!p0 $0xFFFFF086;
	s6 =	sadd.s32 @!p0 s3, s7;
	s7 =	simm.s32 @!p0 $0x108  }
0x21: {  	s3 =	sadd.s32 s3, s9;
	s6 =	sadd.s32 @!p0 $0x88, s6;
	s7 =	simm.s32 @p2 $0x1082  }
0x22: {  	[simem:s7], [sflag:s8] =	dma.local @!p0 [hbm:s6], $0xF7A  }
0x23: {  	s9 =	sor.u32 $0xD0000000, s2;
	s6 =	simm.s32 $0x108;
	_ =	swait.ge @!p0 [sflag:s8], $0x0  }
0x24: {  	s3 =	sadd.s32 $0x88, s3;
	s6 =	simm.s32 @!p1 $0x1082;
	[sflag:s4] =	ssyncset.s32 $0xFFFFF086  }
0x25: {  	[simem:s6], [sflag:s4] =	dma.local [hbm:s3], $0xF7A  }
0x26: {  	[smem:$0x3F9B] =	sst s1;
	(tag) =	ssettag s2;
	_ =	strace s9  }
0x27: {  	s1 =	sld [smem:$0x3FAB]  }
0x28: {  	s2 =	sld [smem:$0x3FAC]  }
0x29: {  	s4 =	sld [smem:$0x3FAE]  }
0x2a: {  	p0 =	seq.s32 s5, $0x0;
	s5 =	sld [smem:$0x3FAF]  }
0x2b: {  	s6 =	sld [smem:$0x3FB0]  }
0x2c: {  	s7 =	sld [smem:$0x3FB1]  }
0x2d: {  	s3 =	simm.s32 $0x108;
	s8 =	sld [smem:$0x3FB2]  }
0x2e: {  	s3 =	simm.s32 @!p0 $0x1082;
	s9 =	sld [smem:$0x3FB3]  }
0x2f: {  	lr =	sadd.s32 s0, s3;
	s0 =	sld [smem:$0x3FAA]  }
0x30: {  	s3 =	sld [smem:$0x3FAD]  }
0x31: {  	[smem:$0x3FB6] =	sst s10  }
0x32: {  	s10 =	sld [smem:$0x3FB4];
	_ =	sdelay $0x3  }
0x33: {  	p0 =	seq.s32 s10, $0x1;
	s10 =	sld [smem:$0x3FB6];
	_ =	sdelay $0x3  }
0x34: {  	[smem:$0x3FB6] =	sst s10  }
0x35: {  	s10 =	sld [smem:$0x3FB5];
	_ =	sdelay $0x3  }
0x36: {  	p1 =	seq.s32 s10, $0x1;
	s10 =	sld [smem:$0x3FB6];
	_ =	sdelay $0x3  }
0x37: {  	[smem:$0x3FB6] =	sst s10  }
0x38: {  	s10 =	sld [smem:$0x3FB7]  }
0x39: {  	_ = 	snop;
	(pc) =	sbr.ind lr, $3  }
0x3a: {  	_ = 	snop  }
0x3b: {  	_ = 	snop  }
0x3c: {  	p2 =	seq.s32 s10, $0x1;
	s10 =	sld [smem:$0x3FB6]  }
0x3d: {  	_ =	shalt  }
0x3e: {  	_ =	shalt  }
0x3f: {  	_ =	shalt  }
0x40: {  	_ =	shalt  }
0x41: {  	_ =	shalt  }
0x42: {  	_ =	shalt  }
0x43: {  	_ =	shalt  }
0x44: {  	_ =	shalt  }
0x45: {  	_ =	shalt  }
0x46: {  	_ =	shalt  }
0x47: {  	_ =	shalt  }
0x48: {  	_ =	shalt  }
0x49: {  	_ =	shalt  }
0x4a: {  	_ =	shalt  }
0x4b: {  	_ =	shalt  }
0x4c: {  	_ =	shalt  }
0x4d: {  	_ =	shalt  }
0x4e: {  	_ =	shalt  }
0x4f: {  	_ =	shalt  }
0x50: {  	_ =	shalt  }
0x51: {  	_ =	shalt  }
0x52: {  	_ =	shalt  }
0x53: {  	_ =	shalt  }
0x54: {  	_ =	shalt  }
0x55: {  	_ =	shalt  }
0x56: {  	_ =	shalt  }
0x57: {  	_ =	shalt  }
0x58: {  	_ =	shalt  }
0x59: {  	_ =	shalt  }
0x5a: {  	_ =	shalt  }
0x5b: {  	_ =	shalt  }
0x5c: {  	_ =	shalt  }
0x5d: {  	_ =	shalt  }
0x5e: {  	_ =	shalt  }
0x5f: {  	_ =	shalt  }
0x60: {  	_ =	shalt  }
0x61: {  	_ =	shalt  }
0x62: {  	_ =	shalt  }
0x63: {  	_ =	shalt  }
0x64: {  	_ =	shalt  }
0x65: {  	_ =	shalt  }
0x66: {  	_ =	shalt  }
0x67: {  	_ =	shalt  }
0x68: {  	_ =	shalt  }
0x69: {  	_ =	shalt  }
0x6a: {  	_ =	shalt  }
0x6b: {  	_ =	shalt  }
0x6c: {  	_ =	shalt  }
0x6d: {  	_ =	shalt  }
0x6e: {  	_ =	shalt  }
0x6f: {  	_ =	shalt  }
0x70: {  	_ =	shalt  }
0x71: {  	_ =	shalt  }
0x72: {  	_ =	shalt  }
0x73: {  	_ =	shalt  }
0x74: {  	_ =	shalt  }
0x75: {  	_ =	shalt  }
0x76: {  	_ =	shalt  }
0x77: {  	_ =	shalt  }
0x78: {  	_ =	shalt  }
0x79: {  	_ =	shalt  }
0x7a: {  	_ =	shalt  }
0x7b: {  	_ =	shalt  }
0x7c: {  	_ =	shalt  }
0x7d: {  	_ =	shalt  }
0x7e: {  	_ =	shalt  }
0x7f: {  	_ =	shalt  }
0x80: {  	_ =	shalt  }
0x81: {  	_ =	shalt  }
0x82: {  	_ =	shalt  }
0x83: {  	_ =	shalt  }
0x84: {  	_ =	shalt  }
0x85: {  	_ =	shalt  }
0x86: {  	_ =	shalt  }
0x87: {  	_ =	shalt  }
.Lfunc_end0:
.L_simem_size_0:
called_computation_lowered:
.L_overlay_start_0:
0x88: {  	s2 =	sld [smem:$0x3FD9]  }
0x89: {  	s3 =	sld [smem:$0x3FFE];
	_ =	sdelay $0x1  }
0x8a: {  	s1 =	srdreg.scid  }
0x8b: {  	s0 =	sand.u32 $0x1, s1  }
0x8c: {  	s17 =	sshll.u32 s0, $0xA;
	s2 =	sadd.s32 s3, s2  }
0x8d: {  	s2 =	sadd.s32 s2, s17  }
0x8e: {  	[smem:$0x3FC2] =	sst s2  }
0x8f: {  	_ = 	snop  }
0x90: {  	s2 =	sld [smem:$0x3FD0];
	(tm) =	ssettm $0x1  }
0x91: {  	s18 =	sld [smem:$0x3FFB];
	_ =	sdelay $0x3  }
0x92: {  	_ =	strace s18  }
0x93: {  	s3 =	sld [smem:$0x3FFC];
	_ =	sdelay $0x3  }
0x94: {  	_ =	strace s3  }
0x95: {  	s3 =	sld [smem:$0x3FFD];
	_ =	sdelay $0x3  }
0x96: {  	_ =	strace s3  }
0x97: {  	_ =	strace $0x8FFFFFFF  }
0x98: {  	s19 =	sld [smem:$0x3FDB];
	_ =	sdelay $0x1  }
0x99: {  	s4 =	simm.s32 $_scs_section_size  }
0x9a: {  	s5 =	simm.s32 $_size__tile_overlayer_lowered;
	s6 =	simm.s32 $_tile_overlayer_lowered  }
0x9b: {  	s22 =	simm.s32 $0x1BFF;
	s21 =	sshll.u32 s6, $0x1;
	s3 =	sadd.s32 s4, s19  }
0x9c: {  	s7 =	simm.s32 $0x0;
	s20 =	sshll.u32 s5, $0x1;
	s5 =	sadd.s32 s21, s3  }
0x9d: {  	[timem:s7], [sflag:s22] =	dma.local [hbm:s5], s20  }
0x9e: {  	_ =	swait.ge [sflag:s22], s20  }
0x9f: {  	s4 =	ssub.s32 $0x0, s20;
	[sflag:s22] =	ssyncset.done $0x0  }
0xa0: {  	[sflag:s22] =	ssyncadd.s32 s4;
	_ =	sdelay $0x1  }
0xa1: {  	s23 =	simm.s32 $0x1B8B  }
0xa2: {  	_ =	swait.ge [sflag:s23], $0x1  }
0xa3: {  	[sflag:s23] =	ssyncset.done $0x0  }
0xa4: {  	s25 =	simm.s32 $0x1B8E;
	s24 =	sld [smem:$0x3FFE];
	[sflag:s23] =	ssyncadd.s32 $0xFFFFFFFF  }
0xa5: {  	s26 =	simm.s32 $execute0_lowered;
	[smem:$0x3FD2] =	sst s25  }
0xa6: {  	s5 =	sshll.u32 s26, $0x1;
	_ =	strace $0x80000046;
	[dreg:$0x1] =	wrdreg $0xFFFFFFFF  }
0xa7: {  	s28 =	simm.s32 $_size_execute0_lowered;
	s3 =	sadd.s32 s3, s5;
	[dreg:$0x0] =	wrdreg $0x0  }
0xa8: {  	s5 =	sshll.u32 s28, $0x1;
	[dreg:$0x2] =	wrdreg s3  }
0xa9: {  	[dreg:$0x3] =	wrdreg s5  }
0xaa: {  	[dreg:$0x4] =	wrdreg $0xC0  }
0xab: {  	_ =	task [dreg:s7], $0x5FFFF  }
0xac: {  	[dreg:$0x1] =	wrdreg $0xFFFFFFFF  }
0xad: {  	[dreg:$0x0] =	wrdreg $0x60  }
0xae: {  	[dreg:$0x2] =	wrdreg s24  }
0xaf: {  	[dreg:$0x3] =	wrdreg s2  }
0xb0: {  	[dreg:$0x4] =	wrdreg $0x9  }
0xb1: {  	_ =	task.clear_ibuf [dreg:s7], $0x5FFFF;
	_ =	strace $0x90000046  }
0xb2: {  	s29 =	simm.s32 $0x9;
	_ =	strace $0x80000048  }
0xb3: {  	_ =	swait.ge [sflag:s29], $0x1  }
0xb4: {  	[sflag:s29] =	ssyncadd.s32 $0xFFFFFFFF  }
0xb5: {  	_ =	strace $0x90000048  }
0xb6: {  	_ =	sfence  }
0xb7: {  	s30 =	sld [smem:$0x0];
	_ =	sdelay $0x2  }
0xb8: {  	s31 =	sshll.u32 s1, $0xD;
	s1 =	sshrl.u32 s1, $0x2  }
0xb9: {  	s3 =	sand.u32 $0x4000, s31;
	s1 =	sadd.s32 s1, s30  }
0xba: {  	s0 =	sor.u32 s3, s0;
	s1 =	sshll.u32 s1, $0x11  }
0xbb: {  	s0 =	sor.u32 s1, s0  }
0xbc: {  	s0 =	sadd.s32 $0x8F2B, s0  }
0xbd: {  	[sflag:s0] =	ssyncadd.remote.s32 $0x1  }
0xbe: {  	_ =	sfence.sel $0xFFFF  }
0xbf: {  	[dreg:$0x0] =	wrdreg $0xFFFFFFFF;
	(pc) =	sbr.abs _section_cstart, $3  }
0xc0: {  	[dreg:$0x1] =	wrdreg $0xFFFFFFFF  }
0xc1: {  	_ =	task.clear_ibuf [dreg:s7], $0x2FFFF;
	_ =	strace $0x9FFFFFFF  }
0xc2: {  	(tm) =	ssettm $0x7FFFFFFF  }
0xc3: {  	_ =	shalt  }
tec
execute0_lowered:
.L_overlay_start_1:
0x0: {  	(tag) =	ssettag $0x1  }
0x1: {  	s3 =	rddreg [dreg:$0x0];
	s1 =	srdreg.scid  }
0x2: {  	s0 =	stileid.u32;
	s4 =	rddreg [dreg:$0x1]  }
0x3: {  	s8 =	simm.s32 $0x0;
	s5 =	sand.u32 $0x1, s1;
	s2 =	sshll.u32 s0, $0x1  }
0x4: {  	s6 =	sor.u32 s5, s2;
	s2 =	simm.s32 $0x0;
	s5 =	ssub.s32 $0x2, s5  }
0x5: {  	s6 =	smul.u32 $0x4E2, s6;
	[smem:$0x7FF] =	sst s2;
	s7 =	sshrl.u32 s5, $0x1  }
0x6: {  	s1 =	rddreg [dreg:$0x2];
	_ =	strace $0x80000047;
	s5 =	ssub.s32 s5, s7  }
0x7: {  	s7 =	simm.s32 $0x2780;
	s3 =	sadd.s32 s6, s3;
	s4 =	sadd.s32 s4, s6  }
0x8: {  	v0 =	vimm.f32 $0.0e+00;
	v1 =	vimm.f32 $1.000000000e+00;
	s5 =	smax.u32 s5, $0x1;
	s6 =	simm.s32 $0x1;
	s3 =	sadd.s32 $0xBE00, s3  }
.LBB2_1:
0x9: {  	[tilespmem:s2], [sflag:$0x1] =	stream.linear.gather [hbm4b:s3+s2], $0x2710, $0x38;
	[tilespmem:$0x4F00] =	vst v63  }
0xa: {  	_ =	swait.ge [sflag:s6], $0x2710  }
0xb: {  	[sflag:s6] =	ssyncset.done $0x0  }
0xc: {  	s9 =	simm.s32 $0x0;
	[sflag:s6] =	ssyncadd.s32 $0xFFFFD8F0  }
.LBB2_2:
0xd: {  	p0 =	sne.s32 s9, $0x9C00  }
.Ltmp0:
0xe: {  	_ = 	snop;
	(pc) =	sbr.rel @p0 .LBB2_2-.Ltmp0, $3  }
0xf: {  	_ =	sdelay $0x1  }
0x10: {  	s10 =	sshra.s32 s9, $0x2  }
0x11: {  	s9 =	sadd.s32 $0x40, s9;
	[tilespmem:s10+$0x2780] =	vst v0  }
0x12: {  	s10 =	simm.s32 $0x0;
	s9 =	simm.s32 $0x40  }
.LBB2_4:
0x13: {  	p0 =	sne.s32 s9, $0x9C00;
	v2 =	vld [tilespmem:s10+$0x0];
	_ =	sdelay $0x3  }
.Ltmp1:
0x14: {  	(pc) =	sbr.rel @p0 .LBB2_4-.Ltmp1, $2  }
0x15: {  	_ =	sdelay $0x2  }
0x16: {  	s10 =	sshra.s32 s9, $0x2;
	s9 =	sadd.s32 $0x40, s9;
	[tilespmem:v2+s7+$0x0] =	vst.idx.add.f32.msk $0xffff, v1  }
0x17: {  	v2 =	vld [tilespmem:s10+$0x0];
	_ =	sdelay $0x5  }
0x18: {  	s8 =	sadd.s32 $0x1, s8  }
0x19: {  	p0 =	sne.s32 s8, s5  }
.Ltmp2:
0x1a: {  	[tilespmem:v2+s7+$0x0] =	vst.idx.add.f32.msk $0xffff, v1;
	(pc) =	sbr.rel @p0 .LBB2_1-.Ltmp2, $4  }
0x1b: {  	[hbm4b:s4+s2] =	stream.linear.scatter [tilespmem:s7], [sflag:$0x1], $0x2710, $0x38;
	[tilespmem:$0x4F00] =	vst v63  }
0x1c: {  	_ =	swait.ge [sflag:s6], $0x2710  }
0x1d: {  	[sflag:s6] =	ssyncset.done $0x0  }
0x1e: {  	[sflag:s6] =	ssyncadd.s32 $0xFFFFD8F0  }
0x1f: {  	_ =	sfence.sel $0x180000  }
0x20: {  	[bflag:$0x0] =	sbarrier.arrive $0xFFFF  }
0x21: {  	p0 =	sne.s32 s0, $0x0;
	_ =	strace $0x90000047  }
0x22: {  	s0 =	sadd.s32 @!p0 $0x100000, s1;
	[bflag:$0x2] =	sbarrier.arrive $0xFFFF  }
0x23: {  	[sflag:s0] =	ssyncadd.tile.s32 @!p0 $0x1;
	_ =	shalt  }
.Lfunc_end2:
_tile_overlayer_lowered:
.L_overlay_start_2:
0x24: {  	(tag) =	ssettag $0x2  }
0x25: {  	s0 =	rddreg [dreg:$0x0];
	s2 =	stileid.u32  }
0x26: {  	s1 =	rddreg [dreg:$0x1];
	p0 =	sne.s32 s2, $0x0  }
0x27: {  	s3 =	rddreg [dreg:$0x2];
	[bflag:$0x3] =	sbarrier.arrive $0xFFFF;
	s2 =	simm.s32 @!p0 $0x1C01  }
0x28: {  	[timem:s3], [sflag:s2] =	dma.local @!p0 [hbm:s0], s1  }
0x29: {  	s0 =	simm.s32 @!p0 $0x1  }
0x2a: {  	_ =	swait.ge @!p0 [sflag:s0], s1  }
0x2b: {  	s1 =	ssub.s32 @!p0 $0x0, s1;
	[sflag:s0] =	ssyncset.done @!p0 $0x0  }
0x2c: {  	[sflag:s0] =	ssyncadd.s32 @!p0 s1  }
0x2d: {  	[bflag:$0x3] =	sbarrier.arrive $0xFFFF  }
0x2e: {  	_ =	shalt  }

</sc_bundles>
